<compile_context>
chip_gen: v7x
topology: tpu7x:2x2x1
jax: 0.10.2.dev20260603
libtpu: 0.0.44.dev20260713+nightly
codegen_flags: <defaults>
</compile_context>

<pallas_src>
import functools
import jax
import jax.numpy as jnp
import numpy as np
from itertools import combinations
from jax import lax
from jax.experimental import pallas as pl
from jax.experimental.pallas import tpu as pltpu
from jax.experimental.pallas import tpu_sc as plsc

_NF = 26
_ED = 64
_B = 4096
_FP = 32
_Q = _NF * _FP
_L = 16
_NW = 32
_NG = _B // _L
_GPW = _NG // _NW
_QL = _Q * _L
_XW = _NF * _ED * _L

_pairs = list(combinations(range(_NF), 2))
_COLS_NP = np.array([p[0] for p in _pairs], dtype=np.int32)
_ROWS_NP = np.array([p[1] for p in _pairs], dtype=np.int32)
_QIDX_NP = _ROWS_NP * _FP + _COLS_NP


def _sc_moments_body(xg_hbm, inter_hbm, s1_hbm, s2_hbm, xbuf, interbuf, s1buf, s2buf, pacc):
    wid = lax.axis_index("s") * 2 + lax.axis_index("c")
    zv = jnp.zeros((_L,), jnp.float32)

    def zero_body(q, _):
        s1buf[pl.ds(q * _L, _L)] = zv
        s2buf[pl.ds(q * _L, _L)] = zv
        return 0

    lax.fori_loop(0, _Q, zero_body, 0, unroll=False)

    def group_body(gl, _):
        grp = wid * _GPW + gl
        pltpu.sync_copy(xg_hbm.at[grp], xbuf)

        def j_body(j, _):
            for dc in range(_ED // _L):
                xj = [xbuf[pl.ds((j * _ED + dc * _L + t) * _L, _L)] for t in range(_L)]

                def i_body(i, _):
                    s = xbuf[pl.ds((i * _ED + dc * _L) * _L, _L)] * xj[0]
                    for t in range(1, _L):
                        s = s + xbuf[pl.ds((i * _ED + dc * _L + t) * _L, _L)] * xj[t]
                    if dc == 0:
                        pacc[pl.ds(i * _L, _L)] = s
                    else:
                        pacc[pl.ds(i * _L, _L)] = pacc[pl.ds(i * _L, _L)] + s
                    return 0

                lax.fori_loop(0, j, i_body, 0, unroll=False)

            def stat_body(i, _):
                v = pacc[pl.ds(i * _L, _L)]
                q = j * _FP + i
                interbuf[pl.ds(q * _L, _L)] = v
                s1buf[pl.ds(q * _L, _L)] = s1buf[pl.ds(q * _L, _L)] + v
                s2buf[pl.ds(q * _L, _L)] = s2buf[pl.ds(q * _L, _L)] + v * v
                return 0

            lax.fori_loop(0, j, stat_body, 0, unroll=False)
            return 0

        lax.fori_loop(1, _NF, j_body, 0, unroll=False)
        pltpu.sync_copy(interbuf, inter_hbm.at[grp])
        return 0

    lax.fori_loop(0, _GPW, group_body, 0, unroll=False)
    pltpu.sync_copy(s1buf, s1_hbm.at[wid])
    pltpu.sync_copy(s2buf, s2_hbm.at[wid])


def _chunk_total(t):
    for step in (8, 4, 2, 1):
        t = t + jnp.roll(t, -step, axis=1)
    lane = jax.lax.broadcasted_iota(jnp.int32, (1, _QL), 1)
    for step in (1, 2, 4, 8):
        t = jnp.where(lane % (2 * step) < step, t, jnp.roll(t, step, axis=1))
    return t


def _finalize_kernel(s1p_ref, s2p_ref, wm_ref, gm_ref, bm_ref, alphav_ref, cvec_ref):
    s1 = _chunk_total(jnp.sum(s1p_ref[...], axis=0, keepdims=True))
    s2 = _chunk_total(jnp.sum(s2p_ref[...], axis=0, keepdims=True))
    mean = s1 * (1.0 / _B)
    var = s2 * (1.0 / _B) - mean * mean
    rstd = jax.lax.rsqrt(var + 1e-5)
    wm = wm_ref[...]
    gm = gm_ref[...]
    bm = bm_ref[...]
    alpha = wm * gm * rstd
    cval = jnp.sum(wm * (bm - gm * mean * rstd)) * (1.0 / _L)
    alphav_ref[...] = alpha
    cvec_ref[...] = jnp.broadcast_to(cval.reshape(1, 1), (1, _L))


def _sc_out_body(inter_hbm, alphav_hbm, cvec_hbm, out_hbm, ibuf, abuf, cbuf, obuf):
    wid = lax.axis_index("s") * 2 + lax.axis_index("c")
    pltpu.sync_copy(alphav_hbm, abuf)
    pltpu.sync_copy(cvec_hbm, cbuf)

    def group_body(gl, _):
        grp = wid * _GPW + gl
        pltpu.sync_copy(inter_hbm.at[grp], ibuf)
        obuf[...] = cbuf[...]

        def j_body(j, _):
            def i_body(i, _):
                q = j * _FP + i
                obuf[...] = obuf[...] + abuf[pl.ds(q * _L, _L)] * ibuf[pl.ds(q * _L, _L)]
                return 0

            lax.fori_loop(0, j, i_body, 0, unroll=False)
            return 0

        lax.fori_loop(1, _NF, j_body, 0, unroll=False)
        pltpu.sync_copy(obuf, out_hbm.at[pl.ds(grp * _L, _L)])
        return 0

    lax.fori_loop(0, _GPW, group_body, 0, unroll=False)


def kernel(x, bn_gamma, bn_beta, edge_weights):
    xg = jnp.transpose(x.reshape(_NG, _L, _NF, _ED), (0, 2, 3, 1)).reshape(_NG, _XW)

    def scat(v):
        m = jnp.zeros((_Q,), jnp.float32).at[_QIDX_NP].set(v)
        return jnp.broadcast_to(m.reshape(_Q, 1), (_Q, _L)).reshape(1, _QL)

    wm = scat(edge_weights)
    gm = scat(bn_gamma)
    bm = scat(bn_beta)

    mesh = plsc.VectorSubcoreMesh(core_axis_name="c", subcore_axis_name="s")

    moments = functools.partial(
        pl.kernel,
        mesh=mesh,
        out_type=[
            jax.ShapeDtypeStruct((_NG, _QL), jnp.float32),
            jax.ShapeDtypeStruct((_NW, _QL), jnp.float32),
            jax.ShapeDtypeStruct((_NW, _QL), jnp.float32),
        ],
        scratch_types=[
            pltpu.VMEM((_XW,), jnp.float32),
            pltpu.VMEM((_QL,), jnp.float32),
            pltpu.VMEM((_QL,), jnp.float32),
            pltpu.VMEM((_QL,), jnp.float32),
            pltpu.VMEM((_FP * _L,), jnp.float32),
        ],
    )(_sc_moments_body)
    inter, s1p, s2p = moments(xg)

    alphav, cvec = pl.pallas_call(
        _finalize_kernel,
        in_specs=[
            pl.BlockSpec((_NW, _QL), lambda: (0, 0)),
            pl.BlockSpec((_NW, _QL), lambda: (0, 0)),
            pl.BlockSpec((1, _QL), lambda: (0, 0)),
            pl.BlockSpec((1, _QL), lambda: (0, 0)),
            pl.BlockSpec((1, _QL), lambda: (0, 0)),
        ],
        out_specs=[
            pl.BlockSpec((1, _QL), lambda: (0, 0)),
            pl.BlockSpec((1, _L), lambda: (0, 0)),
        ],
        out_shape=[
            jax.ShapeDtypeStruct((1, _QL), jnp.float32),
            jax.ShapeDtypeStruct((1, _L), jnp.float32),
        ],
    )(s1p, s2p, wm, gm, bm)

    out = functools.partial(
        pl.kernel,
        mesh=mesh,
        out_type=jax.ShapeDtypeStruct((_B,), jnp.float32),
        scratch_types=[
            pltpu.VMEM((_QL,), jnp.float32),
            pltpu.VMEM((_QL,), jnp.float32),
            pltpu.VMEM((_L,), jnp.float32),
            pltpu.VMEM((_L,), jnp.float32),
        ],
    )(_sc_out_body)(inter, alphav.reshape(_QL), cvec.reshape(_L))

    return out.reshape(_B, 1)

# --- scband reference (transcript-rebuilt; emitter-appended) ---
"""Pipeline reference for scband-level-2-matrix-30502857736458 (READ-ONLY COPY).

The authoritative reference and input builder live on the scoring server;
editing this copy changes nothing except your own understanding.
"""

import jax, jax.numpy as jnp
import numpy as np
from itertools import combinations

NUM_FIELDS = 26
EMBED_DIM = 64
BATCH = 4096

def _generate_pairs(n):
    pairs = list(combinations(range(n), 2))
    cols = np.array([p[0] for p in pairs], dtype=np.int32)
    rows = np.array([p[1] for p in pairs], dtype=np.int32)
    return cols, rows

COLS, ROWS = _generate_pairs(NUM_FIELDS)
P = len(COLS)  # 325

def setup_inputs(seed: int = 0) -> dict:
    key = jax.random.key(seed)
    k1, k2 = jax.random.split(key)
    x = jax.random.normal(k1, (BATCH, NUM_FIELDS, EMBED_DIM), dtype=jnp.float32)
    # BatchNorm1d learnable params (default init: weight=1, bias=0)
    bn_gamma = jnp.ones((P,), dtype=jnp.float32)
    bn_beta = jnp.zeros((P,), dtype=jnp.float32)
    # edge_weights ~ U(weight_base-0.001, weight_base+0.001), weight_base=0.6
    edge_weights = 0.599 + 0.002 * jax.random.uniform(k2, (P,), dtype=jnp.float32)
    return {"x": x, "bn_gamma": bn_gamma, "bn_beta": bn_beta, "edge_weights": edge_weights}

def reference(x, bn_gamma, bn_beta, edge_weights):
    rows = jnp.asarray(ROWS)
    cols = jnp.asarray(COLS)
    # left/right gather over field axis: [B, P, D]
    left = jnp.take(x, rows, axis=1)
    right = jnp.take(x, cols, axis=1)
    inter = jnp.sum(left * right, axis=-1)  # [B, P]
    # BatchNorm1d in training mode: batch statistics, biased variance, eps=1e-5
    mean = jnp.mean(inter, axis=0, keepdims=True)
    var = jnp.var(inter, axis=0, keepdims=True)
    normed = (inter - mean) / jnp.sqrt(var + 1e-5)
    normed = normed * bn_gamma[None, :] + bn_beta[None, :]
    masked = normed * edge_weights[None, :]
    fm_out = jnp.sum(masked, axis=-1, keepdims=True)  # [B, 1]
    return fm_out

if __name__ == "__main__":
    import jax
    _d = setup_inputs()
    print(jax.jit(kernel)(*tuple(_d.values())))

</pallas_src>

<mosaic_0001>
#map = affine_map<(d0, d1) -> (0, 0)>
#map1 = affine_map<(d0, d1) -> (0)>
module attributes {stable_mosaic.version = 14 : i64} {
  func.func @_sc_out_body(%arg0: i32, %arg1: i32, %arg2: memref<256x13312xf32, #tpu.memory_space<hbm>>, %arg3: memref<13312xf32, #tpu.memory_space<hbm>>, %arg4: memref<16xf32, #tpu.memory_space<hbm>>, %arg5: memref<4096xf32, #tpu.memory_space<hbm>>, %arg6: memref<13312xf32, #tpu.memory_space<vmem>>, %arg7: memref<13312xf32, #tpu.memory_space<vmem>>, %arg8: memref<16xf32, #tpu.memory_space<vmem>>, %arg9: memref<16xf32, #tpu.memory_space<vmem>>) attributes {dimension_semantics = [#tpu.dimension_semantics<core_parallel>, #tpu.dimension_semantics<subcore_parallel>], iteration_bounds = array<i64: 2, 16>, scalar_prefetch = 0 : i64, scratch_operands = 4 : i64, tpu.core_type = #tpu.core_type<sc_vector_subcore>, window_params = [{transform_indices = #map}, {transform_indices = #map1}, {transform_indices = #map1}, {transform_indices = #map1}]} {
    %mul3A = arith.constant 2 : i32
    %mul3A_0 = arith.muli %arg1, %mul3A : i32
    %add3A = arith.addi %mul3A_0, %arg0 : i32
    "tpu.region"() ({
      %run_scoped3A = tpu.sem_alloc : memref<!tpu.dma_semaphore, #tpu.memory_space<semaphore_mem>>
      tpu.enqueue_dma source(%arg3 : memref<13312xf32, #tpu.memory_space<hbm>>) target(%arg7 : memref<13312xf32, #tpu.memory_space<vmem>>) target_semaphore(%run_scoped3A : memref<!tpu.dma_semaphore, #tpu.memory_space<semaphore_mem>>)
      tpu.wait_dma2 semaphore(%run_scoped3A : memref<!tpu.dma_semaphore, #tpu.memory_space<semaphore_mem>>) src(%arg3 : memref<13312xf32, #tpu.memory_space<hbm>>) dst(%arg7 : memref<13312xf32, #tpu.memory_space<vmem>>)
      tpu.yield
    }) : () -> ()
    "tpu.region"() ({
      %run_scoped3A = tpu.sem_alloc : memref<!tpu.dma_semaphore, #tpu.memory_space<semaphore_mem>>
      tpu.enqueue_dma source(%arg4 : memref<16xf32, #tpu.memory_space<hbm>>) target(%arg8 : memref<16xf32, #tpu.memory_space<vmem>>) target_semaphore(%run_scoped3A : memref<!tpu.dma_semaphore, #tpu.memory_space<semaphore_mem>>)
      tpu.wait_dma2 semaphore(%run_scoped3A : memref<!tpu.dma_semaphore, #tpu.memory_space<semaphore_mem>>) src(%arg4 : memref<16xf32, #tpu.memory_space<hbm>>) dst(%arg8 : memref<16xf32, #tpu.memory_space<vmem>>)
      tpu.yield
    }) : () -> ()
    %scan3A = arith.constant 0 : i32
    %scan3A_1 = arith.constant 0 : i32
    %scan3A_2 = arith.constant 8 : i32
    %scan3A_3 = arith.addi %scan3A_1, %scan3A_2 : i32
    %scan3A_4 = arith.constant 1 : i32
    %scan3A_5 = scf.for %scan3A_7 = %scan3A_1 to %scan3A_3 step %scan3A_4 iter_args(%scan3A_8 = %scan3A) -> (i32)  : i32 {
      %mul3A_9 = arith.constant 8 : i32
      %mul3A_10 = arith.muli %add3A, %mul3A_9 : i32
      %add3A_11 = arith.addi %mul3A_10, %scan3A_7 : i32
      "tpu.region"() ({
        %run_scoped3A = tpu.sem_alloc : memref<!tpu.dma_semaphore, #tpu.memory_space<semaphore_mem>>
        %dma_start3A = arith.constant 0 : i32
        %dma_start3A_27 = tpu.memref_slice %arg2[%add3A_11, %dma_start3A] : memref<256x13312xf32, #tpu.memory_space<hbm>> -> memref<1x13312xf32, #tpu.memory_space<hbm>>
        %dma_start3A_28 = tpu.memref_squeeze %dma_start3A_27 : memref<1x13312xf32, #tpu.memory_space<hbm>> -> memref<13312xf32, #tpu.memory_space<hbm>>
        %dma_start3A_29 = arith.constant 0 : i32
        %dma_start3A_30 = tpu.memref_slice %arg2[%add3A_11, %dma_start3A_29] : memref<256x13312xf32, #tpu.memory_space<hbm>> -> memref<1x13312xf32, #tpu.memory_space<hbm>>
        %dma_start3A_31 = tpu.memref_squeeze %dma_start3A_30 : memref<1x13312xf32, #tpu.memory_space<hbm>> -> memref<13312xf32, #tpu.memory_space<hbm>>
        tpu.enqueue_dma source(%dma_start3A_31 : memref<13312xf32, #tpu.memory_space<hbm>>) target(%arg6 : memref<13312xf32, #tpu.memory_space<vmem>>) target_semaphore(%run_scoped3A : memref<!tpu.dma_semaphore, #tpu.memory_space<semaphore_mem>>)
        %dma_wait3A = arith.constant 0 : i32
        %dma_wait3A_32 = tpu.memref_slice %arg2[%add3A_11, %dma_wait3A] : memref<256x13312xf32, #tpu.memory_space<hbm>> -> memref<1x13312xf32, #tpu.memory_space<hbm>>
        %dma_wait3A_33 = tpu.memref_squeeze %dma_wait3A_32 : memref<1x13312xf32, #tpu.memory_space<hbm>> -> memref<13312xf32, #tpu.memory_space<hbm>>
        %dma_wait3A_34 = arith.constant 0 : i32
        %dma_wait3A_35 = tpu.memref_slice %arg2[%add3A_11, %dma_wait3A_34] : memref<256x13312xf32, #tpu.memory_space<hbm>> -> memref<1x13312xf32, #tpu.memory_space<hbm>>
        %dma_wait3A_36 = tpu.memref_squeeze %dma_wait3A_35 : memref<1x13312xf32, #tpu.memory_space<hbm>> -> memref<13312xf32, #tpu.memory_space<hbm>>
        tpu.wait_dma2 semaphore(%run_scoped3A : memref<!tpu.dma_semaphore, #tpu.memory_space<semaphore_mem>>) src(%dma_wait3A_36 : memref<13312xf32, #tpu.memory_space<hbm>>) dst(%arg6 : memref<13312xf32, #tpu.memory_space<vmem>>)
        tpu.yield
      }) : () -> ()
      %get3A = arith.constant 0 : index
      %get3A_12 = tpu.vector_load %arg8[%get3A] {strides = array<i32>} : memref<16xf32, #tpu.memory_space<vmem>>, vector<16xf32>,
      %get3A_13 = vector.shape_cast %get3A_12 : vector<16xf32> to vector<16xf32>
      %swap3A = arith.constant 0 : index
      %swap3A_14 = tpu.vector_load %arg9[%swap3A] {strides = array<i32>} : memref<16xf32, #tpu.memory_space<vmem>>, vector<16xf32>,
      %swap3A_15 = vector.shape_cast %swap3A_14 : vector<16xf32> to vector<16xf32>
      %swap3A_16 = vector.shape_cast %get3A_13 : vector<16xf32> to vector<16xf32>
      tpu.vector_store %arg9[%swap3A], %swap3A_16 {strides = array<i32>} : memref<16xf32, #tpu.memory_space<vmem>>, vector<16xf32>,
      %scan3A_17 = arith.constant 0 : i32
      %scan3A_18 = arith.constant 1 : i32
      %scan3A_19 = arith.constant 25 : i32
      %scan3A_20 = arith.addi %scan3A_18, %scan3A_19 : i32
      %scan3A_21 = arith.constant 1 : i32
      %scan3A_22 = scf.for %scan3A_27 = %scan3A_18 to %scan3A_20 step %scan3A_21 iter_args(%scan3A_28 = %scan3A_17) -> (i32)  : i32 {
        %while3A = arith.constant 0 : i32
        %while3A_29 = arith.constant 0 : i32
        %while3A_30 = arith.subi %scan3A_27, %while3A : i32
        %while3A_31 = arith.addi %while3A, %while3A_30 : i32
        %while3A_32 = arith.constant 1 : i32
        %while3A_33 = arith.divsi %while3A_30, %while3A_32 : i32
        %while3A_34 = arith.muli %while3A_33, %while3A_32 : i32
        %while3A_35 = arith.addi %while3A, %while3A_34 : i32
        %while3A_36 = arith.constant 1 : i32
        %while3A_37 = scf.for %while3A_41 = %while3A to %while3A_35 step %while3A_36 iter_args(%while3A_42 = %while3A_29) -> (i32)  : i32 {
          %mul3A_43 = arith.constant 32 : i32
          %mul3A_44 = arith.muli %scan3A_27, %mul3A_43 : i32
          %add3A_45 = arith.addi %mul3A_44, %while3A_41 : i32
          %get3A_46 = arith.constant 0 : index
          %get3A_47 = tpu.vector_load %arg9[%get3A_46] {strides = array<i32>} : memref<16xf32, #tpu.memory_space<vmem>>, vector<16xf32>,
          %get3A_48 = vector.shape_cast %get3A_47 : vector<16xf32> to vector<16xf32>
          %mul3A_49 = arith.constant 16 : i32
          %mul3A_50 = arith.muli %add3A_45, %mul3A_49 : i32
          %get3A_51 = arith.index_cast %mul3A_50 : i32 to index
          %get3A_52 = tpu.vector_load %arg7[%get3A_51] {strides = array<i32>} : memref<13312xf32, #tpu.memory_space<vmem>>, vector<16xf32>,
          %get3A_53 = vector.shape_cast %get3A_52 : vector<16xf32> to vector<16xf32>
          %mul3A_54 = arith.constant 16 : i32
          %mul3A_55 = arith.muli %add3A_45, %mul3A_54 : i32
          %get3A_56 = arith.index_cast %mul3A_55 : i32 to index
          %get3A_57 = tpu.vector_load %arg6[%get3A_56] {strides = array<i32>} : memref<13312xf32, #tpu.memory_space<vmem>>, vector<16xf32>,
          %get3A_58 = vector.shape_cast %get3A_57 : vector<16xf32> to vector<16xf32>
          %mul3A_59 = arith.mulf %get3A_53, %get3A_58 : vector<16xf32>
          %add3A_60 = arith.addf %get3A_48, %mul3A_59 : vector<16xf32>
          %swap3A_61 = arith.constant 0 : index
          %swap3A_62 = tpu.vector_load %arg9[%swap3A_61] {strides = array<i32>} : memref<16xf32, #tpu.memory_space<vmem>>, vector<16xf32>,
          %swap3A_63 = vector.shape_cast %swap3A_62 : vector<16xf32> to vector<16xf32>
          %swap3A_64 = vector.shape_cast %add3A_60 : vector<16xf32> to vector<16xf32>
          tpu.vector_store %arg9[%swap3A_61], %swap3A_64 {strides = array<i32>} : memref<16xf32, #tpu.memory_space<vmem>>, vector<16xf32>,
          %while3A_65 = arith.constant 0 : i32
          scf.yield %while3A_65 : i32
        }
        %while3A_38 = arith.constant 1 : i32
        %while3A_39 = scf.for %while3A_41 = %while3A_35 to %while3A_31 step %while3A_38 iter_args(%while3A_42 = %while3A_37) -> (i32)  : i32 {
          %mul3A_43 = arith.constant 32 : i32
          %mul3A_44 = arith.muli %scan3A_27, %mul3A_43 : i32
          %add3A_45 = arith.addi %mul3A_44, %while3A_41 : i32
          %get3A_46 = arith.constant 0 : index
          %get3A_47 = tpu.vector_load %arg9[%get3A_46] {strides = array<i32>} : memref<16xf32, #tpu.memory_space<vmem>>, vector<16xf32>,
          %get3A_48 = vector.shape_cast %get3A_47 : vector<16xf32> to vector<16xf32>
          %mul3A_49 = arith.constant 16 : i32
          %mul3A_50 = arith.muli %add3A_45, %mul3A_49 : i32
          %get3A_51 = arith.index_cast %mul3A_50 : i32 to index
          %get3A_52 = tpu.vector_load %arg7[%get3A_51] {strides = array<i32>} : memref<13312xf32, #tpu.memory_space<vmem>>, vector<16xf32>,
          %get3A_53 = vector.shape_cast %get3A_52 : vector<16xf32> to vector<16xf32>
          %mul3A_54 = arith.constant 16 : i32
          %mul3A_55 = arith.muli %add3A_45, %mul3A_54 : i32
          %get3A_56 = arith.index_cast %mul3A_55 : i32 to index
          %get3A_57 = tpu.vector_load %arg6[%get3A_56] {strides = array<i32>} : memref<13312xf32, #tpu.memory_space<vmem>>, vector<16xf32>,
          %get3A_58 = vector.shape_cast %get3A_57 : vector<16xf32> to vector<16xf32>
          %mul3A_59 = arith.mulf %get3A_53, %get3A_58 : vector<16xf32>
          %add3A_60 = arith.addf %get3A_48, %mul3A_59 : vector<16xf32>
          %swap3A_61 = arith.constant 0 : index
          %swap3A_62 = tpu.vector_load %arg9[%swap3A_61] {strides = array<i32>} : memref<16xf32, #tpu.memory_space<vmem>>, vector<16xf32>,
          %swap3A_63 = vector.shape_cast %swap3A_62 : vector<16xf32> to vector<16xf32>
          %swap3A_64 = vector.shape_cast %add3A_60 : vector<16xf32> to vector<16xf32>
          tpu.vector_store %arg9[%swap3A_61], %swap3A_64 {strides = array<i32>} : memref<16xf32, #tpu.memory_space<vmem>>, vector<16xf32>,
          %while3A_65 = arith.constant 0 : i32
          scf.yield %while3A_65 : i32
        }
        %scan3A_40 = arith.constant 0 : i32
        scf.yield %scan3A_40 : i32
      }
      %scan3A_23 = arith.constant 25 : i32
      %mul3A_24 = arith.constant 16 : i32
      %mul3A_25 = arith.muli %add3A_11, %mul3A_24 : i32
      "tpu.region"() ({
        %run_scoped3A = tpu.sem_alloc : memref<!tpu.dma_semaphore, #tpu.memory_space<semaphore_mem>>
        %dma_start3A = tpu.memref_slice %arg5[%mul3A_25] : memref<4096xf32, #tpu.memory_space<hbm>> -> memref<16xf32, #tpu.memory_space<hbm>>
        %dma_start3A_27 = tpu.memref_slice %arg5[%mul3A_25] : memref<4096xf32, #tpu.memory_space<hbm>> -> memref<16xf32, #tpu.memory_space<hbm>>
        tpu.enqueue_dma source(%arg9 : memref<16xf32, #tpu.memory_space<vmem>>) target(%dma_start3A_27 : memref<16xf32, #tpu.memory_space<hbm>>) target_semaphore(%run_scoped3A : memref<!tpu.dma_semaphore, #tpu.memory_space<semaphore_mem>>)
        %dma_wait3A = tpu.memref_slice %arg5[%mul3A_25] : memref<4096xf32, #tpu.memory_space<hbm>> -> memref<16xf32, #tpu.memory_space<hbm>>
        %dma_wait3A_28 = tpu.memref_slice %arg5[%mul3A_25] : memref<4096xf32, #tpu.memory_space<hbm>> -> memref<16xf32, #tpu.memory_space<hbm>>
        tpu.wait_dma2 semaphore(%run_scoped3A : memref<!tpu.dma_semaphore, #tpu.memory_space<semaphore_mem>>) src(%arg9 : memref<16xf32, #tpu.memory_space<vmem>>) dst(%dma_wait3A_28 : memref<16xf32, #tpu.memory_space<hbm>>)
        tpu.yield
      }) : () -> ()
      %scan3A_26 = arith.constant 0 : i32
      scf.yield %scan3A_26 : i32
    }
    %scan3A_6 = arith.constant 8 : i32
    return
  }
}

#map = affine_map<(d0, d1) -> (0, 0)>
module attributes {stable_mosaic.version = 14 : i64} {
  func.func @_sc_moments_body(%arg0: i32, %arg1: i32, %arg2: memref<256x26624xf32, #tpu.memory_space<hbm>>, %arg3: memref<256x13312xf32, #tpu.memory_space<hbm>>, %arg4: memref<32x13312xf32, #tpu.memory_space<hbm>>, %arg5: memref<32x13312xf32, #tpu.memory_space<hbm>>, %arg6: memref<26624xf32, #tpu.memory_space<vmem>>, %arg7: memref<13312xf32, #tpu.memory_space<vmem>>, %arg8: memref<13312xf32, #tpu.memory_space<vmem>>, %arg9: memref<13312xf32, #tpu.memory_space<vmem>>, %arg10: memref<512xf32, #tpu.memory_space<vmem>>) attributes {dimension_semantics = [#tpu.dimension_semantics<core_parallel>, #tpu.dimension_semantics<subcore_parallel>], iteration_bounds = array<i64: 2, 16>, scalar_prefetch = 0 : i64, scratch_operands = 5 : i64, tpu.core_type = #tpu.core_type<sc_vector_subcore>, window_params = [{transform_indices = #map}, {transform_indices = #map}, {transform_indices = #map}, {transform_indices = #map}]} {
    %mul3A = arith.constant 2 : i32
    %mul3A_0 = arith.muli %arg1, %mul3A : i32
    %add3A = arith.addi %mul3A_0, %arg0 : i32
    %broadcast_in_dim3A = arith.constant 0.000000e+00 : f32
    %broadcast_in_dim3A_1 = vector.broadcast %broadcast_in_dim3A : f32 to vector<16xf32>
    %scan3A = arith.constant 0 : i32
    %scan3A_2 = arith.constant 0 : i32
    %scan3A_3 = arith.constant 832 : i32
    %scan3A_4 = arith.addi %scan3A_2, %scan3A_3 : i32
    %scan3A_5 = arith.constant 1 : i32
    %scan3A_6 = scf.for %scan3A_15 = %scan3A_2 to %scan3A_4 step %scan3A_5 iter_args(%scan3A_16 = %scan3A) -> (i32)  : i32 {
      %mul3A_17 = arith.constant 16 : i32
      %mul3A_18 = arith.muli %scan3A_15, %mul3A_17 : i32
      %swap3A = arith.index_cast %mul3A_18 : i32 to index
      %swap3A_19 = tpu.vector_load %arg8[%swap3A] {strides = array<i32>} : memref<13312xf32, #tpu.memory_space<vmem>>, vector<16xf32>,
      %swap3A_20 = vector.shape_cast %swap3A_19 : vector<16xf32> to vector<16xf32>
      %swap3A_21 = vector.shape_cast %broadcast_in_dim3A_1 : vector<16xf32> to vector<16xf32>
      tpu.vector_store %arg8[%swap3A], %swap3A_21 {strides = array<i32>} : memref<13312xf32, #tpu.memory_space<vmem>>, vector<16xf32>,
      %mul3A_22 = arith.constant 16 : i32
      %mul3A_23 = arith.muli %scan3A_15, %mul3A_22 : i32
      %swap3A_24 = arith.index_cast %mul3A_23 : i32 to index
      %swap3A_25 = tpu.vector_load %arg9[%swap3A_24] {strides = array<i32>} : memref<13312xf32, #tpu.memory_space<vmem>>, vector<16xf32>,
      %swap3A_26 = vector.shape_cast %swap3A_25 : vector<16xf32> to vector<16xf32>
      %swap3A_27 = vector.shape_cast %broadcast_in_dim3A_1 : vector<16xf32> to vector<16xf32>
      tpu.vector_store %arg9[%swap3A_24], %swap3A_27 {strides = array<i32>} : memref<13312xf32, #tpu.memory_space<vmem>>, vector<16xf32>,
      %scan3A_28 = arith.constant 0 : i32
      scf.yield %scan3A_28 : i32
    }
    %scan3A_7 = arith.constant 832 : i32
    %scan3A_8 = arith.constant 0 : i32
    %scan3A_9 = arith.constant 0 : i32
    %scan3A_10 = arith.constant 8 : i32
    %scan3A_11 = arith.addi %scan3A_9, %scan3A_10 : i32
    %scan3A_12 = arith.constant 1 : i32
    %scan3A_13 = scf.for %scan3A_15 = %scan3A_9 to %scan3A_11 step %scan3A_12 iter_args(%scan3A_16 = %scan3A_8) -> (i32)  : i32 {
      %mul3A_17 = arith.constant 8 : i32
      %mul3A_18 = arith.muli %add3A, %mul3A_17 : i32
      %add3A_19 = arith.addi %mul3A_18, %scan3A_15 : i32
      "tpu.region"() ({
        %run_scoped3A = tpu.sem_alloc : memref<!tpu.dma_semaphore, #tpu.memory_space<semaphore_mem>>
        %dma_start3A = arith.constant 0 : i32
        %dma_start3A_28 = tpu.memref_slice %arg2[%add3A_19, %dma_start3A] : memref<256x26624xf32, #tpu.memory_space<hbm>> -> memref<1x26624xf32, #tpu.memory_space<hbm>>
        %dma_start3A_29 = tpu.memref_squeeze %dma_start3A_28 : memref<1x26624xf32, #tpu.memory_space<hbm>> -> memref<26624xf32, #tpu.memory_space<hbm>>
        %dma_start3A_30 = arith.constant 0 : i32
        %dma_start3A_31 = tpu.memref_slice %arg2[%add3A_19, %dma_start3A_30] : memref<256x26624xf32, #tpu.memory_space<hbm>> -> memref<1x26624xf32, #tpu.memory_space<hbm>>
        %dma_start3A_32 = tpu.memref_squeeze %dma_start3A_31 : memref<1x26624xf32, #tpu.memory_space<hbm>> -> memref<26624xf32, #tpu.memory_space<hbm>>
        tpu.enqueue_dma source(%dma_start3A_32 : memref<26624xf32, #tpu.memory_space<hbm>>) target(%arg6 : memref<26624xf32, #tpu.memory_space<vmem>>) target_semaphore(%run_scoped3A : memref<!tpu.dma_semaphore, #tpu.memory_space<semaphore_mem>>)
        %dma_wait3A = arith.constant 0 : i32
        %dma_wait3A_33 = tpu.memref_slice %arg2[%add3A_19, %dma_wait3A] : memref<256x26624xf32, #tpu.memory_space<hbm>> -> memref<1x26624xf32, #tpu.memory_space<hbm>>
        %dma_wait3A_34 = tpu.memref_squeeze %dma_wait3A_33 : memref<1x26624xf32, #tpu.memory_space<hbm>> -> memref<26624xf32, #tpu.memory_space<hbm>>
        %dma_wait3A_35 = arith.constant 0 : i32
        %dma_wait3A_36 = tpu.memref_slice %arg2[%add3A_19, %dma_wait3A_35] : memref<256x26624xf32, #tpu.memory_space<hbm>> -> memref<1x26624xf32, #tpu.memory_space<hbm>>
        %dma_wait3A_37 = tpu.memref_squeeze %dma_wait3A_36 : memref<1x26624xf32, #tpu.memory_space<hbm>> -> memref<26624xf32, #tpu.memory_space<hbm>>
        tpu.wait_dma2 semaphore(%run_scoped3A : memref<!tpu.dma_semaphore, #tpu.memory_space<semaphore_mem>>) src(%dma_wait3A_37 : memref<26624xf32, #tpu.memory_space<hbm>>) dst(%arg6 : memref<26624xf32, #tpu.memory_space<vmem>>)
        tpu.yield
      }) : () -> ()
      %scan3A_20 = arith.constant 0 : i32
      %scan3A_21 = arith.constant 1 : i32
      %scan3A_22 = arith.constant 25 : i32
      %scan3A_23 = arith.addi %scan3A_21, %scan3A_22 : i32
      %scan3A_24 = arith.constant 1 : i32
      %scan3A_25 = scf.for %scan3A_28 = %scan3A_21 to %scan3A_23 step %scan3A_24 iter_args(%scan3A_29 = %scan3A_20) -> (i32)  : i32 {
        %mul3A_30 = arith.constant 64 : i32
        %mul3A_31 = arith.muli %scan3A_28, %mul3A_30 : i32
        %add3A_32 = arith.constant 0 : i32
        %add3A_33 = arith.addi %mul3A_31, %add3A_32 : i32
        %add3A_34 = arith.constant 0 : i32
        %add3A_35 = arith.addi %add3A_33, %add3A_34 : i32
        %mul3A_36 = arith.constant 16 : i32
        %mul3A_37 = arith.muli %add3A_35, %mul3A_36 : i32
        %get3A = arith.index_cast %mul3A_37 : i32 to index
        %get3A_38 = tpu.vector_load %arg6[%get3A] {strides = array<i32>} : memref<26624xf32, #tpu.memory_space<vmem>>, vector<16xf32>,
        %get3A_39 = vector.shape_cast %get3A_38 : vector<16xf32> to vector<16xf32>
        %mul3A_40 = arith.constant 64 : i32
        %mul3A_41 = arith.muli %scan3A_28, %mul3A_40 : i32
        %add3A_42 = arith.constant 0 : i32
        %add3A_43 = arith.addi %mul3A_41, %add3A_42 : i32
        %add3A_44 = arith.constant 1 : i32
        %add3A_45 = arith.addi %add3A_43, %add3A_44 : i32
        %mul3A_46 = arith.constant 16 : i32
        %mul3A_47 = arith.muli %add3A_45, %mul3A_46 : i32
        %get3A_48 = arith.index_cast %mul3A_47 : i32 to index
        %get3A_49 = tpu.vector_load %arg6[%get3A_48] {strides = array<i32>} : memref<26624xf32, #tpu.memory_space<vmem>>, vector<16xf32>,
        %get3A_50 = vector.shape_cast %get3A_49 : vector<16xf32> to vector<16xf32>
        %mul3A_51 = arith.constant 64 : i32
        %mul3A_52 = arith.muli %scan3A_28, %mul3A_51 : i32
        %add3A_53 = arith.constant 0 : i32
        %add3A_54 = arith.addi %mul3A_52, %add3A_53 : i32
        %add3A_55 = arith.constant 2 : i32
        %add3A_56 = arith.addi %add3A_54, %add3A_55 : i32
        %mul3A_57 = arith.constant 16 : i32
        %mul3A_58 = arith.muli %add3A_56, %mul3A_57 : i32
        %get3A_59 = arith.index_cast %mul3A_58 : i32 to index
        %get3A_60 = tpu.vector_load %arg6[%get3A_59] {strides = array<i32>} : memref<26624xf32, #tpu.memory_space<vmem>>, vector<16xf32>,
        %get3A_61 = vector.shape_cast %get3A_60 : vector<16xf32> to vector<16xf32>
        %mul3A_62 = arith.constant 64 : i32
        %mul3A_63 = arith.muli %scan3A_28, %mul3A_62 : i32
        %add3A_64 = arith.constant 0 : i32
        %add3A_65 = arith.addi %mul3A_63, %add3A_64 : i32
        %add3A_66 = arith.constant 3 : i32
        %add3A_67 = arith.addi %add3A_65, %add3A_66 : i32
        %mul3A_68 = arith.constant 16 : i32
        %mul3A_69 = arith.muli %add3A_67, %mul3A_68 : i32
        %get3A_70 = arith.index_cast %mul3A_69 : i32 to index
        %get3A_71 = tpu.vector_load %arg6[%get3A_70] {strides = array<i32>} : memref<26624xf32, #tpu.memory_space<vmem>>, vector<16xf32>,
        %get3A_72 = vector.shape_cast %get3A_71 : vector<16xf32> to vector<16xf32>
        %mul3A_73 = arith.constant 64 : i32
        %mul3A_74 = arith.muli %scan3A_28, %mul3A_73 : i32
        %add3A_75 = arith.constant 0 : i32
        %add3A_76 = arith.addi %mul3A_74, %add3A_75 : i32
        %add3A_77 = arith.constant 4 : i32
        %add3A_78 = arith.addi %add3A_76, %add3A_77 : i32
        %mul3A_79 = arith.constant 16 : i32
        %mul3A_80 = arith.muli %add3A_78, %mul3A_79 : i32
        %get3A_81 = arith.index_cast %mul3A_80 : i32 to index
        %get3A_82 = tpu.vector_load %arg6[%get3A_81] {strides = array<i32>} : memref<26624xf32, #tpu.memory_space<vmem>>, vector<16xf32>,
        %get3A_83 = vector.shape_cast %get3A_82 : vector<16xf32> to vector<16xf32>
        %mul3A_84 = arith.constant 64 : i32
        %mul3A_85 = arith.muli %scan3A_28, %mul3A_84 : i32
        %add3A_86 = arith.constant 0 : i32
        %add3A_87 = arith.addi %mul3A_85, %add3A_86 : i32
        %add3A_88 = arith.constant 5 : i32
        %add3A_89 = arith.addi %add3A_87, %add3A_88 : i32
        %mul3A_90 = arith.constant 16 : i32
        %mul3A_91 = arith.muli %add3A_89, %mul3A_90 : i32
        %get3A_92 = arith.index_cast %mul3A_91 : i32 to index
        %get3A_93 = tpu.vector_load %arg6[%get3A_92] {strides = array<i32>} : memref<26624xf32, #tpu.memory_space<vmem>>, vector<16xf32>,
        %get3A_94 = vector.shape_cast %get3A_93 : vector<16xf32> to vector<16xf32>
        %mul3A_95 = arith.constant 64 : i32
        %mul3A_96 = arith.muli %scan3A_28, %mul3A_95 : i32
        %add3A_97 = arith.constant 0 : i32
        %add3A_98 = arith.addi %mul3A_96, %add3A_97 : i32
        %add3A_99 = arith.constant 6 : i32
        %add3A_100 = arith.addi %add3A_98, %add3A_99 : i32
        %mul3A_101 = arith.constant 16 : i32
        %mul3A_102 = arith.muli %add3A_100, %mul3A_101 : i32
        %get3A_103 = arith.index_cast %mul3A_102 : i32 to index
        %get3A_104 = tpu.vector_load %arg6[%get3A_103] {strides = array<i32>} : memref<26624xf32, #tpu.memory_space<vmem>>, vector<16xf32>,
        %get3A_105 = vector.shape_cast %get3A_104 : vector<16xf32> to vector<16xf32>
        %mul3A_106 = arith.constant 64 : i32
        %mul3A_107 = arith.muli %scan3A_28, %mul3A_106 : i32
        %add3A_108 = arith.constant 0 : i32
        %add3A_109 = arith.addi %mul3A_107, %add3A_108 : i32
        %add3A_110 = arith.constant 7 : i32
        %add3A_111 = arith.addi %add3A_109, %add3A_110 : i32
        %mul3A_112 = arith.constant 16 : i32
        %mul3A_113 = arith.muli %add3A_111, %mul3A_112 : i32
        %get3A_114 = arith.index_cast %mul3A_113 : i32 to index
        %get3A_115 = tpu.vector_load %arg6[%get3A_114] {strides = array<i32>} : memref<26624xf32, #tpu.memory_space<vmem>>, vector<16xf32>,
        %get3A_116 = vector.shape_cast %get3A_115 : vector<16xf32> to vector<16xf32>
        %mul3A_117 = arith.constant 64 : i32
        %mul3A_118 = arith.muli %scan3A_28, %mul3A_117 : i32
        %add3A_119 = arith.constant 0 : i32
        %add3A_120 = arith.addi %mul3A_118, %add3A_119 : i32
        %add3A_121 = arith.constant 8 : i32
        %add3A_122 = arith.addi %add3A_120, %add3A_121 : i32
        %mul3A_123 = arith.constant 16 : i32
        %mul3A_124 = arith.muli %add3A_122, %mul3A_123 : i32
        %get3A_125 = arith.index_cast %mul3A_124 : i32 to index
        %get3A_126 = tpu.vector_load %arg6[%get3A_125] {strides = array<i32>} : memref<26624xf32, #tpu.memory_space<vmem>>, vector<16xf32>,
        %get3A_127 = vector.shape_cast %get3A_126 : vector<16xf32> to vector<16xf32>
        %mul3A_128 = arith.constant 64 : i32
        %mul3A_129 = arith.muli %scan3A_28, %mul3A_128 : i32
        %add3A_130 = arith.constant 0 : i32
        %add3A_131 = arith.addi %mul3A_129, %add3A_130 : i32
        %add3A_132 = arith.constant 9 : i32
        %add3A_133 = arith.addi %add3A_131, %add3A_132 : i32
        %mul3A_134 = arith.constant 16 : i32
        %mul3A_135 = arith.muli %add3A_133, %mul3A_134 : i32
        %get3A_136 = arith.index_cast %mul3A_135 : i32 to index
        %get3A_137 = tpu.vector_load %arg6[%get3A_136] {strides = array<i32>} : memref<26624xf32, #tpu.memory_space<vmem>>, vector<16xf32>,
        %get3A_138 = vector.shape_cast %get3A_137 : vector<16xf32> to vector<16xf32>
        %mul3A_139 = arith.constant 64 : i32
        %mul3A_140 = arith.muli %scan3A_28, %mul3A_139 : i32
        %add3A_141 = arith.constant 0 : i32
        %add3A_142 = arith.addi %mul3A_140, %add3A_141 : i32
        %add3A_143 = arith.constant 10 : i32
        %add3A_144 = arith.addi %add3A_142, %add3A_143 : i32
        %mul3A_145 = arith.constant 16 : i32
        %mul3A_146 = arith.muli %add3A_144, %mul3A_145 : i32
        %get3A_147 = arith.index_cast %mul3A_146 : i32 to index
        %get3A_148 = tpu.vector_load %arg6[%get3A_147] {strides = array<i32>} : memref<26624xf32, #tpu.memory_space<vmem>>, vector<16xf32>,
        %get3A_149 = vector.shape_cast %get3A_148 : vector<16xf32> to vector<16xf32>
        %mul3A_150 = arith.constant 64 : i32
        %mul3A_151 = arith.muli %scan3A_28, %mul3A_150 : i32
        %add3A_152 = arith.constant 0 : i32
        %add3A_153 = arith.addi %mul3A_151, %add3A_152 : i32
        %add3A_154 = arith.constant 11 : i32
        %add3A_155 = arith.addi %add3A_153, %add3A_154 : i32
        %mul3A_156 = arith.constant 16 : i32
        %mul3A_157 = arith.muli %add3A_155, %mul3A_156 : i32
        %get3A_158 = arith.index_cast %mul3A_157 : i32 to index
        %get3A_159 = tpu.vector_load %arg6[%get3A_158] {strides = array<i32>} : memref<26624xf32, #tpu.memory_space<vmem>>, vector<16xf32>,
        %get3A_160 = vector.shape_cast %get3A_159 : vector<16xf32> to vector<16xf32>
        %mul3A_161 = arith.constant 64 : i32
        %mul3A_162 = arith.muli %scan3A_28, %mul3A_161 : i32
        %add3A_163 = arith.constant 0 : i32
        %add3A_164 = arith.addi %mul3A_162, %add3A_163 : i32
        %add3A_165 = arith.constant 12 : i32
        %add3A_166 = arith.addi %add3A_164, %add3A_165 : i32
        %mul3A_167 = arith.constant 16 : i32
        %mul3A_168 = arith.muli %add3A_166, %mul3A_167 : i32
        %get3A_169 = arith.index_cast %mul3A_168 : i32 to index
        %get3A_170 = tpu.vector_load %arg6[%get3A_169] {strides = array<i32>} : memref<26624xf32, #tpu.memory_space<vmem>>, vector<16xf32>,
        %get3A_171 = vector.shape_cast %get3A_170 : vector<16xf32> to vector<16xf32>
        %mul3A_172 = arith.constant 64 : i32
        %mul3A_173 = arith.muli %scan3A_28, %mul3A_172 : i32
        %add3A_174 = arith.constant 0 : i32
        %add3A_175 = arith.addi %mul3A_173, %add3A_174 : i32
        %add3A_176 = arith.constant 13 : i32
        %add3A_177 = arith.addi %add3A_175, %add3A_176 : i32
        %mul3A_178 = arith.constant 16 : i32
        %mul3A_179 = arith.muli %add3A_177, %mul3A_178 : i32
        %get3A_180 = arith.index_cast %mul3A_179 : i32 to index
        %get3A_181 = tpu.vector_load %arg6[%get3A_180] {strides = array<i32>} : memref<26624xf32, #tpu.memory_space<vmem>>, vector<16xf32>,
        %get3A_182 = vector.shape_cast %get3A_181 : vector<16xf32> to vector<16xf32>
        %mul3A_183 = arith.constant 64 : i32
        %mul3A_184 = arith.muli %scan3A_28, %mul3A_183 : i32
        %add3A_185 = arith.constant 0 : i32
        %add3A_186 = arith.addi %mul3A_184, %add3A_185 : i32
        %add3A_187 = arith.constant 14 : i32
        %add3A_188 = arith.addi %add3A_186, %add3A_187 : i32
        %mul3A_189 = arith.constant 16 : i32
        %mul3A_190 = arith.muli %add3A_188, %mul3A_189 : i32
        %get3A_191 = arith.index_cast %mul3A_190 : i32 to index
        %get3A_192 = tpu.vector_load %arg6[%get3A_191] {strides = array<i32>} : memref<26624xf32, #tpu.memory_space<vmem>>, vector<16xf32>,
        %get3A_193 = vector.shape_cast %get3A_192 : vector<16xf32> to vector<16xf32>
        %mul3A_194 = arith.constant 64 : i32
        %mul3A_195 = arith.muli %scan3A_28, %mul3A_194 : i32
        %add3A_196 = arith.constant 0 : i32
        %add3A_197 = arith.addi %mul3A_195, %add3A_196 : i32
        %add3A_198 = arith.constant 15 : i32
        %add3A_199 = arith.addi %add3A_197, %add3A_198 : i32
        %mul3A_200 = arith.constant 16 : i32
        %mul3A_201 = arith.muli %add3A_199, %mul3A_200 : i32
        %get3A_202 = arith.index_cast %mul3A_201 : i32 to index
        %get3A_203 = tpu.vector_load %arg6[%get3A_202] {strides = array<i32>} : memref<26624xf32, #tpu.memory_space<vmem>>, vector<16xf32>,
        %get3A_204 = vector.shape_cast %get3A_203 : vector<16xf32> to vector<16xf32>
        %while3A = arith.constant 0 : i32
        %while3A_205 = arith.constant 0 : i32
        %while3A_206 = arith.subi %scan3A_28, %while3A : i32
        %while3A_207 = arith.addi %while3A, %while3A_206 : i32
        %while3A_208 = arith.constant 1 : i32
        %while3A_209 = arith.divsi %while3A_206, %while3A_208 : i32
        %while3A_210 = arith.muli %while3A_209, %while3A_208 : i32
        %while3A_211 = arith.addi %while3A, %while3A_210 : i32
        %while3A_212 = arith.constant 1 : i32
        %while3A_213 = scf.for %while3A_793 = %while3A to %while3A_211 step %while3A_212 iter_args(%while3A_794 = %while3A_205) -> (i32)  : i32 {
          %mul3A_795 = arith.constant 64 : i32
          %mul3A_796 = arith.muli %while3A_793, %mul3A_795 : i32
          %add3A_797 = arith.constant 0 : i32
          %add3A_798 = arith.addi %mul3A_796, %add3A_797 : i32
          %mul3A_799 = arith.constant 16 : i32
          %mul3A_800 = arith.muli %add3A_798, %mul3A_799 : i32
          %get3A_801 = arith.index_cast %mul3A_800 : i32 to index
          %get3A_802 = tpu.vector_load %arg6[%get3A_801] {strides = array<i32>} : memref<26624xf32, #tpu.memory_space<vmem>>, vector<16xf32>,
          %get3A_803 = vector.shape_cast %get3A_802 : vector<16xf32> to vector<16xf32>
          %mul3A_804 = arith.mulf %get3A_803, %get3A_39 : vector<16xf32>
          %mul3A_805 = arith.constant 64 : i32
          %mul3A_806 = arith.muli %while3A_793, %mul3A_805 : i32
          %add3A_807 = arith.constant 0 : i32
          %add3A_808 = arith.addi %mul3A_806, %add3A_807 : i32
          %add3A_809 = arith.constant 1 : i32
          %add3A_810 = arith.addi %add3A_808, %add3A_809 : i32
          %mul3A_811 = arith.constant 16 : i32
          %mul3A_812 = arith.muli %add3A_810, %mul3A_811 : i32
          %get3A_813 = arith.index_cast %mul3A_812 : i32 to index
          %get3A_814 = tpu.vector_load %arg6[%get3A_813] {strides = array<i32>} : memref<26624xf32, #tpu.memory_space<vmem>>, vector<16xf32>,
          %get3A_815 = vector.shape_cast %get3A_814 : vector<16xf32> to vector<16xf32>
          %mul3A_816 = arith.mulf %get3A_815, %get3A_50 : vector<16xf32>
          %add3A_817 = arith.addf %mul3A_804, %mul3A_816 : vector<16xf32>
          %mul3A_818 = arith.constant 64 : i32
          %mul3A_819 = arith.muli %while3A_793, %mul3A_818 : i32
          %add3A_820 = arith.constant 0 : i32
          %add3A_821 = arith.addi %mul3A_819, %add3A_820 : i32
          %add3A_822 = arith.constant 2 : i32
          %add3A_823 = arith.addi %add3A_821, %add3A_822 : i32
          %mul3A_824 = arith.constant 16 : i32
          %mul3A_825 = arith.muli %add3A_823, %mul3A_824 : i32
          %get3A_826 = arith.index_cast %mul3A_825 : i32 to index
          %get3A_827 = tpu.vector_load %arg6[%get3A_826] {strides = array<i32>} : memref<26624xf32, #tpu.memory_space<vmem>>, vector<16xf32>,
          %get3A_828 = vector.shape_cast %get3A_827 : vector<16xf32> to vector<16xf32>
          %mul3A_829 = arith.mulf %get3A_828, %get3A_61 : vector<16xf32>
          %add3A_830 = arith.addf %add3A_817, %mul3A_829 : vector<16xf32>
          %mul3A_831 = arith.constant 64 : i32
          %mul3A_832 = arith.muli %while3A_793, %mul3A_831 : i32
          %add3A_833 = arith.constant 0 : i32
          %add3A_834 = arith.addi %mul3A_832, %add3A_833 : i32
          %add3A_835 = arith.constant 3 : i32
          %add3A_836 = arith.addi %add3A_834, %add3A_835 : i32
          %mul3A_837 = arith.constant 16 : i32
          %mul3A_838 = arith.muli %add3A_836, %mul3A_837 : i32
          %get3A_839 = arith.index_cast %mul3A_838 : i32 to index
          %get3A_840 = tpu.vector_load %arg6[%get3A_839] {strides = array<i32>} : memref<26624xf32, #tpu.memory_space<vmem>>, vector<16xf32>,
          %get3A_841 = vector.shape_cast %get3A_840 : vector<16xf32> to vector<16xf32>
          %mul3A_842 = arith.mulf %get3A_841, %get3A_72 : vector<16xf32>
          %add3A_843 = arith.addf %add3A_830, %mul3A_842 : vector<16xf32>
          %mul3A_844 = arith.constant 64 : i32
          %mul3A_845 = arith.muli %while3A_793, %mul3A_844 : i32
          %add3A_846 = arith.constant 0 : i32
          %add3A_847 = arith.addi %mul3A_845, %add3A_846 : i32
          %add3A_848 = arith.constant 4 : i32
          %add3A_849 = arith.addi %add3A_847, %add3A_848 : i32
          %mul3A_850 = arith.constant 16 : i32
          %mul3A_851 = arith.muli %add3A_849, %mul3A_850 : i32
          %get3A_852 = arith.index_cast %mul3A_851 : i32 to index
          %get3A_853 = tpu.vector_load %arg6[%get3A_852] {strides = array<i32>} : memref<26624xf32, #tpu.memory_space<vmem>>, vector<16xf32>,
          %get3A_854 = vector.shape_cast %get3A_853 : vector<16xf32> to vector<16xf32>
          %mul3A_855 = arith.mulf %get3A_854, %get3A_83 : vector<16xf32>
          %add3A_856 = arith.addf %add3A_843, %mul3A_855 : vector<16xf32>
          %mul3A_857 = arith.constant 64 : i32
          %mul3A_858 = arith.muli %while3A_793, %mul3A_857 : i32
          %add3A_859 = arith.constant 0 : i32
          %add3A_860 = arith.addi %mul3A_858, %add3A_859 : i32
          %add3A_861 = arith.constant 5 : i32
          %add3A_862 = arith.addi %add3A_860, %add3A_861 : i32
          %mul3A_863 = arith.constant 16 : i32
          %mul3A_864 = arith.muli %add3A_862, %mul3A_863 : i32
          %get3A_865 = arith.index_cast %mul3A_864 : i32 to index
          %get3A_866 = tpu.vector_load %arg6[%get3A_865] {strides = array<i32>} : memref<26624xf32, #tpu.memory_space<vmem>>, vector<16xf32>,
          %get3A_867 = vector.shape_cast %get3A_866 : vector<16xf32> to vector<16xf32>
          %mul3A_868 = arith.mulf %get3A_867, %get3A_94 : vector<16xf32>
          %add3A_869 = arith.addf %add3A_856, %mul3A_868 : vector<16xf32>
          %mul3A_870 = arith.constant 64 : i32
          %mul3A_871 = arith.muli %while3A_793, %mul3A_870 : i32
          %add3A_872 = arith.constant 0 : i32
          %add3A_873 = arith.addi %mul3A_871, %add3A_872 : i32
          %add3A_874 = arith.constant 6 : i32
          %add3A_875 = arith.addi %add3A_873, %add3A_874 : i32
          %mul3A_876 = arith.constant 16 : i32
          %mul3A_877 = arith.muli %add3A_875, %mul3A_876 : i32
          %get3A_878 = arith.index_cast %mul3A_877 : i32 to index
          %get3A_879 = tpu.vector_load %arg6[%get3A_878] {strides = array<i32>} : memref<26624xf32, #tpu.memory_space<vmem>>, vector<16xf32>,
          %get3A_880 = vector.shape_cast %get3A_879 : vector<16xf32> to vector<16xf32>
          %mul3A_881 = arith.mulf %get3A_880, %get3A_105 : vector<16xf32>
          %add3A_882 = arith.addf %add3A_869, %mul3A_881 : vector<16xf32>
          %mul3A_883 = arith.constant 64 : i32
          %mul3A_884 = arith.muli %while3A_793, %mul3A_883 : i32
          %add3A_885 = arith.constant 0 : i32
          %add3A_886 = arith.addi %mul3A_884, %add3A_885 : i32
          %add3A_887 = arith.constant 7 : i32
          %add3A_888 = arith.addi %add3A_886, %add3A_887 : i32
          %mul3A_889 = arith.constant 16 : i32
          %mul3A_890 = arith.muli %add3A_888, %mul3A_889 : i32
          %get3A_891 = arith.index_cast %mul3A_890 : i32 to index
          %get3A_892 = tpu.vector_load %arg6[%get3A_891] {strides = array<i32>} : memref<26624xf32, #tpu.memory_space<vmem>>, vector<16xf32>,
          %get3A_893 = vector.shape_cast %get3A_892 : vector<16xf32> to vector<16xf32>
          %mul3A_894 = arith.mulf %get3A_893, %get3A_116 : vector<16xf32>
          %add3A_895 = arith.addf %add3A_882, %mul3A_894 : vector<16xf32>
          %mul3A_896 = arith.constant 64 : i32
          %mul3A_897 = arith.muli %while3A_793, %mul3A_896 : i32
          %add3A_898 = arith.constant 0 : i32
          %add3A_899 = arith.addi %mul3A_897, %add3A_898 : i32
          %add3A_900 = arith.constant 8 : i32
          %add3A_901 = arith.addi %add3A_899, %add3A_900 : i32
          %mul3A_902 = arith.constant 16 : i32
          %mul3A_903 = arith.muli %add3A_901, %mul3A_902 : i32
          %get3A_904 = arith.index_cast %mul3A_903 : i32 to index
          %get3A_905 = tpu.vector_load %arg6[%get3A_904] {strides = array<i32>} : memref<26624xf32, #tpu.memory_space<vmem>>, vector<16xf32>,
          %get3A_906 = vector.shape_cast %get3A_905 : vector<16xf32> to vector<16xf32>
          %mul3A_907 = arith.mulf %get3A_906, %get3A_127 : vector<16xf32>
          %add3A_908 = arith.addf %add3A_895, %mul3A_907 : vector<16xf32>
          %mul3A_909 = arith.constant 64 : i32
          %mul3A_910 = arith.muli %while3A_793, %mul3A_909 : i32
          %add3A_911 = arith.constant 0 : i32
          %add3A_912 = arith.addi %mul3A_910, %add3A_911 : i32
          %add3A_913 = arith.constant 9 : i32
          %add3A_914 = arith.addi %add3A_912, %add3A_913 : i32
          %mul3A_915 = arith.constant 16 : i32
          %mul3A_916 = arith.muli %add3A_914, %mul3A_915 : i32
          %get3A_917 = arith.index_cast %mul3A_916 : i32 to index
          %get3A_918 = tpu.vector_load %arg6[%get3A_917] {strides = array<i32>} : memref<26624xf32, #tpu.memory_space<vmem>>, vector<16xf32>,
          %get3A_919 = vector.shape_cast %get3A_918 : vector<16xf32> to vector<16xf32>
          %mul3A_920 = arith.mulf %get3A_919, %get3A_138 : vector<16xf32>
          %add3A_921 = arith.addf %add3A_908, %mul3A_920 : vector<16xf32>
          %mul3A_922 = arith.constant 64 : i32
          %mul3A_923 = arith.muli %while3A_793, %mul3A_922 : i32
          %add3A_924 = arith.constant 0 : i32
          %add3A_925 = arith.addi %mul3A_923, %add3A_924 : i32
          %add3A_926 = arith.constant 10 : i32
          %add3A_927 = arith.addi %add3A_925, %add3A_926 : i32
          %mul3A_928 = arith.constant 16 : i32
          %mul3A_929 = arith.muli %add3A_927, %mul3A_928 : i32
          %get3A_930 = arith.index_cast %mul3A_929 : i32 to index
          %get3A_931 = tpu.vector_load %arg6[%get3A_930] {strides = array<i32>} : memref<26624xf32, #tpu.memory_space<vmem>>, vector<16xf32>,
          %get3A_932 = vector.shape_cast %get3A_931 : vector<16xf32> to vector<16xf32>
          %mul3A_933 = arith.mulf %get3A_932, %get3A_149 : vector<16xf32>
          %add3A_934 = arith.addf %add3A_921, %mul3A_933 : vector<16xf32>
          %mul3A_935 = arith.constant 64 : i32
          %mul3A_936 = arith.muli %while3A_793, %mul3A_935 : i32
          %add3A_937 = arith.constant 0 : i32
          %add3A_938 = arith.addi %mul3A_936, %add3A_937 : i32
          %add3A_939 = arith.constant 11 : i32
          %add3A_940 = arith.addi %add3A_938, %add3A_939 : i32
          %mul3A_941 = arith.constant 16 : i32
          %mul3A_942 = arith.muli %add3A_940, %mul3A_941 : i32
          %get3A_943 = arith.index_cast %mul3A_942 : i32 to index
          %get3A_944 = tpu.vector_load %arg6[%get3A_943] {strides = array<i32>} : memref<26624xf32, #tpu.memory_space<vmem>>, vector<16xf32>,
          %get3A_945 = vector.shape_cast %get3A_944 : vector<16xf32> to vector<16xf32>
          %mul3A_946 = arith.mulf %get3A_945, %get3A_160 : vector<16xf32>
          %add3A_947 = arith.addf %add3A_934, %mul3A_946 : vector<16xf32>
          %mul3A_948 = arith.constant 64 : i32
          %mul3A_949 = arith.muli %while3A_793, %mul3A_948 : i32
          %add3A_950 = arith.constant 0 : i32
          %add3A_951 = arith.addi %mul3A_949, %add3A_950 : i32
          %add3A_952 = arith.constant 12 : i32
          %add3A_953 = arith.addi %add3A_951, %add3A_952 : i32
          %mul3A_954 = arith.constant 16 : i32
          %mul3A_955 = arith.muli %add3A_953, %mul3A_954 : i32
          %get3A_956 = arith.index_cast %mul3A_955 : i32 to index
          %get3A_957 = tpu.vector_load %arg6[%get3A_956] {strides = array<i32>} : memref<26624xf32, #tpu.memory_space<vmem>>, vector<16xf32>,
          %get3A_958 = vector.shape_cast %get3A_957 : vector<16xf32> to vector<16xf32>
          %mul3A_959 = arith.mulf %get3A_958, %get3A_171 : vector<16xf32>
          %add3A_960 = arith.addf %add3A_947, %mul3A_959 : vector<16xf32>
          %mul3A_961 = arith.constant 64 : i32
          %mul3A_962 = arith.muli %while3A_793, %mul3A_961 : i32
          %add3A_963 = arith.constant 0 : i32
          %add3A_964 = arith.addi %mul3A_962, %add3A_963 : i32
          %add3A_965 = arith.constant 13 : i32
          %add3A_966 = arith.addi %add3A_964, %add3A_965 : i32
          %mul3A_967 = arith.constant 16 : i32
          %mul3A_968 = arith.muli %add3A_966, %mul3A_967 : i32
          %get3A_969 = arith.index_cast %mul3A_968 : i32 to index
          %get3A_970 = tpu.vector_load %arg6[%get3A_969] {strides = array<i32>} : memref<26624xf32, #tpu.memory_space<vmem>>, vector<16xf32>,
          %get3A_971 = vector.shape_cast %get3A_970 : vector<16xf32> to vector<16xf32>
          %mul3A_972 = arith.mulf %get3A_971, %get3A_182 : vector<16xf32>
          %add3A_973 = arith.addf %add3A_960, %mul3A_972 : vector<16xf32>
          %mul3A_974 = arith.constant 64 : i32
          %mul3A_975 = arith.muli %while3A_793, %mul3A_974 : i32
          %add3A_976 = arith.constant 0 : i32
          %add3A_977 = arith.addi %mul3A_975, %add3A_976 : i32
          %add3A_978 = arith.constant 14 : i32
          %add3A_979 = arith.addi %add3A_977, %add3A_978 : i32
          %mul3A_980 = arith.constant 16 : i32
          %mul3A_981 = arith.muli %add3A_979, %mul3A_980 : i32
          %get3A_982 = arith.index_cast %mul3A_981 : i32 to index
          %get3A_983 = tpu.vector_load %arg6[%get3A_982] {strides = array<i32>} : memref<26624xf32, #tpu.memory_space<vmem>>, vector<16xf32>,
          %get3A_984 = vector.shape_cast %get3A_983 : vector<16xf32> to vector<16xf32>
          %mul3A_985 = arith.mulf %get3A_984, %get3A_193 : vector<16xf32>
          %add3A_986 = arith.addf %add3A_973, %mul3A_985 : vector<16xf32>
          %mul3A_987 = arith.constant 64 : i32
          %mul3A_988 = arith.muli %while3A_793, %mul3A_987 : i32
          %add3A_989 = arith.constant 0 : i32
          %add3A_990 = arith.addi %mul3A_988, %add3A_989 : i32
          %add3A_991 = arith.constant 15 : i32
          %add3A_992 = arith.addi %add3A_990, %add3A_991 : i32
          %mul3A_993 = arith.constant 16 : i32
          %mul3A_994 = arith.muli %add3A_992, %mul3A_993 : i32
          %get3A_995 = arith.index_cast %mul3A_994 : i32 to index
          %get3A_996 = tpu.vector_load %arg6[%get3A_995] {strides = array<i32>} : memref<26624xf32, #tpu.memory_space<vmem>>, vector<16xf32>,
          %get3A_997 = vector.shape_cast %get3A_996 : vector<16xf32> to vector<16xf32>
          %mul3A_998 = arith.mulf %get3A_997, %get3A_204 : vector<16xf32>
          %add3A_999 = arith.addf %add3A_986, %mul3A_998 : vector<16xf32>
          %mul3A_1000 = arith.constant 16 : i32
          %mul3A_1001 = arith.muli %while3A_793, %mul3A_1000 : i32
          %swap3A = arith.index_cast %mul3A_1001 : i32 to index
          %swap3A_1002 = tpu.vector_load %arg10[%swap3A] {strides = array<i32>} : memref<512xf32, #tpu.memory_space<vmem>>, vector<16xf32>,
          %swap3A_1003 = vector.shape_cast %swap3A_1002 : vector<16xf32> to vector<16xf32>
          %swap3A_1004 = vector.shape_cast %add3A_999 : vector<16xf32> to vector<16xf32>
          tpu.vector_store %arg10[%swap3A], %swap3A_1004 {strides = array<i32>} : memref<512xf32, #tpu.memory_space<vmem>>, vector<16xf32>,
          %while3A_1005 = arith.constant 0 : i32
          scf.yield %while3A_1005 : i32
        }
        %while3A_214 = arith.constant 1 : i32
        %while3A_215 = scf.for %while3A_793 = %while3A_211 to %while3A_207 step %while3A_214 iter_args(%while3A_794 = %while3A_213) -> (i32)  : i32 {
          %mul3A_795 = arith.constant 64 : i32
          %mul3A_796 = arith.muli %while3A_793, %mul3A_795 : i32
          %add3A_797 = arith.constant 0 : i32
          %add3A_798 = arith.addi %mul3A_796, %add3A_797 : i32
          %mul3A_799 = arith.constant 16 : i32
          %mul3A_800 = arith.muli %add3A_798, %mul3A_799 : i32
          %get3A_801 = arith.index_cast %mul3A_800 : i32 to index
          %get3A_802 = tpu.vector_load %arg6[%get3A_801] {strides = array<i32>} : memref<26624xf32, #tpu.memory_space<vmem>>, vector<16xf32>,
          %get3A_803 = vector.shape_cast %get3A_802 : vector<16xf32> to vector<16xf32>
          %mul3A_804 = arith.mulf %get3A_803, %get3A_39 : vector<16xf32>
          %mul3A_805 = arith.constant 64 : i32
          %mul3A_806 = arith.muli %while3A_793, %mul3A_805 : i32
          %add3A_807 = arith.constant 0 : i32
          %add3A_808 = arith.addi %mul3A_806, %add3A_807 : i32
          %add3A_809 = arith.constant 1 : i32
          %add3A_810 = arith.addi %add3A_808, %add3A_809 : i32
          %mul3A_811 = arith.constant 16 : i32
          %mul3A_812 = arith.muli %add3A_810, %mul3A_811 : i32
          %get3A_813 = arith.index_cast %mul3A_812 : i32 to index
          %get3A_814 = tpu.vector_load %arg6[%get3A_813] {strides = array<i32>} : memref<26624xf32, #tpu.memory_space<vmem>>, vector<16xf32>,
          %get3A_815 = vector.shape_cast %get3A_814 : vector<16xf32> to vector<16xf32>
          %mul3A_816 = arith.mulf %get3A_815, %get3A_50 : vector<16xf32>
          %add3A_817 = arith.addf %mul3A_804, %mul3A_816 : vector<16xf32>
          %mul3A_818 = arith.constant 64 : i32
          %mul3A_819 = arith.muli %while3A_793, %mul3A_818 : i32
          %add3A_820 = arith.constant 0 : i32
          %add3A_821 = arith.addi %mul3A_819, %add3A_820 : i32
          %add3A_822 = arith.constant 2 : i32
          %add3A_823 = arith.addi %add3A_821, %add3A_822 : i32
          %mul3A_824 = arith.constant 16 : i32
          %mul3A_825 = arith.muli %add3A_823, %mul3A_824 : i32
          %get3A_826 = arith.index_cast %mul3A_825 : i32 to index
          %get3A_827 = tpu.vector_load %arg6[%get3A_826] {strides = array<i32>} : memref<26624xf32, #tpu.memory_space<vmem>>, vector<16xf32>,
          %get3A_828 = vector.shape_cast %get3A_827 : vector<16xf32> to vector<16xf32>
          %mul3A_829 = arith.mulf %get3A_828, %get3A_61 : vector<16xf32>
          %add3A_830 = arith.addf %add3A_817, %mul3A_829 : vector<16xf32>
          %mul3A_831 = arith.constant 64 : i32
          %mul3A_832 = arith.muli %while3A_793, %mul3A_831 : i32
          %add3A_833 = arith.constant 0 : i32
          %add3A_834 = arith.addi %mul3A_832, %add3A_833 : i32
          %add3A_835 = arith.constant 3 : i32
          %add3A_836 = arith.addi %add3A_834, %add3A_835 : i32
          %mul3A_837 = arith.constant 16 : i32
          %mul3A_838 = arith.muli %add3A_836, %mul3A_837 : i32
          %get3A_839 = arith.index_cast %mul3A_838 : i32 to index
          %get3A_840 = tpu.vector_load %arg6[%get3A_839] {strides = array<i32>} : memref<26624xf32, #tpu.memory_space<vmem>>, vector<16xf32>,
          %get3A_841 = vector.shape_cast %get3A_840 : vector<16xf32> to vector<16xf32>
          %mul3A_842 = arith.mulf %get3A_841, %get3A_72 : vector<16xf32>
          %add3A_843 = arith.addf %add3A_830, %mul3A_842 : vector<16xf32>
          %mul3A_844 = arith.constant 64 : i32
          %mul3A_845 = arith.muli %while3A_793, %mul3A_844 : i32
          %add3A_846 = arith.constant 0 : i32
          %add3A_847 = arith.addi %mul3A_845, %add3A_846 : i32
          %add3A_848 = arith.constant 4 : i32
          %add3A_849 = arith.addi %add3A_847, %add3A_848 : i32
          %mul3A_850 = arith.constant 16 : i32
          %mul3A_851 = arith.muli %add3A_849, %mul3A_850 : i32
          %get3A_852 = arith.index_cast %mul3A_851 : i32 to index
          %get3A_853 = tpu.vector_load %arg6[%get3A_852] {strides = array<i32>} : memref<26624xf32, #tpu.memory_space<vmem>>, vector<16xf32>,
          %get3A_854 = vector.shape_cast %get3A_853 : vector<16xf32> to vector<16xf32>
          %mul3A_855 = arith.mulf %get3A_854, %get3A_83 : vector<16xf32>
          %add3A_856 = arith.addf %add3A_843, %mul3A_855 : vector<16xf32>
          %mul3A_857 = arith.constant 64 : i32
          %mul3A_858 = arith.muli %while3A_793, %mul3A_857 : i32
          %add3A_859 = arith.constant 0 : i32
          %add3A_860 = arith.addi %mul3A_858, %add3A_859 : i32
          %add3A_861 = arith.constant 5 : i32
          %add3A_862 = arith.addi %add3A_860, %add3A_861 : i32
          %mul3A_863 = arith.constant 16 : i32
          %mul3A_864 = arith.muli %add3A_862, %mul3A_863 : i32
          %get3A_865 = arith.index_cast %mul3A_864 : i32 to index
          %get3A_866 = tpu.vector_load %arg6[%get3A_865] {strides = array<i32>} : memref<26624xf32, #tpu.memory_space<vmem>>, vector<16xf32>,
          %get3A_867 = vector.shape_cast %get3A_866 : vector<16xf32> to vector<16xf32>
          %mul3A_868 = arith.mulf %get3A_867, %get3A_94 : vector<16xf32>
          %add3A_869 = arith.addf %add3A_856, %mul3A_868 : vector<16xf32>
          %mul3A_870 = arith.constant 64 : i32
          %mul3A_871 = arith.muli %while3A_793, %mul3A_870 : i32
          %add3A_872 = arith.constant 0 : i32
          %add3A_873 = arith.addi %mul3A_871, %add3A_872 : i32
          %add3A_874 = arith.constant 6 : i32
          %add3A_875 = arith.addi %add3A_873, %add3A_874 : i32
          %mul3A_876 = arith.constant 16 : i32
          %mul3A_877 = arith.muli %add3A_875, %mul3A_876 : i32
          %get3A_878 = arith.index_cast %mul3A_877 : i32 to index
          %get3A_879 = tpu.vector_load %arg6[%get3A_878] {strides = array<i32>} : memref<26624xf32, #tpu.memory_space<vmem>>, vector<16xf32>,
          %get3A_880 = vector.shape_cast %get3A_879 : vector<16xf32> to vector<16xf32>
          %mul3A_881 = arith.mulf %get3A_880, %get3A_105 : vector<16xf32>
          %add3A_882 = arith.addf %add3A_869, %mul3A_881 : vector<16xf32>
          %mul3A_883 = arith.constant 64 : i32
          %mul3A_884 = arith.muli %while3A_793, %mul3A_883 : i32
          %add3A_885 = arith.constant 0 : i32
          %add3A_886 = arith.addi %mul3A_884, %add3A_885 : i32
          %add3A_887 = arith.constant 7 : i32
          %add3A_888 = arith.addi %add3A_886, %add3A_887 : i32
          %mul3A_889 = arith.constant 16 : i32
          %mul3A_890 = arith.muli %add3A_888, %mul3A_889 : i32
          %get3A_891 = arith.index_cast %mul3A_890 : i32 to index
          %get3A_892 = tpu.vector_load %arg6[%get3A_891] {strides = array<i32>} : memref<26624xf32, #tpu.memory_space<vmem>>, vector<16xf32>,
          %get3A_893 = vector.shape_cast %get3A_892 : vector<16xf32> to vector<16xf32>
          %mul3A_894 = arith.mulf %get3A_893, %get3A_116 : vector<16xf32>
          %add3A_895 = arith.addf %add3A_882, %mul3A_894 : vector<16xf32>
          %mul3A_896 = arith.constant 64 : i32
          %mul3A_897 = arith.muli %while3A_793, %mul3A_896 : i32
          %add3A_898 = arith.constant 0 : i32
          %add3A_899 = arith.addi %mul3A_897, %add3A_898 : i32
          %add3A_900 = arith.constant 8 : i32
          %add3A_901 = arith.addi %add3A_899, %add3A_900 : i32
          %mul3A_902 = arith.constant 16 : i32
          %mul3A_903 = arith.muli %add3A_901, %mul3A_902 : i32
          %get3A_904 = arith.index_cast %mul3A_903 : i32 to index
          %get3A_905 = tpu.vector_load %arg6[%get3A_904] {strides = array<i32>} : memref<26624xf32, #tpu.memory_space<vmem>>, vector<16xf32>,
          %get3A_906 = vector.shape_cast %get3A_905 : vector<16xf32> to vector<16xf32>
          %mul3A_907 = arith.mulf %get3A_906, %get3A_127 : vector<16xf32>
          %add3A_908 = arith.addf %add3A_895, %mul3A_907 : vector<16xf32>
          %mul3A_909 = arith.constant 64 : i32
          %mul3A_910 = arith.muli %while3A_793, %mul3A_909 : i32
          %add3A_911 = arith.constant 0 : i32
          %add3A_912 = arith.addi %mul3A_910, %add3A_911 : i32
          %add3A_913 = arith.constant 9 : i32
          %add3A_914 = arith.addi %add3A_912, %add3A_913 : i32
          %mul3A_915 = arith.constant 16 : i32
          %mul3A_916 = arith.muli %add3A_914, %mul3A_915 : i32
          %get3A_917 = arith.index_cast %mul3A_916 : i32 to index
          %get3A_918 = tpu.vector_load %arg6[%get3A_917] {strides = array<i32>} : memref<26624xf32, #tpu.memory_space<vmem>>, vector<16xf32>,
          %get3A_919 = vector.shape_cast %get3A_918 : vector<16xf32> to vector<16xf32>
          %mul3A_920 = arith.mulf %get3A_919, %get3A_138 : vector<16xf32>
          %add3A_921 = arith.addf %add3A_908, %mul3A_920 : vector<16xf32>
          %mul3A_922 = arith.constant 64 : i32
          %mul3A_923 = arith.muli %while3A_793, %mul3A_922 : i32
          %add3A_924 = arith.constant 0 : i32
          %add3A_925 = arith.addi %mul3A_923, %add3A_924 : i32
          %add3A_926 = arith.constant 10 : i32
          %add3A_927 = arith.addi %add3A_925, %add3A_926 : i32
          %mul3A_928 = arith.constant 16 : i32
          %mul3A_929 = arith.muli %add3A_927, %mul3A_928 : i32
          %get3A_930 = arith.index_cast %mul3A_929 : i32 to index
          %get3A_931 = tpu.vector_load %arg6[%get3A_930] {strides = array<i32>} : memref<26624xf32, #tpu.memory_space<vmem>>, vector<16xf32>,
          %get3A_932 = vector.shape_cast %get3A_931 : vector<16xf32> to vector<16xf32>
          %mul3A_933 = arith.mulf %get3A_932, %get3A_149 : vector<16xf32>
          %add3A_934 = arith.addf %add3A_921, %mul3A_933 : vector<16xf32>
          %mul3A_935 = arith.constant 64 : i32
          %mul3A_936 = arith.muli %while3A_793, %mul3A_935 : i32
          %add3A_937 = arith.constant 0 : i32
          %add3A_938 = arith.addi %mul3A_936, %add3A_937 : i32
          %add3A_939 = arith.constant 11 : i32
          %add3A_940 = arith.addi %add3A_938, %add3A_939 : i32
          %mul3A_941 = arith.constant 16 : i32
          %mul3A_942 = arith.muli %add3A_940, %mul3A_941 : i32
          %get3A_943 = arith.index_cast %mul3A_942 : i32 to index
          %get3A_944 = tpu.vector_load %arg6[%get3A_943] {strides = array<i32>} : memref<26624xf32, #tpu.memory_space<vmem>>, vector<16xf32>,
          %get3A_945 = vector.shape_cast %get3A_944 : vector<16xf32> to vector<16xf32>
          %mul3A_946 = arith.mulf %get3A_945, %get3A_160 : vector<16xf32>
          %add3A_947 = arith.addf %add3A_934, %mul3A_946 : vector<16xf32>
          %mul3A_948 = arith.constant 64 : i32
          %mul3A_949 = arith.muli %while3A_793, %mul3A_948 : i32
          %add3A_950 = arith.constant 0 : i32
          %add3A_951 = arith.addi %mul3A_949, %add3A_950 : i32
          %add3A_952 = arith.constant 12 : i32
          %add3A_953 = arith.addi %add3A_951, %add3A_952 : i32
          %mul3A_954 = arith.constant 16 : i32
          %mul3A_955 = arith.muli %add3A_953, %mul3A_954 : i32
          %get3A_956 = arith.index_cast %mul3A_955 : i32 to index
          %get3A_957 = tpu.vector_load %arg6[%get3A_956] {strides = array<i32>} : memref<26624xf32, #tpu.memory_space<vmem>>, vector<16xf32>,
          %get3A_958 = vector.shape_cast %get3A_957 : vector<16xf32> to vector<16xf32>
          %mul3A_959 = arith.mulf %get3A_958, %get3A_171 : vector<16xf32>
          %add3A_960 = arith.addf %add3A_947, %mul3A_959 : vector<16xf32>
          %mul3A_961 = arith.constant 64 : i32
          %mul3A_962 = arith.muli %while3A_793, %mul3A_961 : i32
          %add3A_963 = arith.constant 0 : i32
          %add3A_964 = arith.addi %mul3A_962, %add3A_963 : i32
          %add3A_965 = arith.constant 13 : i32
          %add3A_966 = arith.addi %add3A_964, %add3A_965 : i32
          %mul3A_967 = arith.constant 16 : i32
          %mul3A_968 = arith.muli %add3A_966, %mul3A_967 : i32
          %get3A_969 = arith.index_cast %mul3A_968 : i32 to index
          %get3A_970 = tpu.vector_load %arg6[%get3A_969] {strides = array<i32>} : memref<26624xf32, #tpu.memory_space<vmem>>, vector<16xf32>,
          %get3A_971 = vector.shape_cast %get3A_970 : vector<16xf32> to vector<16xf32>
          %mul3A_972 = arith.mulf %get3A_971, %get3A_182 : vector<16xf32>
          %add3A_973 = arith.addf %add3A_960, %mul3A_972 : vector<16xf32>
          %mul3A_974 = arith.constant 64 : i32
          %mul3A_975 = arith.muli %while3A_793, %mul3A_974 : i32
          %add3A_976 = arith.constant 0 : i32
          %add3A_977 = arith.addi %mul3A_975, %add3A_976 : i32
          %add3A_978 = arith.constant 14 : i32
          %add3A_979 = arith.addi %add3A_977, %add3A_978 : i32
          %mul3A_980 = arith.constant 16 : i32
          %mul3A_981 = arith.muli %add3A_979, %mul3A_980 : i32
          %get3A_982 = arith.index_cast %mul3A_981 : i32 to index
          %get3A_983 = tpu.vector_load %arg6[%get3A_982] {strides = array<i32>} : memref<26624xf32, #tpu.memory_space<vmem>>, vector<16xf32>,
          %get3A_984 = vector.shape_cast %get3A_983 : vector<16xf32> to vector<16xf32>
          %mul3A_985 = arith.mulf %get3A_984, %get3A_193 : vector<16xf32>
          %add3A_986 = arith.addf %add3A_973, %mul3A_985 : vector<16xf32>
          %mul3A_987 = arith.constant 64 : i32
          %mul3A_988 = arith.muli %while3A_793, %mul3A_987 : i32
          %add3A_989 = arith.constant 0 : i32
          %add3A_990 = arith.addi %mul3A_988, %add3A_989 : i32
          %add3A_991 = arith.constant 15 : i32
          %add3A_992 = arith.addi %add3A_990, %add3A_991 : i32
          %mul3A_993 = arith.constant 16 : i32
          %mul3A_994 = arith.muli %add3A_992, %mul3A_993 : i32
          %get3A_995 = arith.index_cast %mul3A_994 : i32 to index
          %get3A_996 = tpu.vector_load %arg6[%get3A_995] {strides = array<i32>} : memref<26624xf32, #tpu.memory_space<vmem>>, vector<16xf32>,
          %get3A_997 = vector.shape_cast %get3A_996 : vector<16xf32> to vector<16xf32>
          %mul3A_998 = arith.mulf %get3A_997, %get3A_204 : vector<16xf32>
          %add3A_999 = arith.addf %add3A_986, %mul3A_998 : vector<16xf32>
          %mul3A_1000 = arith.constant 16 : i32
          %mul3A_1001 = arith.muli %while3A_793, %mul3A_1000 : i32
          %swap3A = arith.index_cast %mul3A_1001 : i32 to index
          %swap3A_1002 = tpu.vector_load %arg10[%swap3A] {strides = array<i32>} : memref<512xf32, #tpu.memory_space<vmem>>, vector<16xf32>,
          %swap3A_1003 = vector.shape_cast %swap3A_1002 : vector<16xf32> to vector<16xf32>
          %swap3A_1004 = vector.shape_cast %add3A_999 : vector<16xf32> to vector<16xf32>
          tpu.vector_store %arg10[%swap3A], %swap3A_1004 {strides = array<i32>} : memref<512xf32, #tpu.memory_space<vmem>>, vector<16xf32>,
          %while3A_1005 = arith.constant 0 : i32
          scf.yield %while3A_1005 : i32
        }
        %mul3A_216 = arith.constant 64 : i32
        %mul3A_217 = arith.muli %scan3A_28, %mul3A_216 : i32
        %add3A_218 = arith.constant 16 : i32
        %add3A_219 = arith.addi %mul3A_217, %add3A_218 : i32
        %add3A_220 = arith.constant 0 : i32
        %add3A_221 = arith.addi %add3A_219, %add3A_220 : i32
        %mul3A_222 = arith.constant 16 : i32
        %mul3A_223 = arith.muli %add3A_221, %mul3A_222 : i32
        %get3A_224 = arith.index_cast %mul3A_223 : i32 to index
        %get3A_225 = tpu.vector_load %arg6[%get3A_224] {strides = array<i32>} : memref<26624xf32, #tpu.memory_space<vmem>>, vector<16xf32>,
        %get3A_226 = vector.shape_cast %get3A_225 : vector<16xf32> to vector<16xf32>
        %mul3A_227 = arith.constant 64 : i32
        %mul3A_228 = arith.muli %scan3A_28, %mul3A_227 : i32
        %add3A_229 = arith.constant 16 : i32
        %add3A_230 = arith.addi %mul3A_228, %add3A_229 : i32
        %add3A_231 = arith.constant 1 : i32
        %add3A_232 = arith.addi %add3A_230, %add3A_231 : i32
        %mul3A_233 = arith.constant 16 : i32
        %mul3A_234 = arith.muli %add3A_232, %mul3A_233 : i32
        %get3A_235 = arith.index_cast %mul3A_234 : i32 to index
        %get3A_236 = tpu.vector_load %arg6[%get3A_235] {strides = array<i32>} : memref<26624xf32, #tpu.memory_space<vmem>>, vector<16xf32>,
        %get3A_237 = vector.shape_cast %get3A_236 : vector<16xf32> to vector<16xf32>
        %mul3A_238 = arith.constant 64 : i32
        %mul3A_239 = arith.muli %scan3A_28, %mul3A_238 : i32
        %add3A_240 = arith.constant 16 : i32
        %add3A_241 = arith.addi %mul3A_239, %add3A_240 : i32
        %add3A_242 = arith.constant 2 : i32
        %add3A_243 = arith.addi %add3A_241, %add3A_242 : i32
        %mul3A_244 = arith.constant 16 : i32
        %mul3A_245 = arith.muli %add3A_243, %mul3A_244 : i32
        %get3A_246 = arith.index_cast %mul3A_245 : i32 to index
        %get3A_247 = tpu.vector_load %arg6[%get3A_246] {strides = array<i32>} : memref<26624xf32, #tpu.memory_space<vmem>>, vector<16xf32>,
        %get3A_248 = vector.shape_cast %get3A_247 : vector<16xf32> to vector<16xf32>
        %mul3A_249 = arith.constant 64 : i32
        %mul3A_250 = arith.muli %scan3A_28, %mul3A_249 : i32
        %add3A_251 = arith.constant 16 : i32
        %add3A_252 = arith.addi %mul3A_250, %add3A_251 : i32
        %add3A_253 = arith.constant 3 : i32
        %add3A_254 = arith.addi %add3A_252, %add3A_253 : i32
        %mul3A_255 = arith.constant 16 : i32
        %mul3A_256 = arith.muli %add3A_254, %mul3A_255 : i32
        %get3A_257 = arith.index_cast %mul3A_256 : i32 to index
        %get3A_258 = tpu.vector_load %arg6[%get3A_257] {strides = array<i32>} : memref<26624xf32, #tpu.memory_space<vmem>>, vector<16xf32>,
        %get3A_259 = vector.shape_cast %get3A_258 : vector<16xf32> to vector<16xf32>
        %mul3A_260 = arith.constant 64 : i32
        %mul3A_261 = arith.muli %scan3A_28, %mul3A_260 : i32
        %add3A_262 = arith.constant 16 : i32
        %add3A_263 = arith.addi %mul3A_261, %add3A_262 : i32
        %add3A_264 = arith.constant 4 : i32
        %add3A_265 = arith.addi %add3A_263, %add3A_264 : i32
        %mul3A_266 = arith.constant 16 : i32
        %mul3A_267 = arith.muli %add3A_265, %mul3A_266 : i32
        %get3A_268 = arith.index_cast %mul3A_267 : i32 to index
        %get3A_269 = tpu.vector_load %arg6[%get3A_268] {strides = array<i32>} : memref<26624xf32, #tpu.memory_space<vmem>>, vector<16xf32>,
        %get3A_270 = vector.shape_cast %get3A_269 : vector<16xf32> to vector<16xf32>
        %mul3A_271 = arith.constant 64 : i32
        %mul3A_272 = arith.muli %scan3A_28, %mul3A_271 : i32
        %add3A_273 = arith.constant 16 : i32
        %add3A_274 = arith.addi %mul3A_272, %add3A_273 : i32
        %add3A_275 = arith.constant 5 : i32
        %add3A_276 = arith.addi %add3A_274, %add3A_275 : i32
        %mul3A_277 = arith.constant 16 : i32
        %mul3A_278 = arith.muli %add3A_276, %mul3A_277 : i32
        %get3A_279 = arith.index_cast %mul3A_278 : i32 to index
        %get3A_280 = tpu.vector_load %arg6[%get3A_279] {strides = array<i32>} : memref<26624xf32, #tpu.memory_space<vmem>>, vector<16xf32>,
        %get3A_281 = vector.shape_cast %get3A_280 : vector<16xf32> to vector<16xf32>
        %mul3A_282 = arith.constant 64 : i32
        %mul3A_283 = arith.muli %scan3A_28, %mul3A_282 : i32
        %add3A_284 = arith.constant 16 : i32
        %add3A_285 = arith.addi %mul3A_283, %add3A_284 : i32
        %add3A_286 = arith.constant 6 : i32
        %add3A_287 = arith.addi %add3A_285, %add3A_286 : i32
        %mul3A_288 = arith.constant 16 : i32
        %mul3A_289 = arith.muli %add3A_287, %mul3A_288 : i32
        %get3A_290 = arith.index_cast %mul3A_289 : i32 to index
        %get3A_291 = tpu.vector_load %arg6[%get3A_290] {strides = array<i32>} : memref<26624xf32, #tpu.memory_space<vmem>>, vector<16xf32>,
        %get3A_292 = vector.shape_cast %get3A_291 : vector<16xf32> to vector<16xf32>
        %mul3A_293 = arith.constant 64 : i32
        %mul3A_294 = arith.muli %scan3A_28, %mul3A_293 : i32
        %add3A_295 = arith.constant 16 : i32
        %add3A_296 = arith.addi %mul3A_294, %add3A_295 : i32
        %add3A_297 = arith.constant 7 : i32
        %add3A_298 = arith.addi %add3A_296, %add3A_297 : i32
        %mul3A_299 = arith.constant 16 : i32
        %mul3A_300 = arith.muli %add3A_298, %mul3A_299 : i32
        %get3A_301 = arith.index_cast %mul3A_300 : i32 to index
        %get3A_302 = tpu.vector_load %arg6[%get3A_301] {strides = array<i32>} : memref<26624xf32, #tpu.memory_space<vmem>>, vector<16xf32>,
        %get3A_303 = vector.shape_cast %get3A_302 : vector<16xf32> to vector<16xf32>
        %mul3A_304 = arith.constant 64 : i32
        %mul3A_305 = arith.muli %scan3A_28, %mul3A_304 : i32
        %add3A_306 = arith.constant 16 : i32
        %add3A_307 = arith.addi %mul3A_305, %add3A_306 : i32
        %add3A_308 = arith.constant 8 : i32
        %add3A_309 = arith.addi %add3A_307, %add3A_308 : i32
        %mul3A_310 = arith.constant 16 : i32
        %mul3A_311 = arith.muli %add3A_309, %mul3A_310 : i32
        %get3A_312 = arith.index_cast %mul3A_311 : i32 to index
        %get3A_313 = tpu.vector_load %arg6[%get3A_312] {strides = array<i32>} : memref<26624xf32, #tpu.memory_space<vmem>>, vector<16xf32>,
        %get3A_314 = vector.shape_cast %get3A_313 : vector<16xf32> to vector<16xf32>
        %mul3A_315 = arith.constant 64 : i32
        %mul3A_316 = arith.muli %scan3A_28, %mul3A_315 : i32
        %add3A_317 = arith.constant 16 : i32
        %add3A_318 = arith.addi %mul3A_316, %add3A_317 : i32
        %add3A_319 = arith.constant 9 : i32
        %add3A_320 = arith.addi %add3A_318, %add3A_319 : i32
        %mul3A_321 = arith.constant 16 : i32
        %mul3A_322 = arith.muli %add3A_320, %mul3A_321 : i32
        %get3A_323 = arith.index_cast %mul3A_322 : i32 to index
        %get3A_324 = tpu.vector_load %arg6[%get3A_323] {strides = array<i32>} : memref<26624xf32, #tpu.memory_space<vmem>>, vector<16xf32>,
        %get3A_325 = vector.shape_cast %get3A_324 : vector<16xf32> to vector<16xf32>
        %mul3A_326 = arith.constant 64 : i32
        %mul3A_327 = arith.muli %scan3A_28, %mul3A_326 : i32
        %add3A_328 = arith.constant 16 : i32
        %add3A_329 = arith.addi %mul3A_327, %add3A_328 : i32
        %add3A_330 = arith.constant 10 : i32
        %add3A_331 = arith.addi %add3A_329, %add3A_330 : i32
        %mul3A_332 = arith.constant 16 : i32
        %mul3A_333 = arith.muli %add3A_331, %mul3A_332 : i32
        %get3A_334 = arith.index_cast %mul3A_333 : i32 to index
        %get3A_335 = tpu.vector_load %arg6[%get3A_334] {strides = array<i32>} : memref<26624xf32, #tpu.memory_space<vmem>>, vector<16xf32>,
        %get3A_336 = vector.shape_cast %get3A_335 : vector<16xf32> to vector<16xf32>
        %mul3A_337 = arith.constant 64 : i32
        %mul3A_338 = arith.muli %scan3A_28, %mul3A_337 : i32
        %add3A_339 = arith.constant 16 : i32
        %add3A_340 = arith.addi %mul3A_338, %add3A_339 : i32
        %add3A_341 = arith.constant 11 : i32
        %add3A_342 = arith.addi %add3A_340, %add3A_341 : i32
        %mul3A_343 = arith.constant 16 : i32
        %mul3A_344 = arith.muli %add3A_342, %mul3A_343 : i32
        %get3A_345 = arith.index_cast %mul3A_344 : i32 to index
        %get3A_346 = tpu.vector_load %arg6[%get3A_345] {strides = array<i32>} : memref<26624xf32, #tpu.memory_space<vmem>>, vector<16xf32>,
        %get3A_347 = vector.shape_cast %get3A_346 : vector<16xf32> to vector<16xf32>
        %mul3A_348 = arith.constant 64 : i32
        %mul3A_349 = arith.muli %scan3A_28, %mul3A_348 : i32
        %add3A_350 = arith.constant 16 : i32
        %add3A_351 = arith.addi %mul3A_349, %add3A_350 : i32
        %add3A_352 = arith.constant 12 : i32
        %add3A_353 = arith.addi %add3A_351, %add3A_352 : i32
        %mul3A_354 = arith.constant 16 : i32
        %mul3A_355 = arith.muli %add3A_353, %mul3A_354 : i32
        %get3A_356 = arith.index_cast %mul3A_355 : i32 to index
        %get3A_357 = tpu.vector_load %arg6[%get3A_356] {strides = array<i32>} : memref<26624xf32, #tpu.memory_space<vmem>>, vector<16xf32>,
        %get3A_358 = vector.shape_cast %get3A_357 : vector<16xf32> to vector<16xf32>
        %mul3A_359 = arith.constant 64 : i32
        %mul3A_360 = arith.muli %scan3A_28, %mul3A_359 : i32
        %add3A_361 = arith.constant 16 : i32
        %add3A_362 = arith.addi %mul3A_360, %add3A_361 : i32
        %add3A_363 = arith.constant 13 : i32
        %add3A_364 = arith.addi %add3A_362, %add3A_363 : i32
        %mul3A_365 = arith.constant 16 : i32
        %mul3A_366 = arith.muli %add3A_364, %mul3A_365 : i32
        %get3A_367 = arith.index_cast %mul3A_366 : i32 to index
        %get3A_368 = tpu.vector_load %arg6[%get3A_367] {strides = array<i32>} : memref<26624xf32, #tpu.memory_space<vmem>>, vector<16xf32>,
        %get3A_369 = vector.shape_cast %get3A_368 : vector<16xf32> to vector<16xf32>
        %mul3A_370 = arith.constant 64 : i32
        %mul3A_371 = arith.muli %scan3A_28, %mul3A_370 : i32
        %add3A_372 = arith.constant 16 : i32
        %add3A_373 = arith.addi %mul3A_371, %add3A_372 : i32
        %add3A_374 = arith.constant 14 : i32
        %add3A_375 = arith.addi %add3A_373, %add3A_374 : i32
        %mul3A_376 = arith.constant 16 : i32
        %mul3A_377 = arith.muli %add3A_375, %mul3A_376 : i32
        %get3A_378 = arith.index_cast %mul3A_377 : i32 to index
        %get3A_379 = tpu.vector_load %arg6[%get3A_378] {strides = array<i32>} : memref<26624xf32, #tpu.memory_space<vmem>>, vector<16xf32>,
        %get3A_380 = vector.shape_cast %get3A_379 : vector<16xf32> to vector<16xf32>
        %mul3A_381 = arith.constant 64 : i32
        %mul3A_382 = arith.muli %scan3A_28, %mul3A_381 : i32
        %add3A_383 = arith.constant 16 : i32
        %add3A_384 = arith.addi %mul3A_382, %add3A_383 : i32
        %add3A_385 = arith.constant 15 : i32
        %add3A_386 = arith.addi %add3A_384, %add3A_385 : i32
        %mul3A_387 = arith.constant 16 : i32
        %mul3A_388 = arith.muli %add3A_386, %mul3A_387 : i32
        %get3A_389 = arith.index_cast %mul3A_388 : i32 to index
        %get3A_390 = tpu.vector_load %arg6[%get3A_389] {strides = array<i32>} : memref<26624xf32, #tpu.memory_space<vmem>>, vector<16xf32>,
        %get3A_391 = vector.shape_cast %get3A_390 : vector<16xf32> to vector<16xf32>
        %while3A_392 = arith.constant 0 : i32
        %while3A_393 = arith.constant 0 : i32
        %while3A_394 = arith.subi %scan3A_28, %while3A_392 : i32
        %while3A_395 = arith.addi %while3A_392, %while3A_394 : i32
        %while3A_396 = arith.constant 1 : i32
        %while3A_397 = arith.divsi %while3A_394, %while3A_396 : i32
        %while3A_398 = arith.muli %while3A_397, %while3A_396 : i32
        %while3A_399 = arith.addi %while3A_392, %while3A_398 : i32
        %while3A_400 = arith.constant 1 : i32
        %while3A_401 = scf.for %while3A_793 = %while3A_392 to %while3A_399 step %while3A_400 iter_args(%while3A_794 = %while3A_393) -> (i32)  : i32 {
          %mul3A_795 = arith.constant 64 : i32
          %mul3A_796 = arith.muli %while3A_793, %mul3A_795 : i32
          %add3A_797 = arith.constant 16 : i32
          %add3A_798 = arith.addi %mul3A_796, %add3A_797 : i32
          %mul3A_799 = arith.constant 16 : i32
          %mul3A_800 = arith.muli %add3A_798, %mul3A_799 : i32
          %get3A_801 = arith.index_cast %mul3A_800 : i32 to index
          %get3A_802 = tpu.vector_load %arg6[%get3A_801] {strides = array<i32>} : memref<26624xf32, #tpu.memory_space<vmem>>, vector<16xf32>,
          %get3A_803 = vector.shape_cast %get3A_802 : vector<16xf32> to vector<16xf32>
          %mul3A_804 = arith.mulf %get3A_803, %get3A_226 : vector<16xf32>
          %mul3A_805 = arith.constant 64 : i32
          %mul3A_806 = arith.muli %while3A_793, %mul3A_805 : i32
          %add3A_807 = arith.constant 16 : i32
          %add3A_808 = arith.addi %mul3A_806, %add3A_807 : i32
          %add3A_809 = arith.constant 1 : i32
          %add3A_810 = arith.addi %add3A_808, %add3A_809 : i32
          %mul3A_811 = arith.constant 16 : i32
          %mul3A_812 = arith.muli %add3A_810, %mul3A_811 : i32
          %get3A_813 = arith.index_cast %mul3A_812 : i32 to index
          %get3A_814 = tpu.vector_load %arg6[%get3A_813] {strides = array<i32>} : memref<26624xf32, #tpu.memory_space<vmem>>, vector<16xf32>,
          %get3A_815 = vector.shape_cast %get3A_814 : vector<16xf32> to vector<16xf32>
          %mul3A_816 = arith.mulf %get3A_815, %get3A_237 : vector<16xf32>
          %add3A_817 = arith.addf %mul3A_804, %mul3A_816 : vector<16xf32>
          %mul3A_818 = arith.constant 64 : i32
          %mul3A_819 = arith.muli %while3A_793, %mul3A_818 : i32
          %add3A_820 = arith.constant 16 : i32
          %add3A_821 = arith.addi %mul3A_819, %add3A_820 : i32
          %add3A_822 = arith.constant 2 : i32
          %add3A_823 = arith.addi %add3A_821, %add3A_822 : i32
          %mul3A_824 = arith.constant 16 : i32
          %mul3A_825 = arith.muli %add3A_823, %mul3A_824 : i32
          %get3A_826 = arith.index_cast %mul3A_825 : i32 to index
          %get3A_827 = tpu.vector_load %arg6[%get3A_826] {strides = array<i32>} : memref<26624xf32, #tpu.memory_space<vmem>>, vector<16xf32>,
          %get3A_828 = vector.shape_cast %get3A_827 : vector<16xf32> to vector<16xf32>
          %mul3A_829 = arith.mulf %get3A_828, %get3A_248 : vector<16xf32>
          %add3A_830 = arith.addf %add3A_817, %mul3A_829 : vector<16xf32>
          %mul3A_831 = arith.constant 64 : i32
          %mul3A_832 = arith.muli %while3A_793, %mul3A_831 : i32
          %add3A_833 = arith.constant 16 : i32
          %add3A_834 = arith.addi %mul3A_832, %add3A_833 : i32
          %add3A_835 = arith.constant 3 : i32
          %add3A_836 = arith.addi %add3A_834, %add3A_835 : i32
          %mul3A_837 = arith.constant 16 : i32
          %mul3A_838 = arith.muli %add3A_836, %mul3A_837 : i32
          %get3A_839 = arith.index_cast %mul3A_838 : i32 to index
          %get3A_840 = tpu.vector_load %arg6[%get3A_839] {strides = array<i32>} : memref<26624xf32, #tpu.memory_space<vmem>>, vector<16xf32>,
          %get3A_841 = vector.shape_cast %get3A_840 : vector<16xf32> to vector<16xf32>
          %mul3A_842 = arith.mulf %get3A_841, %get3A_259 : vector<16xf32>
          %add3A_843 = arith.addf %add3A_830, %mul3A_842 : vector<16xf32>
          %mul3A_844 = arith.constant 64 : i32
          %mul3A_845 = arith.muli %while3A_793, %mul3A_844 : i32
          %add3A_846 = arith.constant 16 : i32
          %add3A_847 = arith.addi %mul3A_845, %add3A_846 : i32
          %add3A_848 = arith.constant 4 : i32
          %add3A_849 = arith.addi %add3A_847, %add3A_848 : i32
          %mul3A_850 = arith.constant 16 : i32
          %mul3A_851 = arith.muli %add3A_849, %mul3A_850 : i32
          %get3A_852 = arith.index_cast %mul3A_851 : i32 to index
          %get3A_853 = tpu.vector_load %arg6[%get3A_852] {strides = array<i32>} : memref<26624xf32, #tpu.memory_space<vmem>>, vector<16xf32>,
          %get3A_854 = vector.shape_cast %get3A_853 : vector<16xf32> to vector<16xf32>
          %mul3A_855 = arith.mulf %get3A_854, %get3A_270 : vector<16xf32>
          %add3A_856 = arith.addf %add3A_843, %mul3A_855 : vector<16xf32>
          %mul3A_857 = arith.constant 64 : i32
          %mul3A_858 = arith.muli %while3A_793, %mul3A_857 : i32
          %add3A_859 = arith.constant 16 : i32
          %add3A_860 = arith.addi %mul3A_858, %add3A_859 : i32
          %add3A_861 = arith.constant 5 : i32
          %add3A_862 = arith.addi %add3A_860, %add3A_861 : i32
          %mul3A_863 = arith.constant 16 : i32
          %mul3A_864 = arith.muli %add3A_862, %mul3A_863 : i32
          %get3A_865 = arith.index_cast %mul3A_864 : i32 to index
          %get3A_866 = tpu.vector_load %arg6[%get3A_865] {strides = array<i32>} : memref<26624xf32, #tpu.memory_space<vmem>>, vector<16xf32>,
          %get3A_867 = vector.shape_cast %get3A_866 : vector<16xf32> to vector<16xf32>
          %mul3A_868 = arith.mulf %get3A_867, %get3A_281 : vector<16xf32>
          %add3A_869 = arith.addf %add3A_856, %mul3A_868 : vector<16xf32>
          %mul3A_870 = arith.constant 64 : i32
          %mul3A_871 = arith.muli %while3A_793, %mul3A_870 : i32
          %add3A_872 = arith.constant 16 : i32
          %add3A_873 = arith.addi %mul3A_871, %add3A_872 : i32
          %add3A_874 = arith.constant 6 : i32
          %add3A_875 = arith.addi %add3A_873, %add3A_874 : i32
          %mul3A_876 = arith.constant 16 : i32
          %mul3A_877 = arith.muli %add3A_875, %mul3A_876 : i32
          %get3A_878 = arith.index_cast %mul3A_877 : i32 to index
          %get3A_879 = tpu.vector_load %arg6[%get3A_878] {strides = array<i32>} : memref<26624xf32, #tpu.memory_space<vmem>>, vector<16xf32>,
          %get3A_880 = vector.shape_cast %get3A_879 : vector<16xf32> to vector<16xf32>
          %mul3A_881 = arith.mulf %get3A_880, %get3A_292 : vector<16xf32>
          %add3A_882 = arith.addf %add3A_869, %mul3A_881 : vector<16xf32>
          %mul3A_883 = arith.constant 64 : i32
          %mul3A_884 = arith.muli %while3A_793, %mul3A_883 : i32
          %add3A_885 = arith.constant 16 : i32
          %add3A_886 = arith.addi %mul3A_884, %add3A_885 : i32
          %add3A_887 = arith.constant 7 : i32
          %add3A_888 = arith.addi %add3A_886, %add3A_887 : i32
          %mul3A_889 = arith.constant 16 : i32
          %mul3A_890 = arith.muli %add3A_888, %mul3A_889 : i32
          %get3A_891 = arith.index_cast %mul3A_890 : i32 to index
          %get3A_892 = tpu.vector_load %arg6[%get3A_891] {strides = array<i32>} : memref<26624xf32, #tpu.memory_space<vmem>>, vector<16xf32>,
          %get3A_893 = vector.shape_cast %get3A_892 : vector<16xf32> to vector<16xf32>
          %mul3A_894 = arith.mulf %get3A_893, %get3A_303 : vector<16xf32>
          %add3A_895 = arith.addf %add3A_882, %mul3A_894 : vector<16xf32>
          %mul3A_896 = arith.constant 64 : i32
          %mul3A_897 = arith.muli %while3A_793, %mul3A_896 : i32
          %add3A_898 = arith.constant 16 : i32
          %add3A_899 = arith.addi %mul3A_897, %add3A_898 : i32
          %add3A_900 = arith.constant 8 : i32
          %add3A_901 = arith.addi %add3A_899, %add3A_900 : i32
          %mul3A_902 = arith.constant 16 : i32
          %mul3A_903 = arith.muli %add3A_901, %mul3A_902 : i32
          %get3A_904 = arith.index_cast %mul3A_903 : i32 to index
          %get3A_905 = tpu.vector_load %arg6[%get3A_904] {strides = array<i32>} : memref<26624xf32, #tpu.memory_space<vmem>>, vector<16xf32>,
          %get3A_906 = vector.shape_cast %get3A_905 : vector<16xf32> to vector<16xf32>
          %mul3A_907 = arith.mulf %get3A_906, %get3A_314 : vector<16xf32>
          %add3A_908 = arith.addf %add3A_895, %mul3A_907 : vector<16xf32>
          %mul3A_909 = arith.constant 64 : i32
          %mul3A_910 = arith.muli %while3A_793, %mul3A_909 : i32
          %add3A_911 = arith.constant 16 : i32
          %add3A_912 = arith.addi %mul3A_910, %add3A_911 : i32
          %add3A_913 = arith.constant 9 : i32
          %add3A_914 = arith.addi %add3A_912, %add3A_913 : i32
          %mul3A_915 = arith.constant 16 : i32
          %mul3A_916 = arith.muli %add3A_914, %mul3A_915 : i32
          %get3A_917 = arith.index_cast %mul3A_916 : i32 to index
          %get3A_918 = tpu.vector_load %arg6[%get3A_917] {strides = array<i32>} : memref<26624xf32, #tpu.memory_space<vmem>>, vector<16xf32>,
          %get3A_919 = vector.shape_cast %get3A_918 : vector<16xf32> to vector<16xf32>
          %mul3A_920 = arith.mulf %get3A_919, %get3A_325 : vector<16xf32>
          %add3A_921 = arith.addf %add3A_908, %mul3A_920 : vector<16xf32>
          %mul3A_922 = arith.constant 64 : i32
          %mul3A_923 = arith.muli %while3A_793, %mul3A_922 : i32
          %add3A_924 = arith.constant 16 : i32
          %add3A_925 = arith.addi %mul3A_923, %add3A_924 : i32
          %add3A_926 = arith.constant 10 : i32
          %add3A_927 = arith.addi %add3A_925, %add3A_926 : i32
          %mul3A_928 = arith.constant 16 : i32
          %mul3A_929 = arith.muli %add3A_927, %mul3A_928 : i32
          %get3A_930 = arith.index_cast %mul3A_929 : i32 to index
          %get3A_931 = tpu.vector_load %arg6[%get3A_930] {strides = array<i32>} : memref<26624xf32, #tpu.memory_space<vmem>>, vector<16xf32>,
          %get3A_932 = vector.shape_cast %get3A_931 : vector<16xf32> to vector<16xf32>
          %mul3A_933 = arith.mulf %get3A_932, %get3A_336 : vector<16xf32>
          %add3A_934 = arith.addf %add3A_921, %mul3A_933 : vector<16xf32>
          %mul3A_935 = arith.constant 64 : i32
          %mul3A_936 = arith.muli %while3A_793, %mul3A_935 : i32
          %add3A_937 = arith.constant 16 : i32
          %add3A_938 = arith.addi %mul3A_936, %add3A_937 : i32
          %add3A_939 = arith.constant 11 : i32
          %add3A_940 = arith.addi %add3A_938, %add3A_939 : i32
          %mul3A_941 = arith.constant 16 : i32
          %mul3A_942 = arith.muli %add3A_940, %mul3A_941 : i32
          %get3A_943 = arith.index_cast %mul3A_942 : i32 to index
          %get3A_944 = tpu.vector_load %arg6[%get3A_943] {strides = array<i32>} : memref<26624xf32, #tpu.memory_space<vmem>>, vector<16xf32>,
          %get3A_945 = vector.shape_cast %get3A_944 : vector<16xf32> to vector<16xf32>
          %mul3A_946 = arith.mulf %get3A_945, %get3A_347 : vector<16xf32>
          %add3A_947 = arith.addf %add3A_934, %mul3A_946 : vector<16xf32>
          %mul3A_948 = arith.constant 64 : i32
          %mul3A_949 = arith.muli %while3A_793, %mul3A_948 : i32
          %add3A_950 = arith.constant 16 : i32
          %add3A_951 = arith.addi %mul3A_949, %add3A_950 : i32
          %add3A_952 = arith.constant 12 : i32
          %add3A_953 = arith.addi %add3A_951, %add3A_952 : i32
          %mul3A_954 = arith.constant 16 : i32
          %mul3A_955 = arith.muli %add3A_953, %mul3A_954 : i32
          %get3A_956 = arith.index_cast %mul3A_955 : i32 to index
          %get3A_957 = tpu.vector_load %arg6[%get3A_956] {strides = array<i32>} : memref<26624xf32, #tpu.memory_space<vmem>>, vector<16xf32>,
          %get3A_958 = vector.shape_cast %get3A_957 : vector<16xf32> to vector<16xf32>
          %mul3A_959 = arith.mulf %get3A_958, %get3A_358 : vector<16xf32>
          %add3A_960 = arith.addf %add3A_947, %mul3A_959 : vector<16xf32>
          %mul3A_961 = arith.constant 64 : i32
          %mul3A_962 = arith.muli %while3A_793, %mul3A_961 : i32
          %add3A_963 = arith.constant 16 : i32
          %add3A_964 = arith.addi %mul3A_962, %add3A_963 : i32
          %add3A_965 = arith.constant 13 : i32
          %add3A_966 = arith.addi %add3A_964, %add3A_965 : i32
          %mul3A_967 = arith.constant 16 : i32
          %mul3A_968 = arith.muli %add3A_966, %mul3A_967 : i32
          %get3A_969 = arith.index_cast %mul3A_968 : i32 to index
          %get3A_970 = tpu.vector_load %arg6[%get3A_969] {strides = array<i32>} : memref<26624xf32, #tpu.memory_space<vmem>>, vector<16xf32>,
          %get3A_971 = vector.shape_cast %get3A_970 : vector<16xf32> to vector<16xf32>
          %mul3A_972 = arith.mulf %get3A_971, %get3A_369 : vector<16xf32>
          %add3A_973 = arith.addf %add3A_960, %mul3A_972 : vector<16xf32>
          %mul3A_974 = arith.constant 64 : i32
          %mul3A_975 = arith.muli %while3A_793, %mul3A_974 : i32
          %add3A_976 = arith.constant 16 : i32
          %add3A_977 = arith.addi %mul3A_975, %add3A_976 : i32
          %add3A_978 = arith.constant 14 : i32
          %add3A_979 = arith.addi %add3A_977, %add3A_978 : i32
          %mul3A_980 = arith.constant 16 : i32
          %mul3A_981 = arith.muli %add3A_979, %mul3A_980 : i32
          %get3A_982 = arith.index_cast %mul3A_981 : i32 to index
          %get3A_983 = tpu.vector_load %arg6[%get3A_982] {strides = array<i32>} : memref<26624xf32, #tpu.memory_space<vmem>>, vector<16xf32>,
          %get3A_984 = vector.shape_cast %get3A_983 : vector<16xf32> to vector<16xf32>
          %mul3A_985 = arith.mulf %get3A_984, %get3A_380 : vector<16xf32>
          %add3A_986 = arith.addf %add3A_973, %mul3A_985 : vector<16xf32>
          %mul3A_987 = arith.constant 64 : i32
          %mul3A_988 = arith.muli %while3A_793, %mul3A_987 : i32
          %add3A_989 = arith.constant 16 : i32
          %add3A_990 = arith.addi %mul3A_988, %add3A_989 : i32
          %add3A_991 = arith.constant 15 : i32
          %add3A_992 = arith.addi %add3A_990, %add3A_991 : i32
          %mul3A_993 = arith.constant 16 : i32
          %mul3A_994 = arith.muli %add3A_992, %mul3A_993 : i32
          %get3A_995 = arith.index_cast %mul3A_994 : i32 to index
          %get3A_996 = tpu.vector_load %arg6[%get3A_995] {strides = array<i32>} : memref<26624xf32, #tpu.memory_space<vmem>>, vector<16xf32>,
          %get3A_997 = vector.shape_cast %get3A_996 : vector<16xf32> to vector<16xf32>
          %mul3A_998 = arith.mulf %get3A_997, %get3A_391 : vector<16xf32>
          %add3A_999 = arith.addf %add3A_986, %mul3A_998 : vector<16xf32>
          %mul3A_1000 = arith.constant 16 : i32
          %mul3A_1001 = arith.muli %while3A_793, %mul3A_1000 : i32
          %get3A_1002 = arith.index_cast %mul3A_1001 : i32 to index
          %get3A_1003 = tpu.vector_load %arg10[%get3A_1002] {strides = array<i32>} : memref<512xf32, #tpu.memory_space<vmem>>, vector<16xf32>,
          %get3A_1004 = vector.shape_cast %get3A_1003 : vector<16xf32> to vector<16xf32>
          %add3A_1005 = arith.addf %get3A_1004, %add3A_999 : vector<16xf32>
          %mul3A_1006 = arith.constant 16 : i32
          %mul3A_1007 = arith.muli %while3A_793, %mul3A_1006 : i32
          %swap3A = arith.index_cast %mul3A_1007 : i32 to index
          %swap3A_1008 = tpu.vector_load %arg10[%swap3A] {strides = array<i32>} : memref<512xf32, #tpu.memory_space<vmem>>, vector<16xf32>,
          %swap3A_1009 = vector.shape_cast %swap3A_1008 : vector<16xf32> to vector<16xf32>
          %swap3A_1010 = vector.shape_cast %add3A_1005 : vector<16xf32> to vector<16xf32>
          tpu.vector_store %arg10[%swap3A], %swap3A_1010 {strides = array<i32>} : memref<512xf32, #tpu.memory_space<vmem>>, vector<16xf32>,
          %while3A_1011 = arith.constant 0 : i32
          scf.yield %while3A_1011 : i32
        }
        %while3A_402 = arith.constant 1 : i32
        %while3A_403 = scf.for %while3A_793 = %while3A_399 to %while3A_395 step %while3A_402 iter_args(%while3A_794 = %while3A_401) -> (i32)  : i32 {
          %mul3A_795 = arith.constant 64 : i32
          %mul3A_796 = arith.muli %while3A_793, %mul3A_795 : i32
          %add3A_797 = arith.constant 16 : i32
          %add3A_798 = arith.addi %mul3A_796, %add3A_797 : i32
          %mul3A_799 = arith.constant 16 : i32
          %mul3A_800 = arith.muli %add3A_798, %mul3A_799 : i32
          %get3A_801 = arith.index_cast %mul3A_800 : i32 to index
          %get3A_802 = tpu.vector_load %arg6[%get3A_801] {strides = array<i32>} : memref<26624xf32, #tpu.memory_space<vmem>>, vector<16xf32>,
          %get3A_803 = vector.shape_cast %get3A_802 : vector<16xf32> to vector<16xf32>
          %mul3A_804 = arith.mulf %get3A_803, %get3A_226 : vector<16xf32>
          %mul3A_805 = arith.constant 64 : i32
          %mul3A_806 = arith.muli %while3A_793, %mul3A_805 : i32
          %add3A_807 = arith.constant 16 : i32
          %add3A_808 = arith.addi %mul3A_806, %add3A_807 : i32
          %add3A_809 = arith.constant 1 : i32
          %add3A_810 = arith.addi %add3A_808, %add3A_809 : i32
          %mul3A_811 = arith.constant 16 : i32
          %mul3A_812 = arith.muli %add3A_810, %mul3A_811 : i32
          %get3A_813 = arith.index_cast %mul3A_812 : i32 to index
          %get3A_814 = tpu.vector_load %arg6[%get3A_813] {strides = array<i32>} : memref<26624xf32, #tpu.memory_space<vmem>>, vector<16xf32>,
          %get3A_815 = vector.shape_cast %get3A_814 : vector<16xf32> to vector<16xf32>
          %mul3A_816 = arith.mulf %get3A_815, %get3A_237 : vector<16xf32>
          %add3A_817 = arith.addf %mul3A_804, %mul3A_816 : vector<16xf32>
          %mul3A_818 = arith.constant 64 : i32
          %mul3A_819 = arith.muli %while3A_793, %mul3A_818 : i32
          %add3A_820 = arith.constant 16 : i32
          %add3A_821 = arith.addi %mul3A_819, %add3A_820 : i32
          %add3A_822 = arith.constant 2 : i32
          %add3A_823 = arith.addi %add3A_821, %add3A_822 : i32
          %mul3A_824 = arith.constant 16 : i32
          %mul3A_825 = arith.muli %add3A_823, %mul3A_824 : i32
          %get3A_826 = arith.index_cast %mul3A_825 : i32 to index
          %get3A_827 = tpu.vector_load %arg6[%get3A_826] {strides = array<i32>} : memref<26624xf32, #tpu.memory_space<vmem>>, vector<16xf32>,
          %get3A_828 = vector.shape_cast %get3A_827 : vector<16xf32> to vector<16xf32>
          %mul3A_829 = arith.mulf %get3A_828, %get3A_248 : vector<16xf32>
          %add3A_830 = arith.addf %add3A_817, %mul3A_829 : vector<16xf32>
          %mul3A_831 = arith.constant 64 : i32
          %mul3A_832 = arith.muli %while3A_793, %mul3A_831 : i32
          %add3A_833 = arith.constant 16 : i32
          %add3A_834 = arith.addi %mul3A_832, %add3A_833 : i32
          %add3A_835 = arith.constant 3 : i32
          %add3A_836 = arith.addi %add3A_834, %add3A_835 : i32
          %mul3A_837 = arith.constant 16 : i32
          %mul3A_838 = arith.muli %add3A_836, %mul3A_837 : i32
          %get3A_839 = arith.index_cast %mul3A_838 : i32 to index
          %get3A_840 = tpu.vector_load %arg6[%get3A_839] {strides = array<i32>} : memref<26624xf32, #tpu.memory_space<vmem>>, vector<16xf32>,
          %get3A_841 = vector.shape_cast %get3A_840 : vector<16xf32> to vector<16xf32>
          %mul3A_842 = arith.mulf %get3A_841, %get3A_259 : vector<16xf32>
          %add3A_843 = arith.addf %add3A_830, %mul3A_842 : vector<16xf32>
          %mul3A_844 = arith.constant 64 : i32
          %mul3A_845 = arith.muli %while3A_793, %mul3A_844 : i32
          %add3A_846 = arith.constant 16 : i32
          %add3A_847 = arith.addi %mul3A_845, %add3A_846 : i32
          %add3A_848 = arith.constant 4 : i32
          %add3A_849 = arith.addi %add3A_847, %add3A_848 : i32
          %mul3A_850 = arith.constant 16 : i32
          %mul3A_851 = arith.muli %add3A_849, %mul3A_850 : i32
          %get3A_852 = arith.index_cast %mul3A_851 : i32 to index
          %get3A_853 = tpu.vector_load %arg6[%get3A_852] {strides = array<i32>} : memref<26624xf32, #tpu.memory_space<vmem>>, vector<16xf32>,
          %get3A_854 = vector.shape_cast %get3A_853 : vector<16xf32> to vector<16xf32>
          %mul3A_855 = arith.mulf %get3A_854, %get3A_270 : vector<16xf32>
          %add3A_856 = arith.addf %add3A_843, %mul3A_855 : vector<16xf32>
          %mul3A_857 = arith.constant 64 : i32
          %mul3A_858 = arith.muli %while3A_793, %mul3A_857 : i32
          %add3A_859 = arith.constant 16 : i32
          %add3A_860 = arith.addi %mul3A_858, %add3A_859 : i32
          %add3A_861 = arith.constant 5 : i32
          %add3A_862 = arith.addi %add3A_860, %add3A_861 : i32
          %mul3A_863 = arith.constant 16 : i32
          %mul3A_864 = arith.muli %add3A_862, %mul3A_863 : i32
          %get3A_865 = arith.index_cast %mul3A_864 : i32 to index
          %get3A_866 = tpu.vector_load %arg6[%get3A_865] {strides = array<i32>} : memref<26624xf32, #tpu.memory_space<vmem>>, vector<16xf32>,
          %get3A_867 = vector.shape_cast %get3A_866 : vector<16xf32> to vector<16xf32>
          %mul3A_868 = arith.mulf %get3A_867, %get3A_281 : vector<16xf32>
          %add3A_869 = arith.addf %add3A_856, %mul3A_868 : vector<16xf32>
          %mul3A_870 = arith.constant 64 : i32
          %mul3A_871 = arith.muli %while3A_793, %mul3A_870 : i32
          %add3A_872 = arith.constant 16 : i32
          %add3A_873 = arith.addi %mul3A_871, %add3A_872 : i32
          %add3A_874 = arith.constant 6 : i32
          %add3A_875 = arith.addi %add3A_873, %add3A_874 : i32
          %mul3A_876 = arith.constant 16 : i32
          %mul3A_877 = arith.muli %add3A_875, %mul3A_876 : i32
          %get3A_878 = arith.index_cast %mul3A_877 : i32 to index
          %get3A_879 = tpu.vector_load %arg6[%get3A_878] {strides = array<i32>} : memref<26624xf32, #tpu.memory_space<vmem>>, vector<16xf32>,
          %get3A_880 = vector.shape_cast %get3A_879 : vector<16xf32> to vector<16xf32>
          %mul3A_881 = arith.mulf %get3A_880, %get3A_292 : vector<16xf32>
          %add3A_882 = arith.addf %add3A_869, %mul3A_881 : vector<16xf32>
          %mul3A_883 = arith.constant 64 : i32
          %mul3A_884 = arith.muli %while3A_793, %mul3A_883 : i32
          %add3A_885 = arith.constant 16 : i32
          %add3A_886 = arith.addi %mul3A_884, %add3A_885 : i32
          %add3A_887 = arith.constant 7 : i32
          %add3A_888 = arith.addi %add3A_886, %add3A_887 : i32
          %mul3A_889 = arith.constant 16 : i32
          %mul3A_890 = arith.muli %add3A_888, %mul3A_889 : i32
          %get3A_891 = arith.index_cast %mul3A_890 : i32 to index
          %get3A_892 = tpu.vector_load %arg6[%get3A_891] {strides = array<i32>} : memref<26624xf32, #tpu.memory_space<vmem>>, vector<16xf32>,
          %get3A_893 = vector.shape_cast %get3A_892 : vector<16xf32> to vector<16xf32>
          %mul3A_894 = arith.mulf %get3A_893, %get3A_303 : vector<16xf32>
          %add3A_895 = arith.addf %add3A_882, %mul3A_894 : vector<16xf32>
          %mul3A_896 = arith.constant 64 : i32
          %mul3A_897 = arith.muli %while3A_793, %mul3A_896 : i32
          %add3A_898 = arith.constant 16 : i32
          %add3A_899 = arith.addi %mul3A_897, %add3A_898 : i32
          %add3A_900 = arith.constant 8 : i32
          %add3A_901 = arith.addi %add3A_899, %add3A_900 : i32
          %mul3A_902 = arith.constant 16 : i32
          %mul3A_903 = arith.muli %add3A_901, %mul3A_902 : i32
          %get3A_904 = arith.index_cast %mul3A_903 : i32 to index
          %get3A_905 = tpu.vector_load %arg6[%get3A_904] {strides = array<i32>} : memref<26624xf32, #tpu.memory_space<vmem>>, vector<16xf32>,
          %get3A_906 = vector.shape_cast %get3A_905 : vector<16xf32> to vector<16xf32>
          %mul3A_907 = arith.mulf %get3A_906, %get3A_314 : vector<16xf32>
          %add3A_908 = arith.addf %add3A_895, %mul3A_907 : vector<16xf32>
          %mul3A_909 = arith.constant 64 : i32
          %mul3A_910 = arith.muli %while3A_793, %mul3A_909 : i32
          %add3A_911 = arith.constant 16 : i32
          %add3A_912 = arith.addi %mul3A_910, %add3A_911 : i32
          %add3A_913 = arith.constant 9 : i32
          %add3A_914 = arith.addi %add3A_912, %add3A_913 : i32
          %mul3A_915 = arith.constant 16 : i32
          %mul3A_916 = arith.muli %add3A_914, %mul3A_915 : i32
          %get3A_917 = arith.index_cast %mul3A_916 : i32 to index
          %get3A_918 = tpu.vector_load %arg6[%get3A_917] {strides = array<i32>} : memref<26624xf32, #tpu.memory_space<vmem>>, vector<16xf32>,
          %get3A_919 = vector.shape_cast %get3A_918 : vector<16xf32> to vector<16xf32>
          %mul3A_920 = arith.mulf %get3A_919, %get3A_325 : vector<16xf32>
          %add3A_921 = arith.addf %add3A_908, %mul3A_920 : vector<16xf32>
          %mul3A_922 = arith.constant 64 : i32
          %mul3A_923 = arith.muli %while3A_793, %mul3A_922 : i32
          %add3A_924 = arith.constant 16 : i32
          %add3A_925 = arith.addi %mul3A_923, %add3A_924 : i32
          %add3A_926 = arith.constant 10 : i32
          %add3A_927 = arith.addi %add3A_925, %add3A_926 : i32
          %mul3A_928 = arith.constant 16 : i32
          %mul3A_929 = arith.muli %add3A_927, %mul3A_928 : i32
          %get3A_930 = arith.index_cast %mul3A_929 : i32 to index
          %get3A_931 = tpu.vector_load %arg6[%get3A_930] {strides = array<i32>} : memref<26624xf32, #tpu.memory_space<vmem>>, vector<16xf32>,
          %get3A_932 = vector.shape_cast %get3A_931 : vector<16xf32> to vector<16xf32>
          %mul3A_933 = arith.mulf %get3A_932, %get3A_336 : vector<16xf32>
          %add3A_934 = arith.addf %add3A_921, %mul3A_933 : vector<16xf32>
          %mul3A_935 = arith.constant 64 : i32
          %mul3A_936 = arith.muli %while3A_793, %mul3A_935 : i32
          %add3A_937 = arith.constant 16 : i32
          %add3A_938 = arith.addi %mul3A_936, %add3A_937 : i32
          %add3A_939 = arith.constant 11 : i32
          %add3A_940 = arith.addi %add3A_938, %add3A_939 : i32
          %mul3A_941 = arith.constant 16 : i32
          %mul3A_942 = arith.muli %add3A_940, %mul3A_941 : i32
          %get3A_943 = arith.index_cast %mul3A_942 : i32 to index
          %get3A_944 = tpu.vector_load %arg6[%get3A_943] {strides = array<i32>} : memref<26624xf32, #tpu.memory_space<vmem>>, vector<16xf32>,
          %get3A_945 = vector.shape_cast %get3A_944 : vector<16xf32> to vector<16xf32>
          %mul3A_946 = arith.mulf %get3A_945, %get3A_347 : vector<16xf32>
          %add3A_947 = arith.addf %add3A_934, %mul3A_946 : vector<16xf32>
          %mul3A_948 = arith.constant 64 : i32
          %mul3A_949 = arith.muli %while3A_793, %mul3A_948 : i32
          %add3A_950 = arith.constant 16 : i32
          %add3A_951 = arith.addi %mul3A_949, %add3A_950 : i32
          %add3A_952 = arith.constant 12 : i32
          %add3A_953 = arith.addi %add3A_951, %add3A_952 : i32
          %mul3A_954 = arith.constant 16 : i32
          %mul3A_955 = arith.muli %add3A_953, %mul3A_954 : i32
          %get3A_956 = arith.index_cast %mul3A_955 : i32 to index
          %get3A_957 = tpu.vector_load %arg6[%get3A_956] {strides = array<i32>} : memref<26624xf32, #tpu.memory_space<vmem>>, vector<16xf32>,
          %get3A_958 = vector.shape_cast %get3A_957 : vector<16xf32> to vector<16xf32>
          %mul3A_959 = arith.mulf %get3A_958, %get3A_358 : vector<16xf32>
          %add3A_960 = arith.addf %add3A_947, %mul3A_959 : vector<16xf32>
          %mul3A_961 = arith.constant 64 : i32
          %mul3A_962 = arith.muli %while3A_793, %mul3A_961 : i32
          %add3A_963 = arith.constant 16 : i32
          %add3A_964 = arith.addi %mul3A_962, %add3A_963 : i32
          %add3A_965 = arith.constant 13 : i32
          %add3A_966 = arith.addi %add3A_964, %add3A_965 : i32
          %mul3A_967 = arith.constant 16 : i32
          %mul3A_968 = arith.muli %add3A_966, %mul3A_967 : i32
          %get3A_969 = arith.index_cast %mul3A_968 : i32 to index
          %get3A_970 = tpu.vector_load %arg6[%get3A_969] {strides = array<i32>} : memref<26624xf32, #tpu.memory_space<vmem>>, vector<16xf32>,
          %get3A_971 = vector.shape_cast %get3A_970 : vector<16xf32> to vector<16xf32>
          %mul3A_972 = arith.mulf %get3A_971, %get3A_369 : vector<16xf32>
          %add3A_973 = arith.addf %add3A_960, %mul3A_972 : vector<16xf32>
          %mul3A_974 = arith.constant 64 : i32
          %mul3A_975 = arith.muli %while3A_793, %mul3A_974 : i32
          %add3A_976 = arith.constant 16 : i32
          %add3A_977 = arith.addi %mul3A_975, %add3A_976 : i32
          %add3A_978 = arith.constant 14 : i32
          %add3A_979 = arith.addi %add3A_977, %add3A_978 : i32
          %mul3A_980 = arith.constant 16 : i32
          %mul3A_981 = arith.muli %add3A_979, %mul3A_980 : i32
          %get3A_982 = arith.index_cast %mul3A_981 : i32 to index
          %get3A_983 = tpu.vector_load %arg6[%get3A_982] {strides = array<i32>} : memref<26624xf32, #tpu.memory_space<vmem>>, vector<16xf32>,
          %get3A_984 = vector.shape_cast %get3A_983 : vector<16xf32> to vector<16xf32>
          %mul3A_985 = arith.mulf %get3A_984, %get3A_380 : vector<16xf32>
          %add3A_986 = arith.addf %add3A_973, %mul3A_985 : vector<16xf32>
          %mul3A_987 = arith.constant 64 : i32
          %mul3A_988 = arith.muli %while3A_793, %mul3A_987 : i32
          %add3A_989 = arith.constant 16 : i32
          %add3A_990 = arith.addi %mul3A_988, %add3A_989 : i32
          %add3A_991 = arith.constant 15 : i32
          %add3A_992 = arith.addi %add3A_990, %add3A_991 : i32
          %mul3A_993 = arith.constant 16 : i32
          %mul3A_994 = arith.muli %add3A_992, %mul3A_993 : i32
          %get3A_995 = arith.index_cast %mul3A_994 : i32 to index
          %get3A_996 = tpu.vector_load %arg6[%get3A_995] {strides = array<i32>} : memref<26624xf32, #tpu.memory_space<vmem>>, vector<16xf32>,
          %get3A_997 = vector.shape_cast %get3A_996 : vector<16xf32> to vector<16xf32>
          %mul3A_998 = arith.mulf %get3A_997, %get3A_391 : vector<16xf32>
          %add3A_999 = arith.addf %add3A_986, %mul3A_998 : vector<16xf32>
          %mul3A_1000 = arith.constant 16 : i32
          %mul3A_1001 = arith.muli %while3A_793, %mul3A_1000 : i32
          %get3A_1002 = arith.index_cast %mul3A_1001 : i32 to index
          %get3A_1003 = tpu.vector_load %arg10[%get3A_1002] {strides = array<i32>} : memref<512xf32, #tpu.memory_space<vmem>>, vector<16xf32>,
          %get3A_1004 = vector.shape_cast %get3A_1003 : vector<16xf32> to vector<16xf32>
          %add3A_1005 = arith.addf %get3A_1004, %add3A_999 : vector<16xf32>
          %mul3A_1006 = arith.constant 16 : i32
          %mul3A_1007 = arith.muli %while3A_793, %mul3A_1006 : i32
          %swap3A = arith.index_cast %mul3A_1007 : i32 to index
          %swap3A_1008 = tpu.vector_load %arg10[%swap3A] {strides = array<i32>} : memref<512xf32, #tpu.memory_space<vmem>>, vector<16xf32>,
          %swap3A_1009 = vector.shape_cast %swap3A_1008 : vector<16xf32> to vector<16xf32>
          %swap3A_1010 = vector.shape_cast %add3A_1005 : vector<16xf32> to vector<16xf32>
          tpu.vector_store %arg10[%swap3A], %swap3A_1010 {strides = array<i32>} : memref<512xf32, #tpu.memory_space<vmem>>, vector<16xf32>,
          %while3A_1011 = arith.constant 0 : i32
          scf.yield %while3A_1011 : i32
        }
        %mul3A_404 = arith.constant 64 : i32
        %mul3A_405 = arith.muli %scan3A_28, %mul3A_404 : i32
        %add3A_406 = arith.constant 32 : i32
        %add3A_407 = arith.addi %mul3A_405, %add3A_406 : i32
        %add3A_408 = arith.constant 0 : i32
        %add3A_409 = arith.addi %add3A_407, %add3A_408 : i32
        %mul3A_410 = arith.constant 16 : i32
        %mul3A_411 = arith.muli %add3A_409, %mul3A_410 : i32
        %get3A_412 = arith.index_cast %mul3A_411 : i32 to index
        %get3A_413 = tpu.vector_load %arg6[%get3A_412] {strides = array<i32>} : memref<26624xf32, #tpu.memory_space<vmem>>, vector<16xf32>,
        %get3A_414 = vector.shape_cast %get3A_413 : vector<16xf32> to vector<16xf32>
        %mul3A_415 = arith.constant 64 : i32
        %mul3A_416 = arith.muli %scan3A_28, %mul3A_415 : i32
        %add3A_417 = arith.constant 32 : i32
        %add3A_418 = arith.addi %mul3A_416, %add3A_417 : i32
        %add3A_419 = arith.constant 1 : i32
        %add3A_420 = arith.addi %add3A_418, %add3A_419 : i32
        %mul3A_421 = arith.constant 16 : i32
        %mul3A_422 = arith.muli %add3A_420, %mul3A_421 : i32
        %get3A_423 = arith.index_cast %mul3A_422 : i32 to index
        %get3A_424 = tpu.vector_load %arg6[%get3A_423] {strides = array<i32>} : memref<26624xf32, #tpu.memory_space<vmem>>, vector<16xf32>,
        %get3A_425 = vector.shape_cast %get3A_424 : vector<16xf32> to vector<16xf32>
        %mul3A_426 = arith.constant 64 : i32
        %mul3A_427 = arith.muli %scan3A_28, %mul3A_426 : i32
        %add3A_428 = arith.constant 32 : i32
        %add3A_429 = arith.addi %mul3A_427, %add3A_428 : i32
        %add3A_430 = arith.constant 2 : i32
        %add3A_431 = arith.addi %add3A_429, %add3A_430 : i32
        %mul3A_432 = arith.constant 16 : i32
        %mul3A_433 = arith.muli %add3A_431, %mul3A_432 : i32
        %get3A_434 = arith.index_cast %mul3A_433 : i32 to index
        %get3A_435 = tpu.vector_load %arg6[%get3A_434] {strides = array<i32>} : memref<26624xf32, #tpu.memory_space<vmem>>, vector<16xf32>,
        %get3A_436 = vector.shape_cast %get3A_435 : vector<16xf32> to vector<16xf32>
        %mul3A_437 = arith.constant 64 : i32
        %mul3A_438 = arith.muli %scan3A_28, %mul3A_437 : i32
        %add3A_439 = arith.constant 32 : i32
        %add3A_440 = arith.addi %mul3A_438, %add3A_439 : i32
        %add3A_441 = arith.constant 3 : i32
        %add3A_442 = arith.addi %add3A_440, %add3A_441 : i32
        %mul3A_443 = arith.constant 16 : i32
        %mul3A_444 = arith.muli %add3A_442, %mul3A_443 : i32
        %get3A_445 = arith.index_cast %mul3A_444 : i32 to index
        %get3A_446 = tpu.vector_load %arg6[%get3A_445] {strides = array<i32>} : memref<26624xf32, #tpu.memory_space<vmem>>, vector<16xf32>,
        %get3A_447 = vector.shape_cast %get3A_446 : vector<16xf32> to vector<16xf32>
        %mul3A_448 = arith.constant 64 : i32
        %mul3A_449 = arith.muli %scan3A_28, %mul3A_448 : i32
        %add3A_450 = arith.constant 32 : i32
        %add3A_451 = arith.addi %mul3A_449, %add3A_450 : i32
        %add3A_452 = arith.constant 4 : i32
        %add3A_453 = arith.addi %add3A_451, %add3A_452 : i32
        %mul3A_454 = arith.constant 16 : i32
        %mul3A_455 = arith.muli %add3A_453, %mul3A_454 : i32
        %get3A_456 = arith.index_cast %mul3A_455 : i32 to index
        %get3A_457 = tpu.vector_load %arg6[%get3A_456] {strides = array<i32>} : memref<26624xf32, #tpu.memory_space<vmem>>, vector<16xf32>,
        %get3A_458 = vector.shape_cast %get3A_457 : vector<16xf32> to vector<16xf32>
        %mul3A_459 = arith.constant 64 : i32
        %mul3A_460 = arith.muli %scan3A_28, %mul3A_459 : i32
        %add3A_461 = arith.constant 32 : i32
        %add3A_462 = arith.addi %mul3A_460, %add3A_461 : i32
        %add3A_463 = arith.constant 5 : i32
        %add3A_464 = arith.addi %add3A_462, %add3A_463 : i32
        %mul3A_465 = arith.constant 16 : i32
        %mul3A_466 = arith.muli %add3A_464, %mul3A_465 : i32
        %get3A_467 = arith.index_cast %mul3A_466 : i32 to index
        %get3A_468 = tpu.vector_load %arg6[%get3A_467] {strides = array<i32>} : memref<26624xf32, #tpu.memory_space<vmem>>, vector<16xf32>,
        %get3A_469 = vector.shape_cast %get3A_468 : vector<16xf32> to vector<16xf32>
        %mul3A_470 = arith.constant 64 : i32
        %mul3A_471 = arith.muli %scan3A_28, %mul3A_470 : i32
        %add3A_472 = arith.constant 32 : i32
        %add3A_473 = arith.addi %mul3A_471, %add3A_472 : i32
        %add3A_474 = arith.constant 6 : i32
        %add3A_475 = arith.addi %add3A_473, %add3A_474 : i32
        %mul3A_476 = arith.constant 16 : i32
        %mul3A_477 = arith.muli %add3A_475, %mul3A_476 : i32
        %get3A_478 = arith.index_cast %mul3A_477 : i32 to index
        %get3A_479 = tpu.vector_load %arg6[%get3A_478] {strides = array<i32>} : memref<26624xf32, #tpu.memory_space<vmem>>, vector<16xf32>,
        %get3A_480 = vector.shape_cast %get3A_479 : vector<16xf32> to vector<16xf32>
        %mul3A_481 = arith.constant 64 : i32
        %mul3A_482 = arith.muli %scan3A_28, %mul3A_481 : i32
        %add3A_483 = arith.constant 32 : i32
        %add3A_484 = arith.addi %mul3A_482, %add3A_483 : i32
        %add3A_485 = arith.constant 7 : i32
        %add3A_486 = arith.addi %add3A_484, %add3A_485 : i32
        %mul3A_487 = arith.constant 16 : i32
        %mul3A_488 = arith.muli %add3A_486, %mul3A_487 : i32
        %get3A_489 = arith.index_cast %mul3A_488 : i32 to index
        %get3A_490 = tpu.vector_load %arg6[%get3A_489] {strides = array<i32>} : memref<26624xf32, #tpu.memory_space<vmem>>, vector<16xf32>,
        %get3A_491 = vector.shape_cast %get3A_490 : vector<16xf32> to vector<16xf32>
        %mul3A_492 = arith.constant 64 : i32
        %mul3A_493 = arith.muli %scan3A_28, %mul3A_492 : i32
        %add3A_494 = arith.constant 32 : i32
        %add3A_495 = arith.addi %mul3A_493, %add3A_494 : i32
        %add3A_496 = arith.constant 8 : i32
        %add3A_497 = arith.addi %add3A_495, %add3A_496 : i32
        %mul3A_498 = arith.constant 16 : i32
        %mul3A_499 = arith.muli %add3A_497, %mul3A_498 : i32
        %get3A_500 = arith.index_cast %mul3A_499 : i32 to index
        %get3A_501 = tpu.vector_load %arg6[%get3A_500] {strides = array<i32>} : memref<26624xf32, #tpu.memory_space<vmem>>, vector<16xf32>,
        %get3A_502 = vector.shape_cast %get3A_501 : vector<16xf32> to vector<16xf32>
        %mul3A_503 = arith.constant 64 : i32
        %mul3A_504 = arith.muli %scan3A_28, %mul3A_503 : i32
        %add3A_505 = arith.constant 32 : i32
        %add3A_506 = arith.addi %mul3A_504, %add3A_505 : i32
        %add3A_507 = arith.constant 9 : i32
        %add3A_508 = arith.addi %add3A_506, %add3A_507 : i32
        %mul3A_509 = arith.constant 16 : i32
        %mul3A_510 = arith.muli %add3A_508, %mul3A_509 : i32
        %get3A_511 = arith.index_cast %mul3A_510 : i32 to index
        %get3A_512 = tpu.vector_load %arg6[%get3A_511] {strides = array<i32>} : memref<26624xf32, #tpu.memory_space<vmem>>, vector<16xf32>,
        %get3A_513 = vector.shape_cast %get3A_512 : vector<16xf32> to vector<16xf32>
        %mul3A_514 = arith.constant 64 : i32
        %mul3A_515 = arith.muli %scan3A_28, %mul3A_514 : i32
        %add3A_516 = arith.constant 32 : i32
        %add3A_517 = arith.addi %mul3A_515, %add3A_516 : i32
        %add3A_518 = arith.constant 10 : i32
        %add3A_519 = arith.addi %add3A_517, %add3A_518 : i32
        %mul3A_520 = arith.constant 16 : i32
        %mul3A_521 = arith.muli %add3A_519, %mul3A_520 : i32
        %get3A_522 = arith.index_cast %mul3A_521 : i32 to index
        %get3A_523 = tpu.vector_load %arg6[%get3A_522] {strides = array<i32>} : memref<26624xf32, #tpu.memory_space<vmem>>, vector<16xf32>,
        %get3A_524 = vector.shape_cast %get3A_523 : vector<16xf32> to vector<16xf32>
        %mul3A_525 = arith.constant 64 : i32
        %mul3A_526 = arith.muli %scan3A_28, %mul3A_525 : i32
        %add3A_527 = arith.constant 32 : i32
        %add3A_528 = arith.addi %mul3A_526, %add3A_527 : i32
        %add3A_529 = arith.constant 11 : i32
        %add3A_530 = arith.addi %add3A_528, %add3A_529 : i32
        %mul3A_531 = arith.constant 16 : i32
        %mul3A_532 = arith.muli %add3A_530, %mul3A_531 : i32
        %get3A_533 = arith.index_cast %mul3A_532 : i32 to index
        %get3A_534 = tpu.vector_load %arg6[%get3A_533] {strides = array<i32>} : memref<26624xf32, #tpu.memory_space<vmem>>, vector<16xf32>,
        %get3A_535 = vector.shape_cast %get3A_534 : vector<16xf32> to vector<16xf32>
        %mul3A_536 = arith.constant 64 : i32
        %mul3A_537 = arith.muli %scan3A_28, %mul3A_536 : i32
        %add3A_538 = arith.constant 32 : i32
        %add3A_539 = arith.addi %mul3A_537, %add3A_538 : i32
        %add3A_540 = arith.constant 12 : i32
        %add3A_541 = arith.addi %add3A_539, %add3A_540 : i32
        %mul3A_542 = arith.constant 16 : i32
        %mul3A_543 = arith.muli %add3A_541, %mul3A_542 : i32
        %get3A_544 = arith.index_cast %mul3A_543 : i32 to index
        %get3A_545 = tpu.vector_load %arg6[%get3A_544] {strides = array<i32>} : memref<26624xf32, #tpu.memory_space<vmem>>, vector<16xf32>,
        %get3A_546 = vector.shape_cast %get3A_545 : vector<16xf32> to vector<16xf32>
        %mul3A_547 = arith.constant 64 : i32
        %mul3A_548 = arith.muli %scan3A_28, %mul3A_547 : i32
        %add3A_549 = arith.constant 32 : i32
        %add3A_550 = arith.addi %mul3A_548, %add3A_549 : i32
        %add3A_551 = arith.constant 13 : i32
        %add3A_552 = arith.addi %add3A_550, %add3A_551 : i32
        %mul3A_553 = arith.constant 16 : i32
        %mul3A_554 = arith.muli %add3A_552, %mul3A_553 : i32
        %get3A_555 = arith.index_cast %mul3A_554 : i32 to index
        %get3A_556 = tpu.vector_load %arg6[%get3A_555] {strides = array<i32>} : memref<26624xf32, #tpu.memory_space<vmem>>, vector<16xf32>,
        %get3A_557 = vector.shape_cast %get3A_556 : vector<16xf32> to vector<16xf32>
        %mul3A_558 = arith.constant 64 : i32
        %mul3A_559 = arith.muli %scan3A_28, %mul3A_558 : i32
        %add3A_560 = arith.constant 32 : i32
        %add3A_561 = arith.addi %mul3A_559, %add3A_560 : i32
        %add3A_562 = arith.constant 14 : i32
        %add3A_563 = arith.addi %add3A_561, %add3A_562 : i32
        %mul3A_564 = arith.constant 16 : i32
        %mul3A_565 = arith.muli %add3A_563, %mul3A_564 : i32
        %get3A_566 = arith.index_cast %mul3A_565 : i32 to index
        %get3A_567 = tpu.vector_load %arg6[%get3A_566] {strides = array<i32>} : memref<26624xf32, #tpu.memory_space<vmem>>, vector<16xf32>,
        %get3A_568 = vector.shape_cast %get3A_567 : vector<16xf32> to vector<16xf32>
        %mul3A_569 = arith.constant 64 : i32
        %mul3A_570 = arith.muli %scan3A_28, %mul3A_569 : i32
        %add3A_571 = arith.constant 32 : i32
        %add3A_572 = arith.addi %mul3A_570, %add3A_571 : i32
        %add3A_573 = arith.constant 15 : i32
        %add3A_574 = arith.addi %add3A_572, %add3A_573 : i32
        %mul3A_575 = arith.constant 16 : i32
        %mul3A_576 = arith.muli %add3A_574, %mul3A_575 : i32
        %get3A_577 = arith.index_cast %mul3A_576 : i32 to index
        %get3A_578 = tpu.vector_load %arg6[%get3A_577] {strides = array<i32>} : memref<26624xf32, #tpu.memory_space<vmem>>, vector<16xf32>,
        %get3A_579 = vector.shape_cast %get3A_578 : vector<16xf32> to vector<16xf32>
        %while3A_580 = arith.constant 0 : i32
        %while3A_581 = arith.constant 0 : i32
        %while3A_582 = arith.subi %scan3A_28, %while3A_580 : i32
        %while3A_583 = arith.addi %while3A_580, %while3A_582 : i32
        %while3A_584 = arith.constant 1 : i32
        %while3A_585 = arith.divsi %while3A_582, %while3A_584 : i32
        %while3A_586 = arith.muli %while3A_585, %while3A_584 : i32
        %while3A_587 = arith.addi %while3A_580, %while3A_586 : i32
        %while3A_588 = arith.constant 1 : i32
        %while3A_589 = scf.for %while3A_793 = %while3A_580 to %while3A_587 step %while3A_588 iter_args(%while3A_794 = %while3A_581) -> (i32)  : i32 {
          %mul3A_795 = arith.constant 64 : i32
          %mul3A_796 = arith.muli %while3A_793, %mul3A_795 : i32
          %add3A_797 = arith.constant 32 : i32
          %add3A_798 = arith.addi %mul3A_796, %add3A_797 : i32
          %mul3A_799 = arith.constant 16 : i32
          %mul3A_800 = arith.muli %add3A_798, %mul3A_799 : i32
          %get3A_801 = arith.index_cast %mul3A_800 : i32 to index
          %get3A_802 = tpu.vector_load %arg6[%get3A_801] {strides = array<i32>} : memref<26624xf32, #tpu.memory_space<vmem>>, vector<16xf32>,
          %get3A_803 = vector.shape_cast %get3A_802 : vector<16xf32> to vector<16xf32>
          %mul3A_804 = arith.mulf %get3A_803, %get3A_414 : vector<16xf32>
          %mul3A_805 = arith.constant 64 : i32
          %mul3A_806 = arith.muli %while3A_793, %mul3A_805 : i32
          %add3A_807 = arith.constant 32 : i32
          %add3A_808 = arith.addi %mul3A_806, %add3A_807 : i32
          %add3A_809 = arith.constant 1 : i32
          %add3A_810 = arith.addi %add3A_808, %add3A_809 : i32
          %mul3A_811 = arith.constant 16 : i32
          %mul3A_812 = arith.muli %add3A_810, %mul3A_811 : i32
          %get3A_813 = arith.index_cast %mul3A_812 : i32 to index
          %get3A_814 = tpu.vector_load %arg6[%get3A_813] {strides = array<i32>} : memref<26624xf32, #tpu.memory_space<vmem>>, vector<16xf32>,
          %get3A_815 = vector.shape_cast %get3A_814 : vector<16xf32> to vector<16xf32>
          %mul3A_816 = arith.mulf %get3A_815, %get3A_425 : vector<16xf32>
          %add3A_817 = arith.addf %mul3A_804, %mul3A_816 : vector<16xf32>
          %mul3A_818 = arith.constant 64 : i32
          %mul3A_819 = arith.muli %while3A_793, %mul3A_818 : i32
          %add3A_820 = arith.constant 32 : i32
          %add3A_821 = arith.addi %mul3A_819, %add3A_820 : i32
          %add3A_822 = arith.constant 2 : i32
          %add3A_823 = arith.addi %add3A_821, %add3A_822 : i32
          %mul3A_824 = arith.constant 16 : i32
          %mul3A_825 = arith.muli %add3A_823, %mul3A_824 : i32
          %get3A_826 = arith.index_cast %mul3A_825 : i32 to index
          %get3A_827 = tpu.vector_load %arg6[%get3A_826] {strides = array<i32>} : memref<26624xf32, #tpu.memory_space<vmem>>, vector<16xf32>,
          %get3A_828 = vector.shape_cast %get3A_827 : vector<16xf32> to vector<16xf32>
          %mul3A_829 = arith.mulf %get3A_828, %get3A_436 : vector<16xf32>
          %add3A_830 = arith.addf %add3A_817, %mul3A_829 : vector<16xf32>
          %mul3A_831 = arith.constant 64 : i32
          %mul3A_832 = arith.muli %while3A_793, %mul3A_831 : i32
          %add3A_833 = arith.constant 32 : i32
          %add3A_834 = arith.addi %mul3A_832, %add3A_833 : i32
          %add3A_835 = arith.constant 3 : i32
          %add3A_836 = arith.addi %add3A_834, %add3A_835 : i32
          %mul3A_837 = arith.constant 16 : i32
          %mul3A_838 = arith.muli %add3A_836, %mul3A_837 : i32
          %get3A_839 = arith.index_cast %mul3A_838 : i32 to index
          %get3A_840 = tpu.vector_load %arg6[%get3A_839] {strides = array<i32>} : memref<26624xf32, #tpu.memory_space<vmem>>, vector<16xf32>,
          %get3A_841 = vector.shape_cast %get3A_840 : vector<16xf32> to vector<16xf32>
          %mul3A_842 = arith.mulf %get3A_841, %get3A_447 : vector<16xf32>
          %add3A_843 = arith.addf %add3A_830, %mul3A_842 : vector<16xf32>
          %mul3A_844 = arith.constant 64 : i32
          %mul3A_845 = arith.muli %while3A_793, %mul3A_844 : i32
          %add3A_846 = arith.constant 32 : i32
          %add3A_847 = arith.addi %mul3A_845, %add3A_846 : i32
          %add3A_848 = arith.constant 4 : i32
          %add3A_849 = arith.addi %add3A_847, %add3A_848 : i32
          %mul3A_850 = arith.constant 16 : i32
          %mul3A_851 = arith.muli %add3A_849, %mul3A_850 : i32
          %get3A_852 = arith.index_cast %mul3A_851 : i32 to index
          %get3A_853 = tpu.vector_load %arg6[%get3A_852] {strides = array<i32>} : memref<26624xf32, #tpu.memory_space<vmem>>, vector<16xf32>,
          %get3A_854 = vector.shape_cast %get3A_853 : vector<16xf32> to vector<16xf32>
          %mul3A_855 = arith.mulf %get3A_854, %get3A_458 : vector<16xf32>
          %add3A_856 = arith.addf %add3A_843, %mul3A_855 : vector<16xf32>
          %mul3A_857 = arith.constant 64 : i32
          %mul3A_858 = arith.muli %while3A_793, %mul3A_857 : i32
          %add3A_859 = arith.constant 32 : i32
          %add3A_860 = arith.addi %mul3A_858, %add3A_859 : i32
          %add3A_861 = arith.constant 5 : i32
          %add3A_862 = arith.addi %add3A_860, %add3A_861 : i32
          %mul3A_863 = arith.constant 16 : i32
          %mul3A_864 = arith.muli %add3A_862, %mul3A_863 : i32
          %get3A_865 = arith.index_cast %mul3A_864 : i32 to index
          %get3A_866 = tpu.vector_load %arg6[%get3A_865] {strides = array<i32>} : memref<26624xf32, #tpu.memory_space<vmem>>, vector<16xf32>,
          %get3A_867 = vector.shape_cast %get3A_866 : vector<16xf32> to vector<16xf32>
          %mul3A_868 = arith.mulf %get3A_867, %get3A_469 : vector<16xf32>
          %add3A_869 = arith.addf %add3A_856, %mul3A_868 : vector<16xf32>
          %mul3A_870 = arith.constant 64 : i32
          %mul3A_871 = arith.muli %while3A_793, %mul3A_870 : i32
          %add3A_872 = arith.constant 32 : i32
          %add3A_873 = arith.addi %mul3A_871, %add3A_872 : i32
          %add3A_874 = arith.constant 6 : i32
          %add3A_875 = arith.addi %add3A_873, %add3A_874 : i32
          %mul3A_876 = arith.constant 16 : i32
          %mul3A_877 = arith.muli %add3A_875, %mul3A_876 : i32
          %get3A_878 = arith.index_cast %mul3A_877 : i32 to index
          %get3A_879 = tpu.vector_load %arg6[%get3A_878] {strides = array<i32>} : memref<26624xf32, #tpu.memory_space<vmem>>, vector<16xf32>,
          %get3A_880 = vector.shape_cast %get3A_879 : vector<16xf32> to vector<16xf32>
          %mul3A_881 = arith.mulf %get3A_880, %get3A_480 : vector<16xf32>
          %add3A_882 = arith.addf %add3A_869, %mul3A_881 : vector<16xf32>
          %mul3A_883 = arith.constant 64 : i32
          %mul3A_884 = arith.muli %while3A_793, %mul3A_883 : i32
          %add3A_885 = arith.constant 32 : i32
          %add3A_886 = arith.addi %mul3A_884, %add3A_885 : i32
          %add3A_887 = arith.constant 7 : i32
          %add3A_888 = arith.addi %add3A_886, %add3A_887 : i32
          %mul3A_889 = arith.constant 16 : i32
          %mul3A_890 = arith.muli %add3A_888, %mul3A_889 : i32
          %get3A_891 = arith.index_cast %mul3A_890 : i32 to index
          %get3A_892 = tpu.vector_load %arg6[%get3A_891] {strides = array<i32>} : memref<26624xf32, #tpu.memory_space<vmem>>, vector<16xf32>,
          %get3A_893 = vector.shape_cast %get3A_892 : vector<16xf32> to vector<16xf32>
          %mul3A_894 = arith.mulf %get3A_893, %get3A_491 : vector<16xf32>
          %add3A_895 = arith.addf %add3A_882, %mul3A_894 : vector<16xf32>
          %mul3A_896 = arith.constant 64 : i32
          %mul3A_897 = arith.muli %while3A_793, %mul3A_896 : i32
          %add3A_898 = arith.constant 32 : i32
          %add3A_899 = arith.addi %mul3A_897, %add3A_898 : i32
          %add3A_900 = arith.constant 8 : i32
          %add3A_901 = arith.addi %add3A_899, %add3A_900 : i32
          %mul3A_902 = arith.constant 16 : i32
          %mul3A_903 = arith.muli %add3A_901, %mul3A_902 : i32
          %get3A_904 = arith.index_cast %mul3A_903 : i32 to index
          %get3A_905 = tpu.vector_load %arg6[%get3A_904] {strides = array<i32>} : memref<26624xf32, #tpu.memory_space<vmem>>, vector<16xf32>,
          %get3A_906 = vector.shape_cast %get3A_905 : vector<16xf32> to vector<16xf32>
          %mul3A_907 = arith.mulf %get3A_906, %get3A_502 : vector<16xf32>
          %add3A_908 = arith.addf %add3A_895, %mul3A_907 : vector<16xf32>
          %mul3A_909 = arith.constant 64 : i32
          %mul3A_910 = arith.muli %while3A_793, %mul3A_909 : i32
          %add3A_911 = arith.constant 32 : i32
          %add3A_912 = arith.addi %mul3A_910, %add3A_911 : i32
          %add3A_913 = arith.constant 9 : i32
          %add3A_914 = arith.addi %add3A_912, %add3A_913 : i32
          %mul3A_915 = arith.constant 16 : i32
          %mul3A_916 = arith.muli %add3A_914, %mul3A_915 : i32
          %get3A_917 = arith.index_cast %mul3A_916 : i32 to index
          %get3A_918 = tpu.vector_load %arg6[%get3A_917] {strides = array<i32>} : memref<26624xf32, #tpu.memory_space<vmem>>, vector<16xf32>,
          %get3A_919 = vector.shape_cast %get3A_918 : vector<16xf32> to vector<16xf32>
          %mul3A_920 = arith.mulf %get3A_919, %get3A_513 : vector<16xf32>
          %add3A_921 = arith.addf %add3A_908, %mul3A_920 : vector<16xf32>
          %mul3A_922 = arith.constant 64 : i32
          %mul3A_923 = arith.muli %while3A_793, %mul3A_922 : i32
          %add3A_924 = arith.constant 32 : i32
          %add3A_925 = arith.addi %mul3A_923, %add3A_924 : i32
          %add3A_926 = arith.constant 10 : i32
          %add3A_927 = arith.addi %add3A_925, %add3A_926 : i32
          %mul3A_928 = arith.constant 16 : i32
          %mul3A_929 = arith.muli %add3A_927, %mul3A_928 : i32
          %get3A_930 = arith.index_cast %mul3A_929 : i32 to index
          %get3A_931 = tpu.vector_load %arg6[%get3A_930] {strides = array<i32>} : memref<26624xf32, #tpu.memory_space<vmem>>, vector<16xf32>,
          %get3A_932 = vector.shape_cast %get3A_931 : vector<16xf32> to vector<16xf32>
          %mul3A_933 = arith.mulf %get3A_932, %get3A_524 : vector<16xf32>
          %add3A_934 = arith.addf %add3A_921, %mul3A_933 : vector<16xf32>
          %mul3A_935 = arith.constant 64 : i32
          %mul3A_936 = arith.muli %while3A_793, %mul3A_935 : i32
          %add3A_937 = arith.constant 32 : i32
          %add3A_938 = arith.addi %mul3A_936, %add3A_937 : i32
          %add3A_939 = arith.constant 11 : i32
          %add3A_940 = arith.addi %add3A_938, %add3A_939 : i32
          %mul3A_941 = arith.constant 16 : i32
          %mul3A_942 = arith.muli %add3A_940, %mul3A_941 : i32
          %get3A_943 = arith.index_cast %mul3A_942 : i32 to index
          %get3A_944 = tpu.vector_load %arg6[%get3A_943] {strides = array<i32>} : memref<26624xf32, #tpu.memory_space<vmem>>, vector<16xf32>,
          %get3A_945 = vector.shape_cast %get3A_944 : vector<16xf32> to vector<16xf32>
          %mul3A_946 = arith.mulf %get3A_945, %get3A_535 : vector<16xf32>
          %add3A_947 = arith.addf %add3A_934, %mul3A_946 : vector<16xf32>
          %mul3A_948 = arith.constant 64 : i32
          %mul3A_949 = arith.muli %while3A_793, %mul3A_948 : i32
          %add3A_950 = arith.constant 32 : i32
          %add3A_951 = arith.addi %mul3A_949, %add3A_950 : i32
          %add3A_952 = arith.constant 12 : i32
          %add3A_953 = arith.addi %add3A_951, %add3A_952 : i32
          %mul3A_954 = arith.constant 16 : i32
          %mul3A_955 = arith.muli %add3A_953, %mul3A_954 : i32
          %get3A_956 = arith.index_cast %mul3A_955 : i32 to index
          %get3A_957 = tpu.vector_load %arg6[%get3A_956] {strides = array<i32>} : memref<26624xf32, #tpu.memory_space<vmem>>, vector<16xf32>,
          %get3A_958 = vector.shape_cast %get3A_957 : vector<16xf32> to vector<16xf32>
          %mul3A_959 = arith.mulf %get3A_958, %get3A_546 : vector<16xf32>
          %add3A_960 = arith.addf %add3A_947, %mul3A_959 : vector<16xf32>
          %mul3A_961 = arith.constant 64 : i32
          %mul3A_962 = arith.muli %while3A_793, %mul3A_961 : i32
          %add3A_963 = arith.constant 32 : i32
          %add3A_964 = arith.addi %mul3A_962, %add3A_963 : i32
          %add3A_965 = arith.constant 13 : i32
          %add3A_966 = arith.addi %add3A_964, %add3A_965 : i32
          %mul3A_967 = arith.constant 16 : i32
          %mul3A_968 = arith.muli %add3A_966, %mul3A_967 : i32
          %get3A_969 = arith.index_cast %mul3A_968 : i32 to index
          %get3A_970 = tpu.vector_load %arg6[%get3A_969] {strides = array<i32>} : memref<26624xf32, #tpu.memory_space<vmem>>, vector<16xf32>,
          %get3A_971 = vector.shape_cast %get3A_970 : vector<16xf32> to vector<16xf32>
          %mul3A_972 = arith.mulf %get3A_971, %get3A_557 : vector<16xf32>
          %add3A_973 = arith.addf %add3A_960, %mul3A_972 : vector<16xf32>
          %mul3A_974 = arith.constant 64 : i32
          %mul3A_975 = arith.muli %while3A_793, %mul3A_974 : i32
          %add3A_976 = arith.constant 32 : i32
          %add3A_977 = arith.addi %mul3A_975, %add3A_976 : i32
          %add3A_978 = arith.constant 14 : i32
          %add3A_979 = arith.addi %add3A_977, %add3A_978 : i32
          %mul3A_980 = arith.constant 16 : i32
          %mul3A_981 = arith.muli %add3A_979, %mul3A_980 : i32
          %get3A_982 = arith.index_cast %mul3A_981 : i32 to index
          %get3A_983 = tpu.vector_load %arg6[%get3A_982] {strides = array<i32>} : memref<26624xf32, #tpu.memory_space<vmem>>, vector<16xf32>,
          %get3A_984 = vector.shape_cast %get3A_983 : vector<16xf32> to vector<16xf32>
          %mul3A_985 = arith.mulf %get3A_984, %get3A_568 : vector<16xf32>
          %add3A_986 = arith.addf %add3A_973, %mul3A_985 : vector<16xf32>
          %mul3A_987 = arith.constant 64 : i32
          %mul3A_988 = arith.muli %while3A_793, %mul3A_987 : i32
          %add3A_989 = arith.constant 32 : i32
          %add3A_990 = arith.addi %mul3A_988, %add3A_989 : i32
          %add3A_991 = arith.constant 15 : i32
          %add3A_992 = arith.addi %add3A_990, %add3A_991 : i32
          %mul3A_993 = arith.constant 16 : i32
          %mul3A_994 = arith.muli %add3A_992, %mul3A_993 : i32
          %get3A_995 = arith.index_cast %mul3A_994 : i32 to index
          %get3A_996 = tpu.vector_load %arg6[%get3A_995] {strides = array<i32>} : memref<26624xf32, #tpu.memory_space<vmem>>, vector<16xf32>,
          %get3A_997 = vector.shape_cast %get3A_996 : vector<16xf32> to vector<16xf32>
          %mul3A_998 = arith.mulf %get3A_997, %get3A_579 : vector<16xf32>
          %add3A_999 = arith.addf %add3A_986, %mul3A_998 : vector<16xf32>
          %mul3A_1000 = arith.constant 16 : i32
          %mul3A_1001 = arith.muli %while3A_793, %mul3A_1000 : i32
          %get3A_1002 = arith.index_cast %mul3A_1001 : i32 to index
          %get3A_1003 = tpu.vector_load %arg10[%get3A_1002] {strides = array<i32>} : memref<512xf32, #tpu.memory_space<vmem>>, vector<16xf32>,
          %get3A_1004 = vector.shape_cast %get3A_1003 : vector<16xf32> to vector<16xf32>
          %add3A_1005 = arith.addf %get3A_1004, %add3A_999 : vector<16xf32>
          %mul3A_1006 = arith.constant 16 : i32
          %mul3A_1007 = arith.muli %while3A_793, %mul3A_1006 : i32
          %swap3A = arith.index_cast %mul3A_1007 : i32 to index
          %swap3A_1008 = tpu.vector_load %arg10[%swap3A] {strides = array<i32>} : memref<512xf32, #tpu.memory_space<vmem>>, vector<16xf32>,
          %swap3A_1009 = vector.shape_cast %swap3A_1008 : vector<16xf32> to vector<16xf32>
          %swap3A_1010 = vector.shape_cast %add3A_1005 : vector<16xf32> to vector<16xf32>
          tpu.vector_store %arg10[%swap3A], %swap3A_1010 {strides = array<i32>} : memref<512xf32, #tpu.memory_space<vmem>>, vector<16xf32>,
          %while3A_1011 = arith.constant 0 : i32
          scf.yield %while3A_1011 : i32
        }
        %while3A_590 = arith.constant 1 : i32
        %while3A_591 = scf.for %while3A_793 = %while3A_587 to %while3A_583 step %while3A_590 iter_args(%while3A_794 = %while3A_589) -> (i32)  : i32 {
          %mul3A_795 = arith.constant 64 : i32
          %mul3A_796 = arith.muli %while3A_793, %mul3A_795 : i32
          %add3A_797 = arith.constant 32 : i32
          %add3A_798 = arith.addi %mul3A_796, %add3A_797 : i32
          %mul3A_799 = arith.constant 16 : i32
          %mul3A_800 = arith.muli %add3A_798, %mul3A_799 : i32
          %get3A_801 = arith.index_cast %mul3A_800 : i32 to index
          %get3A_802 = tpu.vector_load %arg6[%get3A_801] {strides = array<i32>} : memref<26624xf32, #tpu.memory_space<vmem>>, vector<16xf32>,
          %get3A_803 = vector.shape_cast %get3A_802 : vector<16xf32> to vector<16xf32>
          %mul3A_804 = arith.mulf %get3A_803, %get3A_414 : vector<16xf32>
          %mul3A_805 = arith.constant 64 : i32
          %mul3A_806 = arith.muli %while3A_793, %mul3A_805 : i32
          %add3A_807 = arith.constant 32 : i32
          %add3A_808 = arith.addi %mul3A_806, %add3A_807 : i32
          %add3A_809 = arith.constant 1 : i32
          %add3A_810 = arith.addi %add3A_808, %add3A_809 : i32
          %mul3A_811 = arith.constant 16 : i32
          %mul3A_812 = arith.muli %add3A_810, %mul3A_811 : i32
          %get3A_813 = arith.index_cast %mul3A_812 : i32 to index
          %get3A_814 = tpu.vector_load %arg6[%get3A_813] {strides = array<i32>} : memref<26624xf32, #tpu.memory_space<vmem>>, vector<16xf32>,
          %get3A_815 = vector.shape_cast %get3A_814 : vector<16xf32> to vector<16xf32>
          %mul3A_816 = arith.mulf %get3A_815, %get3A_425 : vector<16xf32>
          %add3A_817 = arith.addf %mul3A_804, %mul3A_816 : vector<16xf32>
          %mul3A_818 = arith.constant 64 : i32
          %mul3A_819 = arith.muli %while3A_793, %mul3A_818 : i32
          %add3A_820 = arith.constant 32 : i32
          %add3A_821 = arith.addi %mul3A_819, %add3A_820 : i32
          %add3A_822 = arith.constant 2 : i32
          %add3A_823 = arith.addi %add3A_821, %add3A_822 : i32
          %mul3A_824 = arith.constant 16 : i32
          %mul3A_825 = arith.muli %add3A_823, %mul3A_824 : i32
          %get3A_826 = arith.index_cast %mul3A_825 : i32 to index
          %get3A_827 = tpu.vector_load %arg6[%get3A_826] {strides = array<i32>} : memref<26624xf32, #tpu.memory_space<vmem>>, vector<16xf32>,
          %get3A_828 = vector.shape_cast %get3A_827 : vector<16xf32> to vector<16xf32>
          %mul3A_829 = arith.mulf %get3A_828, %get3A_436 : vector<16xf32>
          %add3A_830 = arith.addf %add3A_817, %mul3A_829 : vector<16xf32>
          %mul3A_831 = arith.constant 64 : i32
          %mul3A_832 = arith.muli %while3A_793, %mul3A_831 : i32
          %add3A_833 = arith.constant 32 : i32
          %add3A_834 = arith.addi %mul3A_832, %add3A_833 : i32
          %add3A_835 = arith.constant 3 : i32
          %add3A_836 = arith.addi %add3A_834, %add3A_835 : i32
          %mul3A_837 = arith.constant 16 : i32
          %mul3A_838 = arith.muli %add3A_836, %mul3A_837 : i32
          %get3A_839 = arith.index_cast %mul3A_838 : i32 to index
          %get3A_840 = tpu.vector_load %arg6[%get3A_839] {strides = array<i32>} : memref<26624xf32, #tpu.memory_space<vmem>>, vector<16xf32>,
          %get3A_841 = vector.shape_cast %get3A_840 : vector<16xf32> to vector<16xf32>
          %mul3A_842 = arith.mulf %get3A_841, %get3A_447 : vector<16xf32>
          %add3A_843 = arith.addf %add3A_830, %mul3A_842 : vector<16xf32>
          %mul3A_844 = arith.constant 64 : i32
          %mul3A_845 = arith.muli %while3A_793, %mul3A_844 : i32
          %add3A_846 = arith.constant 32 : i32
          %add3A_847 = arith.addi %mul3A_845, %add3A_846 : i32
          %add3A_848 = arith.constant 4 : i32
          %add3A_849 = arith.addi %add3A_847, %add3A_848 : i32
          %mul3A_850 = arith.constant 16 : i32
          %mul3A_851 = arith.muli %add3A_849, %mul3A_850 : i32
          %get3A_852 = arith.index_cast %mul3A_851 : i32 to index
          %get3A_853 = tpu.vector_load %arg6[%get3A_852] {strides = array<i32>} : memref<26624xf32, #tpu.memory_space<vmem>>, vector<16xf32>,
          %get3A_854 = vector.shape_cast %get3A_853 : vector<16xf32> to vector<16xf32>
          %mul3A_855 = arith.mulf %get3A_854, %get3A_458 : vector<16xf32>
          %add3A_856 = arith.addf %add3A_843, %mul3A_855 : vector<16xf32>
          %mul3A_857 = arith.constant 64 : i32
          %mul3A_858 = arith.muli %while3A_793, %mul3A_857 : i32
          %add3A_859 = arith.constant 32 : i32
          %add3A_860 = arith.addi %mul3A_858, %add3A_859 : i32
          %add3A_861 = arith.constant 5 : i32
          %add3A_862 = arith.addi %add3A_860, %add3A_861 : i32
          %mul3A_863 = arith.constant 16 : i32
          %mul3A_864 = arith.muli %add3A_862, %mul3A_863 : i32
          %get3A_865 = arith.index_cast %mul3A_864 : i32 to index
          %get3A_866 = tpu.vector_load %arg6[%get3A_865] {strides = array<i32>} : memref<26624xf32, #tpu.memory_space<vmem>>, vector<16xf32>,
          %get3A_867 = vector.shape_cast %get3A_866 : vector<16xf32> to vector<16xf32>
          %mul3A_868 = arith.mulf %get3A_867, %get3A_469 : vector<16xf32>
          %add3A_869 = arith.addf %add3A_856, %mul3A_868 : vector<16xf32>
          %mul3A_870 = arith.constant 64 : i32
          %mul3A_871 = arith.muli %while3A_793, %mul3A_870 : i32
          %add3A_872 = arith.constant 32 : i32
          %add3A_873 = arith.addi %mul3A_871, %add3A_872 : i32
          %add3A_874 = arith.constant 6 : i32
          %add3A_875 = arith.addi %add3A_873, %add3A_874 : i32
          %mul3A_876 = arith.constant 16 : i32
          %mul3A_877 = arith.muli %add3A_875, %mul3A_876 : i32
          %get3A_878 = arith.index_cast %mul3A_877 : i32 to index
          %get3A_879 = tpu.vector_load %arg6[%get3A_878] {strides = array<i32>} : memref<26624xf32, #tpu.memory_space<vmem>>, vector<16xf32>,
          %get3A_880 = vector.shape_cast %get3A_879 : vector<16xf32> to vector<16xf32>
          %mul3A_881 = arith.mulf %get3A_880, %get3A_480 : vector<16xf32>
          %add3A_882 = arith.addf %add3A_869, %mul3A_881 : vector<16xf32>
          %mul3A_883 = arith.constant 64 : i32
          %mul3A_884 = arith.muli %while3A_793, %mul3A_883 : i32
          %add3A_885 = arith.constant 32 : i32
          %add3A_886 = arith.addi %mul3A_884, %add3A_885 : i32
          %add3A_887 = arith.constant 7 : i32
          %add3A_888 = arith.addi %add3A_886, %add3A_887 : i32
          %mul3A_889 = arith.constant 16 : i32
          %mul3A_890 = arith.muli %add3A_888, %mul3A_889 : i32
          %get3A_891 = arith.index_cast %mul3A_890 : i32 to index
          %get3A_892 = tpu.vector_load %arg6[%get3A_891] {strides = array<i32>} : memref<26624xf32, #tpu.memory_space<vmem>>, vector<16xf32>,
          %get3A_893 = vector.shape_cast %get3A_892 : vector<16xf32> to vector<16xf32>
          %mul3A_894 = arith.mulf %get3A_893, %get3A_491 : vector<16xf32>
          %add3A_895 = arith.addf %add3A_882, %mul3A_894 : vector<16xf32>
          %mul3A_896 = arith.constant 64 : i32
          %mul3A_897 = arith.muli %while3A_793, %mul3A_896 : i32
          %add3A_898 = arith.constant 32 : i32
          %add3A_899 = arith.addi %mul3A_897, %add3A_898 : i32
          %add3A_900 = arith.constant 8 : i32
          %add3A_901 = arith.addi %add3A_899, %add3A_900 : i32
          %mul3A_902 = arith.constant 16 : i32
          %mul3A_903 = arith.muli %add3A_901, %mul3A_902 : i32
          %get3A_904 = arith.index_cast %mul3A_903 : i32 to index
          %get3A_905 = tpu.vector_load %arg6[%get3A_904] {strides = array<i32>} : memref<26624xf32, #tpu.memory_space<vmem>>, vector<16xf32>,
          %get3A_906 = vector.shape_cast %get3A_905 : vector<16xf32> to vector<16xf32>
          %mul3A_907 = arith.mulf %get3A_906, %get3A_502 : vector<16xf32>
          %add3A_908 = arith.addf %add3A_895, %mul3A_907 : vector<16xf32>
          %mul3A_909 = arith.constant 64 : i32
          %mul3A_910 = arith.muli %while3A_793, %mul3A_909 : i32
          %add3A_911 = arith.constant 32 : i32
          %add3A_912 = arith.addi %mul3A_910, %add3A_911 : i32
          %add3A_913 = arith.constant 9 : i32
          %add3A_914 = arith.addi %add3A_912, %add3A_913 : i32
          %mul3A_915 = arith.constant 16 : i32
          %mul3A_916 = arith.muli %add3A_914, %mul3A_915 : i32
          %get3A_917 = arith.index_cast %mul3A_916 : i32 to index
          %get3A_918 = tpu.vector_load %arg6[%get3A_917] {strides = array<i32>} : memref<26624xf32, #tpu.memory_space<vmem>>, vector<16xf32>,
          %get3A_919 = vector.shape_cast %get3A_918 : vector<16xf32> to vector<16xf32>
          %mul3A_920 = arith.mulf %get3A_919, %get3A_513 : vector<16xf32>
          %add3A_921 = arith.addf %add3A_908, %mul3A_920 : vector<16xf32>
          %mul3A_922 = arith.constant 64 : i32
          %mul3A_923 = arith.muli %while3A_793, %mul3A_922 : i32
          %add3A_924 = arith.constant 32 : i32
          %add3A_925 = arith.addi %mul3A_923, %add3A_924 : i32
          %add3A_926 = arith.constant 10 : i32
          %add3A_927 = arith.addi %add3A_925, %add3A_926 : i32
          %mul3A_928 = arith.constant 16 : i32
          %mul3A_929 = arith.muli %add3A_927, %mul3A_928 : i32
          %get3A_930 = arith.index_cast %mul3A_929 : i32 to index
          %get3A_931 = tpu.vector_load %arg6[%get3A_930] {strides = array<i32>} : memref<26624xf32, #tpu.memory_space<vmem>>, vector<16xf32>,
          %get3A_932 = vector.shape_cast %get3A_931 : vector<16xf32> to vector<16xf32>
          %mul3A_933 = arith.mulf %get3A_932, %get3A_524 : vector<16xf32>
          %add3A_934 = arith.addf %add3A_921, %mul3A_933 : vector<16xf32>
          %mul3A_935 = arith.constant 64 : i32
          %mul3A_936 = arith.muli %while3A_793, %mul3A_935 : i32
          %add3A_937 = arith.constant 32 : i32
          %add3A_938 = arith.addi %mul3A_936, %add3A_937 : i32
          %add3A_939 = arith.constant 11 : i32
          %add3A_940 = arith.addi %add3A_938, %add3A_939 : i32
          %mul3A_941 = arith.constant 16 : i32
          %mul3A_942 = arith.muli %add3A_940, %mul3A_941 : i32
          %get3A_943 = arith.index_cast %mul3A_942 : i32 to index
          %get3A_944 = tpu.vector_load %arg6[%get3A_943] {strides = array<i32>} : memref<26624xf32, #tpu.memory_space<vmem>>, vector<16xf32>,
          %get3A_945 = vector.shape_cast %get3A_944 : vector<16xf32> to vector<16xf32>
          %mul3A_946 = arith.mulf %get3A_945, %get3A_535 : vector<16xf32>
          %add3A_947 = arith.addf %add3A_934, %mul3A_946 : vector<16xf32>
          %mul3A_948 = arith.constant 64 : i32
          %mul3A_949 = arith.muli %while3A_793, %mul3A_948 : i32
          %add3A_950 = arith.constant 32 : i32
          %add3A_951 = arith.addi %mul3A_949, %add3A_950 : i32
          %add3A_952 = arith.constant 12 : i32
          %add3A_953 = arith.addi %add3A_951, %add3A_952 : i32
          %mul3A_954 = arith.constant 16 : i32
          %mul3A_955 = arith.muli %add3A_953, %mul3A_954 : i32
          %get3A_956 = arith.index_cast %mul3A_955 : i32 to index
          %get3A_957 = tpu.vector_load %arg6[%get3A_956] {strides = array<i32>} : memref<26624xf32, #tpu.memory_space<vmem>>, vector<16xf32>,
          %get3A_958 = vector.shape_cast %get3A_957 : vector<16xf32> to vector<16xf32>
          %mul3A_959 = arith.mulf %get3A_958, %get3A_546 : vector<16xf32>
          %add3A_960 = arith.addf %add3A_947, %mul3A_959 : vector<16xf32>
          %mul3A_961 = arith.constant 64 : i32
          %mul3A_962 = arith.muli %while3A_793, %mul3A_961 : i32
          %add3A_963 = arith.constant 32 : i32
          %add3A_964 = arith.addi %mul3A_962, %add3A_963 : i32
          %add3A_965 = arith.constant 13 : i32
          %add3A_966 = arith.addi %add3A_964, %add3A_965 : i32
          %mul3A_967 = arith.constant 16 : i32
          %mul3A_968 = arith.muli %add3A_966, %mul3A_967 : i32
          %get3A_969 = arith.index_cast %mul3A_968 : i32 to index
          %get3A_970 = tpu.vector_load %arg6[%get3A_969] {strides = array<i32>} : memref<26624xf32, #tpu.memory_space<vmem>>, vector<16xf32>,
          %get3A_971 = vector.shape_cast %get3A_970 : vector<16xf32> to vector<16xf32>
          %mul3A_972 = arith.mulf %get3A_971, %get3A_557 : vector<16xf32>
          %add3A_973 = arith.addf %add3A_960, %mul3A_972 : vector<16xf32>
          %mul3A_974 = arith.constant 64 : i32
          %mul3A_975 = arith.muli %while3A_793, %mul3A_974 : i32
          %add3A_976 = arith.constant 32 : i32
          %add3A_977 = arith.addi %mul3A_975, %add3A_976 : i32
          %add3A_978 = arith.constant 14 : i32
          %add3A_979 = arith.addi %add3A_977, %add3A_978 : i32
          %mul3A_980 = arith.constant 16 : i32
          %mul3A_981 = arith.muli %add3A_979, %mul3A_980 : i32
          %get3A_982 = arith.index_cast %mul3A_981 : i32 to index
          %get3A_983 = tpu.vector_load %arg6[%get3A_982] {strides = array<i32>} : memref<26624xf32, #tpu.memory_space<vmem>>, vector<16xf32>,
          %get3A_984 = vector.shape_cast %get3A_983 : vector<16xf32> to vector<16xf32>
          %mul3A_985 = arith.mulf %get3A_984, %get3A_568 : vector<16xf32>
          %add3A_986 = arith.addf %add3A_973, %mul3A_985 : vector<16xf32>
          %mul3A_987 = arith.constant 64 : i32
          %mul3A_988 = arith.muli %while3A_793, %mul3A_987 : i32
          %add3A_989 = arith.constant 32 : i32
          %add3A_990 = arith.addi %mul3A_988, %add3A_989 : i32
          %add3A_991 = arith.constant 15 : i32
          %add3A_992 = arith.addi %add3A_990, %add3A_991 : i32
          %mul3A_993 = arith.constant 16 : i32
          %mul3A_994 = arith.muli %add3A_992, %mul3A_993 : i32
          %get3A_995 = arith.index_cast %mul3A_994 : i32 to index
          %get3A_996 = tpu.vector_load %arg6[%get3A_995] {strides = array<i32>} : memref<26624xf32, #tpu.memory_space<vmem>>, vector<16xf32>,
          %get3A_997 = vector.shape_cast %get3A_996 : vector<16xf32> to vector<16xf32>
          %mul3A_998 = arith.mulf %get3A_997, %get3A_579 : vector<16xf32>
          %add3A_999 = arith.addf %add3A_986, %mul3A_998 : vector<16xf32>
          %mul3A_1000 = arith.constant 16 : i32
          %mul3A_1001 = arith.muli %while3A_793, %mul3A_1000 : i32
          %get3A_1002 = arith.index_cast %mul3A_1001 : i32 to index
          %get3A_1003 = tpu.vector_load %arg10[%get3A_1002] {strides = array<i32>} : memref<512xf32, #tpu.memory_space<vmem>>, vector<16xf32>,
          %get3A_1004 = vector.shape_cast %get3A_1003 : vector<16xf32> to vector<16xf32>
          %add3A_1005 = arith.addf %get3A_1004, %add3A_999 : vector<16xf32>
          %mul3A_1006 = arith.constant 16 : i32
          %mul3A_1007 = arith.muli %while3A_793, %mul3A_1006 : i32
          %swap3A = arith.index_cast %mul3A_1007 : i32 to index
          %swap3A_1008 = tpu.vector_load %arg10[%swap3A] {strides = array<i32>} : memref<512xf32, #tpu.memory_space<vmem>>, vector<16xf32>,
          %swap3A_1009 = vector.shape_cast %swap3A_1008 : vector<16xf32> to vector<16xf32>
          %swap3A_1010 = vector.shape_cast %add3A_1005 : vector<16xf32> to vector<16xf32>
          tpu.vector_store %arg10[%swap3A], %swap3A_1010 {strides = array<i32>} : memref<512xf32, #tpu.memory_space<vmem>>, vector<16xf32>,
          %while3A_1011 = arith.constant 0 : i32
          scf.yield %while3A_1011 : i32
        }
        %mul3A_592 = arith.constant 64 : i32
        %mul3A_593 = arith.muli %scan3A_28, %mul3A_592 : i32
        %add3A_594 = arith.constant 48 : i32
        %add3A_595 = arith.addi %mul3A_593, %add3A_594 : i32
        %add3A_596 = arith.constant 0 : i32
        %add3A_597 = arith.addi %add3A_595, %add3A_596 : i32
        %mul3A_598 = arith.constant 16 : i32
        %mul3A_599 = arith.muli %add3A_597, %mul3A_598 : i32
        %get3A_600 = arith.index_cast %mul3A_599 : i32 to index
        %get3A_601 = tpu.vector_load %arg6[%get3A_600] {strides = array<i32>} : memref<26624xf32, #tpu.memory_space<vmem>>, vector<16xf32>,
        %get3A_602 = vector.shape_cast %get3A_601 : vector<16xf32> to vector<16xf32>
        %mul3A_603 = arith.constant 64 : i32
        %mul3A_604 = arith.muli %scan3A_28, %mul3A_603 : i32
        %add3A_605 = arith.constant 48 : i32
        %add3A_606 = arith.addi %mul3A_604, %add3A_605 : i32
        %add3A_607 = arith.constant 1 : i32
        %add3A_608 = arith.addi %add3A_606, %add3A_607 : i32
        %mul3A_609 = arith.constant 16 : i32
        %mul3A_610 = arith.muli %add3A_608, %mul3A_609 : i32
        %get3A_611 = arith.index_cast %mul3A_610 : i32 to index
        %get3A_612 = tpu.vector_load %arg6[%get3A_611] {strides = array<i32>} : memref<26624xf32, #tpu.memory_space<vmem>>, vector<16xf32>,
        %get3A_613 = vector.shape_cast %get3A_612 : vector<16xf32> to vector<16xf32>
        %mul3A_614 = arith.constant 64 : i32
        %mul3A_615 = arith.muli %scan3A_28, %mul3A_614 : i32
        %add3A_616 = arith.constant 48 : i32
        %add3A_617 = arith.addi %mul3A_615, %add3A_616 : i32
        %add3A_618 = arith.constant 2 : i32
        %add3A_619 = arith.addi %add3A_617, %add3A_618 : i32
        %mul3A_620 = arith.constant 16 : i32
        %mul3A_621 = arith.muli %add3A_619, %mul3A_620 : i32
        %get3A_622 = arith.index_cast %mul3A_621 : i32 to index
        %get3A_623 = tpu.vector_load %arg6[%get3A_622] {strides = array<i32>} : memref<26624xf32, #tpu.memory_space<vmem>>, vector<16xf32>,
        %get3A_624 = vector.shape_cast %get3A_623 : vector<16xf32> to vector<16xf32>
        %mul3A_625 = arith.constant 64 : i32
        %mul3A_626 = arith.muli %scan3A_28, %mul3A_625 : i32
        %add3A_627 = arith.constant 48 : i32
        %add3A_628 = arith.addi %mul3A_626, %add3A_627 : i32
        %add3A_629 = arith.constant 3 : i32
        %add3A_630 = arith.addi %add3A_628, %add3A_629 : i32
        %mul3A_631 = arith.constant 16 : i32
        %mul3A_632 = arith.muli %add3A_630, %mul3A_631 : i32
        %get3A_633 = arith.index_cast %mul3A_632 : i32 to index
        %get3A_634 = tpu.vector_load %arg6[%get3A_633] {strides = array<i32>} : memref<26624xf32, #tpu.memory_space<vmem>>, vector<16xf32>,
        %get3A_635 = vector.shape_cast %get3A_634 : vector<16xf32> to vector<16xf32>
        %mul3A_636 = arith.constant 64 : i32
        %mul3A_637 = arith.muli %scan3A_28, %mul3A_636 : i32
        %add3A_638 = arith.constant 48 : i32
        %add3A_639 = arith.addi %mul3A_637, %add3A_638 : i32
        %add3A_640 = arith.constant 4 : i32
        %add3A_641 = arith.addi %add3A_639, %add3A_640 : i32
        %mul3A_642 = arith.constant 16 : i32
        %mul3A_643 = arith.muli %add3A_641, %mul3A_642 : i32
        %get3A_644 = arith.index_cast %mul3A_643 : i32 to index
        %get3A_645 = tpu.vector_load %arg6[%get3A_644] {strides = array<i32>} : memref<26624xf32, #tpu.memory_space<vmem>>, vector<16xf32>,
        %get3A_646 = vector.shape_cast %get3A_645 : vector<16xf32> to vector<16xf32>
        %mul3A_647 = arith.constant 64 : i32
        %mul3A_648 = arith.muli %scan3A_28, %mul3A_647 : i32
        %add3A_649 = arith.constant 48 : i32
        %add3A_650 = arith.addi %mul3A_648, %add3A_649 : i32
        %add3A_651 = arith.constant 5 : i32
        %add3A_652 = arith.addi %add3A_650, %add3A_651 : i32
        %mul3A_653 = arith.constant 16 : i32
        %mul3A_654 = arith.muli %add3A_652, %mul3A_653 : i32
        %get3A_655 = arith.index_cast %mul3A_654 : i32 to index
        %get3A_656 = tpu.vector_load %arg6[%get3A_655] {strides = array<i32>} : memref<26624xf32, #tpu.memory_space<vmem>>, vector<16xf32>,
        %get3A_657 = vector.shape_cast %get3A_656 : vector<16xf32> to vector<16xf32>
        %mul3A_658 = arith.constant 64 : i32
        %mul3A_659 = arith.muli %scan3A_28, %mul3A_658 : i32
        %add3A_660 = arith.constant 48 : i32
        %add3A_661 = arith.addi %mul3A_659, %add3A_660 : i32
        %add3A_662 = arith.constant 6 : i32
        %add3A_663 = arith.addi %add3A_661, %add3A_662 : i32
        %mul3A_664 = arith.constant 16 : i32
        %mul3A_665 = arith.muli %add3A_663, %mul3A_664 : i32
        %get3A_666 = arith.index_cast %mul3A_665 : i32 to index
        %get3A_667 = tpu.vector_load %arg6[%get3A_666] {strides = array<i32>} : memref<26624xf32, #tpu.memory_space<vmem>>, vector<16xf32>,
        %get3A_668 = vector.shape_cast %get3A_667 : vector<16xf32> to vector<16xf32>
        %mul3A_669 = arith.constant 64 : i32
        %mul3A_670 = arith.muli %scan3A_28, %mul3A_669 : i32
        %add3A_671 = arith.constant 48 : i32
        %add3A_672 = arith.addi %mul3A_670, %add3A_671 : i32
        %add3A_673 = arith.constant 7 : i32
        %add3A_674 = arith.addi %add3A_672, %add3A_673 : i32
        %mul3A_675 = arith.constant 16 : i32
        %mul3A_676 = arith.muli %add3A_674, %mul3A_675 : i32
        %get3A_677 = arith.index_cast %mul3A_676 : i32 to index
        %get3A_678 = tpu.vector_load %arg6[%get3A_677] {strides = array<i32>} : memref<26624xf32, #tpu.memory_space<vmem>>, vector<16xf32>,
        %get3A_679 = vector.shape_cast %get3A_678 : vector<16xf32> to vector<16xf32>
        %mul3A_680 = arith.constant 64 : i32
        %mul3A_681 = arith.muli %scan3A_28, %mul3A_680 : i32
        %add3A_682 = arith.constant 48 : i32
        %add3A_683 = arith.addi %mul3A_681, %add3A_682 : i32
        %add3A_684 = arith.constant 8 : i32
        %add3A_685 = arith.addi %add3A_683, %add3A_684 : i32
        %mul3A_686 = arith.constant 16 : i32
        %mul3A_687 = arith.muli %add3A_685, %mul3A_686 : i32
        %get3A_688 = arith.index_cast %mul3A_687 : i32 to index
        %get3A_689 = tpu.vector_load %arg6[%get3A_688] {strides = array<i32>} : memref<26624xf32, #tpu.memory_space<vmem>>, vector<16xf32>,
        %get3A_690 = vector.shape_cast %get3A_689 : vector<16xf32> to vector<16xf32>
        %mul3A_691 = arith.constant 64 : i32
        %mul3A_692 = arith.muli %scan3A_28, %mul3A_691 : i32
        %add3A_693 = arith.constant 48 : i32
        %add3A_694 = arith.addi %mul3A_692, %add3A_693 : i32
        %add3A_695 = arith.constant 9 : i32
        %add3A_696 = arith.addi %add3A_694, %add3A_695 : i32
        %mul3A_697 = arith.constant 16 : i32
        %mul3A_698 = arith.muli %add3A_696, %mul3A_697 : i32
        %get3A_699 = arith.index_cast %mul3A_698 : i32 to index
        %get3A_700 = tpu.vector_load %arg6[%get3A_699] {strides = array<i32>} : memref<26624xf32, #tpu.memory_space<vmem>>, vector<16xf32>,
        %get3A_701 = vector.shape_cast %get3A_700 : vector<16xf32> to vector<16xf32>
        %mul3A_702 = arith.constant 64 : i32
        %mul3A_703 = arith.muli %scan3A_28, %mul3A_702 : i32
        %add3A_704 = arith.constant 48 : i32
        %add3A_705 = arith.addi %mul3A_703, %add3A_704 : i32
        %add3A_706 = arith.constant 10 : i32
        %add3A_707 = arith.addi %add3A_705, %add3A_706 : i32
        %mul3A_708 = arith.constant 16 : i32
        %mul3A_709 = arith.muli %add3A_707, %mul3A_708 : i32
        %get3A_710 = arith.index_cast %mul3A_709 : i32 to index
        %get3A_711 = tpu.vector_load %arg6[%get3A_710] {strides = array<i32>} : memref<26624xf32, #tpu.memory_space<vmem>>, vector<16xf32>,
        %get3A_712 = vector.shape_cast %get3A_711 : vector<16xf32> to vector<16xf32>
        %mul3A_713 = arith.constant 64 : i32
        %mul3A_714 = arith.muli %scan3A_28, %mul3A_713 : i32
        %add3A_715 = arith.constant 48 : i32
        %add3A_716 = arith.addi %mul3A_714, %add3A_715 : i32
        %add3A_717 = arith.constant 11 : i32
        %add3A_718 = arith.addi %add3A_716, %add3A_717 : i32
        %mul3A_719 = arith.constant 16 : i32
        %mul3A_720 = arith.muli %add3A_718, %mul3A_719 : i32
        %get3A_721 = arith.index_cast %mul3A_720 : i32 to index
        %get3A_722 = tpu.vector_load %arg6[%get3A_721] {strides = array<i32>} : memref<26624xf32, #tpu.memory_space<vmem>>, vector<16xf32>,
        %get3A_723 = vector.shape_cast %get3A_722 : vector<16xf32> to vector<16xf32>
        %mul3A_724 = arith.constant 64 : i32
        %mul3A_725 = arith.muli %scan3A_28, %mul3A_724 : i32
        %add3A_726 = arith.constant 48 : i32
        %add3A_727 = arith.addi %mul3A_725, %add3A_726 : i32
        %add3A_728 = arith.constant 12 : i32
        %add3A_729 = arith.addi %add3A_727, %add3A_728 : i32
        %mul3A_730 = arith.constant 16 : i32
        %mul3A_731 = arith.muli %add3A_729, %mul3A_730 : i32
        %get3A_732 = arith.index_cast %mul3A_731 : i32 to index
        %get3A_733 = tpu.vector_load %arg6[%get3A_732] {strides = array<i32>} : memref<26624xf32, #tpu.memory_space<vmem>>, vector<16xf32>,
        %get3A_734 = vector.shape_cast %get3A_733 : vector<16xf32> to vector<16xf32>
        %mul3A_735 = arith.constant 64 : i32
        %mul3A_736 = arith.muli %scan3A_28, %mul3A_735 : i32
        %add3A_737 = arith.constant 48 : i32
        %add3A_738 = arith.addi %mul3A_736, %add3A_737 : i32
        %add3A_739 = arith.constant 13 : i32
        %add3A_740 = arith.addi %add3A_738, %add3A_739 : i32
        %mul3A_741 = arith.constant 16 : i32
        %mul3A_742 = arith.muli %add3A_740, %mul3A_741 : i32
        %get3A_743 = arith.index_cast %mul3A_742 : i32 to index
        %get3A_744 = tpu.vector_load %arg6[%get3A_743] {strides = array<i32>} : memref<26624xf32, #tpu.memory_space<vmem>>, vector<16xf32>,
        %get3A_745 = vector.shape_cast %get3A_744 : vector<16xf32> to vector<16xf32>
        %mul3A_746 = arith.constant 64 : i32
        %mul3A_747 = arith.muli %scan3A_28, %mul3A_746 : i32
        %add3A_748 = arith.constant 48 : i32
        %add3A_749 = arith.addi %mul3A_747, %add3A_748 : i32
        %add3A_750 = arith.constant 14 : i32
        %add3A_751 = arith.addi %add3A_749, %add3A_750 : i32
        %mul3A_752 = arith.constant 16 : i32
        %mul3A_753 = arith.muli %add3A_751, %mul3A_752 : i32
        %get3A_754 = arith.index_cast %mul3A_753 : i32 to index
        %get3A_755 = tpu.vector_load %arg6[%get3A_754] {strides = array<i32>} : memref<26624xf32, #tpu.memory_space<vmem>>, vector<16xf32>,
        %get3A_756 = vector.shape_cast %get3A_755 : vector<16xf32> to vector<16xf32>
        %mul3A_757 = arith.constant 64 : i32
        %mul3A_758 = arith.muli %scan3A_28, %mul3A_757 : i32
        %add3A_759 = arith.constant 48 : i32
        %add3A_760 = arith.addi %mul3A_758, %add3A_759 : i32
        %add3A_761 = arith.constant 15 : i32
        %add3A_762 = arith.addi %add3A_760, %add3A_761 : i32
        %mul3A_763 = arith.constant 16 : i32
        %mul3A_764 = arith.muli %add3A_762, %mul3A_763 : i32
        %get3A_765 = arith.index_cast %mul3A_764 : i32 to index
        %get3A_766 = tpu.vector_load %arg6[%get3A_765] {strides = array<i32>} : memref<26624xf32, #tpu.memory_space<vmem>>, vector<16xf32>,
        %get3A_767 = vector.shape_cast %get3A_766 : vector<16xf32> to vector<16xf32>
        %while3A_768 = arith.constant 0 : i32
        %while3A_769 = arith.constant 0 : i32
        %while3A_770 = arith.subi %scan3A_28, %while3A_768 : i32
        %while3A_771 = arith.addi %while3A_768, %while3A_770 : i32
        %while3A_772 = arith.constant 1 : i32
        %while3A_773 = arith.divsi %while3A_770, %while3A_772 : i32
        %while3A_774 = arith.muli %while3A_773, %while3A_772 : i32
        %while3A_775 = arith.addi %while3A_768, %while3A_774 : i32
        %while3A_776 = arith.constant 1 : i32
        %while3A_777 = scf.for %while3A_793 = %while3A_768 to %while3A_775 step %while3A_776 iter_args(%while3A_794 = %while3A_769) -> (i32)  : i32 {
          %mul3A_795 = arith.constant 64 : i32
          %mul3A_796 = arith.muli %while3A_793, %mul3A_795 : i32
          %add3A_797 = arith.constant 48 : i32
          %add3A_798 = arith.addi %mul3A_796, %add3A_797 : i32
          %mul3A_799 = arith.constant 16 : i32
          %mul3A_800 = arith.muli %add3A_798, %mul3A_799 : i32
          %get3A_801 = arith.index_cast %mul3A_800 : i32 to index
          %get3A_802 = tpu.vector_load %arg6[%get3A_801] {strides = array<i32>} : memref<26624xf32, #tpu.memory_space<vmem>>, vector<16xf32>,
          %get3A_803 = vector.shape_cast %get3A_802 : vector<16xf32> to vector<16xf32>
          %mul3A_804 = arith.mulf %get3A_803, %get3A_602 : vector<16xf32>
          %mul3A_805 = arith.constant 64 : i32
          %mul3A_806 = arith.muli %while3A_793, %mul3A_805 : i32
          %add3A_807 = arith.constant 48 : i32
          %add3A_808 = arith.addi %mul3A_806, %add3A_807 : i32
          %add3A_809 = arith.constant 1 : i32
          %add3A_810 = arith.addi %add3A_808, %add3A_809 : i32
          %mul3A_811 = arith.constant 16 : i32
          %mul3A_812 = arith.muli %add3A_810, %mul3A_811 : i32
          %get3A_813 = arith.index_cast %mul3A_812 : i32 to index
          %get3A_814 = tpu.vector_load %arg6[%get3A_813] {strides = array<i32>} : memref<26624xf32, #tpu.memory_space<vmem>>, vector<16xf32>,
          %get3A_815 = vector.shape_cast %get3A_814 : vector<16xf32> to vector<16xf32>
          %mul3A_816 = arith.mulf %get3A_815, %get3A_613 : vector<16xf32>
          %add3A_817 = arith.addf %mul3A_804, %mul3A_816 : vector<16xf32>
          %mul3A_818 = arith.constant 64 : i32
          %mul3A_819 = arith.muli %while3A_793, %mul3A_818 : i32
          %add3A_820 = arith.constant 48 : i32
          %add3A_821 = arith.addi %mul3A_819, %add3A_820 : i32
          %add3A_822 = arith.constant 2 : i32
          %add3A_823 = arith.addi %add3A_821, %add3A_822 : i32
          %mul3A_824 = arith.constant 16 : i32
          %mul3A_825 = arith.muli %add3A_823, %mul3A_824 : i32
          %get3A_826 = arith.index_cast %mul3A_825 : i32 to index
          %get3A_827 = tpu.vector_load %arg6[%get3A_826] {strides = array<i32>} : memref<26624xf32, #tpu.memory_space<vmem>>, vector<16xf32>,
          %get3A_828 = vector.shape_cast %get3A_827 : vector<16xf32> to vector<16xf32>
          %mul3A_829 = arith.mulf %get3A_828, %get3A_624 : vector<16xf32>
          %add3A_830 = arith.addf %add3A_817, %mul3A_829 : vector<16xf32>
          %mul3A_831 = arith.constant 64 : i32
          %mul3A_832 = arith.muli %while3A_793, %mul3A_831 : i32
          %add3A_833 = arith.constant 48 : i32
          %add3A_834 = arith.addi %mul3A_832, %add3A_833 : i32
          %add3A_835 = arith.constant 3 : i32
          %add3A_836 = arith.addi %add3A_834, %add3A_835 : i32
          %mul3A_837 = arith.constant 16 : i32
          %mul3A_838 = arith.muli %add3A_836, %mul3A_837 : i32
          %get3A_839 = arith.index_cast %mul3A_838 : i32 to index
          %get3A_840 = tpu.vector_load %arg6[%get3A_839] {strides = array<i32>} : memref<26624xf32, #tpu.memory_space<vmem>>, vector<16xf32>,
          %get3A_841 = vector.shape_cast %get3A_840 : vector<16xf32> to vector<16xf32>
          %mul3A_842 = arith.mulf %get3A_841, %get3A_635 : vector<16xf32>
          %add3A_843 = arith.addf %add3A_830, %mul3A_842 : vector<16xf32>
          %mul3A_844 = arith.constant 64 : i32
          %mul3A_845 = arith.muli %while3A_793, %mul3A_844 : i32
          %add3A_846 = arith.constant 48 : i32
          %add3A_847 = arith.addi %mul3A_845, %add3A_846 : i32
          %add3A_848 = arith.constant 4 : i32
          %add3A_849 = arith.addi %add3A_847, %add3A_848 : i32
          %mul3A_850 = arith.constant 16 : i32
          %mul3A_851 = arith.muli %add3A_849, %mul3A_850 : i32
          %get3A_852 = arith.index_cast %mul3A_851 : i32 to index
          %get3A_853 = tpu.vector_load %arg6[%get3A_852] {strides = array<i32>} : memref<26624xf32, #tpu.memory_space<vmem>>, vector<16xf32>,
          %get3A_854 = vector.shape_cast %get3A_853 : vector<16xf32> to vector<16xf32>
          %mul3A_855 = arith.mulf %get3A_854, %get3A_646 : vector<16xf32>
          %add3A_856 = arith.addf %add3A_843, %mul3A_855 : vector<16xf32>
          %mul3A_857 = arith.constant 64 : i32
          %mul3A_858 = arith.muli %while3A_793, %mul3A_857 : i32
          %add3A_859 = arith.constant 48 : i32
          %add3A_860 = arith.addi %mul3A_858, %add3A_859 : i32
          %add3A_861 = arith.constant 5 : i32
          %add3A_862 = arith.addi %add3A_860, %add3A_861 : i32
          %mul3A_863 = arith.constant 16 : i32
          %mul3A_864 = arith.muli %add3A_862, %mul3A_863 : i32
          %get3A_865 = arith.index_cast %mul3A_864 : i32 to index
          %get3A_866 = tpu.vector_load %arg6[%get3A_865] {strides = array<i32>} : memref<26624xf32, #tpu.memory_space<vmem>>, vector<16xf32>,
          %get3A_867 = vector.shape_cast %get3A_866 : vector<16xf32> to vector<16xf32>
          %mul3A_868 = arith.mulf %get3A_867, %get3A_657 : vector<16xf32>
          %add3A_869 = arith.addf %add3A_856, %mul3A_868 : vector<16xf32>
          %mul3A_870 = arith.constant 64 : i32
          %mul3A_871 = arith.muli %while3A_793, %mul3A_870 : i32
          %add3A_872 = arith.constant 48 : i32
          %add3A_873 = arith.addi %mul3A_871, %add3A_872 : i32
          %add3A_874 = arith.constant 6 : i32
          %add3A_875 = arith.addi %add3A_873, %add3A_874 : i32
          %mul3A_876 = arith.constant 16 : i32
          %mul3A_877 = arith.muli %add3A_875, %mul3A_876 : i32
          %get3A_878 = arith.index_cast %mul3A_877 : i32 to index
          %get3A_879 = tpu.vector_load %arg6[%get3A_878] {strides = array<i32>} : memref<26624xf32, #tpu.memory_space<vmem>>, vector<16xf32>,
          %get3A_880 = vector.shape_cast %get3A_879 : vector<16xf32> to vector<16xf32>
          %mul3A_881 = arith.mulf %get3A_880, %get3A_668 : vector<16xf32>
          %add3A_882 = arith.addf %add3A_869, %mul3A_881 : vector<16xf32>
          %mul3A_883 = arith.constant 64 : i32
          %mul3A_884 = arith.muli %while3A_793, %mul3A_883 : i32
          %add3A_885 = arith.constant 48 : i32
          %add3A_886 = arith.addi %mul3A_884, %add3A_885 : i32
          %add3A_887 = arith.constant 7 : i32
          %add3A_888 = arith.addi %add3A_886, %add3A_887 : i32
          %mul3A_889 = arith.constant 16 : i32
          %mul3A_890 = arith.muli %add3A_888, %mul3A_889 : i32
          %get3A_891 = arith.index_cast %mul3A_890 : i32 to index
          %get3A_892 = tpu.vector_load %arg6[%get3A_891] {strides = array<i32>} : memref<26624xf32, #tpu.memory_space<vmem>>, vector<16xf32>,
          %get3A_893 = vector.shape_cast %get3A_892 : vector<16xf32> to vector<16xf32>
          %mul3A_894 = arith.mulf %get3A_893, %get3A_679 : vector<16xf32>
          %add3A_895 = arith.addf %add3A_882, %mul3A_894 : vector<16xf32>
          %mul3A_896 = arith.constant 64 : i32
          %mul3A_897 = arith.muli %while3A_793, %mul3A_896 : i32
          %add3A_898 = arith.constant 48 : i32
          %add3A_899 = arith.addi %mul3A_897, %add3A_898 : i32
          %add3A_900 = arith.constant 8 : i32
          %add3A_901 = arith.addi %add3A_899, %add3A_900 : i32
          %mul3A_902 = arith.constant 16 : i32
          %mul3A_903 = arith.muli %add3A_901, %mul3A_902 : i32
          %get3A_904 = arith.index_cast %mul3A_903 : i32 to index
          %get3A_905 = tpu.vector_load %arg6[%get3A_904] {strides = array<i32>} : memref<26624xf32, #tpu.memory_space<vmem>>, vector<16xf32>,
          %get3A_906 = vector.shape_cast %get3A_905 : vector<16xf32> to vector<16xf32>
          %mul3A_907 = arith.mulf %get3A_906, %get3A_690 : vector<16xf32>
          %add3A_908 = arith.addf %add3A_895, %mul3A_907 : vector<16xf32>
          %mul3A_909 = arith.constant 64 : i32
          %mul3A_910 = arith.muli %while3A_793, %mul3A_909 : i32
          %add3A_911 = arith.constant 48 : i32
          %add3A_912 = arith.addi %mul3A_910, %add3A_911 : i32
          %add3A_913 = arith.constant 9 : i32
          %add3A_914 = arith.addi %add3A_912, %add3A_913 : i32
          %mul3A_915 = arith.constant 16 : i32
          %mul3A_916 = arith.muli %add3A_914, %mul3A_915 : i32
          %get3A_917 = arith.index_cast %mul3A_916 : i32 to index
          %get3A_918 = tpu.vector_load %arg6[%get3A_917] {strides = array<i32>} : memref<26624xf32, #tpu.memory_space<vmem>>, vector<16xf32>,
          %get3A_919 = vector.shape_cast %get3A_918 : vector<16xf32> to vector<16xf32>
          %mul3A_920 = arith.mulf %get3A_919, %get3A_701 : vector<16xf32>
          %add3A_921 = arith.addf %add3A_908, %mul3A_920 : vector<16xf32>
          %mul3A_922 = arith.constant 64 : i32
          %mul3A_923 = arith.muli %while3A_793, %mul3A_922 : i32
          %add3A_924 = arith.constant 48 : i32
          %add3A_925 = arith.addi %mul3A_923, %add3A_924 : i32
          %add3A_926 = arith.constant 10 : i32
          %add3A_927 = arith.addi %add3A_925, %add3A_926 : i32
          %mul3A_928 = arith.constant 16 : i32
          %mul3A_929 = arith.muli %add3A_927, %mul3A_928 : i32
          %get3A_930 = arith.index_cast %mul3A_929 : i32 to index
          %get3A_931 = tpu.vector_load %arg6[%get3A_930] {strides = array<i32>} : memref<26624xf32, #tpu.memory_space<vmem>>, vector<16xf32>,
          %get3A_932 = vector.shape_cast %get3A_931 : vector<16xf32> to vector<16xf32>
          %mul3A_933 = arith.mulf %get3A_932, %get3A_712 : vector<16xf32>
          %add3A_934 = arith.addf %add3A_921, %mul3A_933 : vector<16xf32>
          %mul3A_935 = arith.constant 64 : i32
          %mul3A_936 = arith.muli %while3A_793, %mul3A_935 : i32
          %add3A_937 = arith.constant 48 : i32
          %add3A_938 = arith.addi %mul3A_936, %add3A_937 : i32
          %add3A_939 = arith.constant 11 : i32
          %add3A_940 = arith.addi %add3A_938, %add3A_939 : i32
          %mul3A_941 = arith.constant 16 : i32
          %mul3A_942 = arith.muli %add3A_940, %mul3A_941 : i32
          %get3A_943 = arith.index_cast %mul3A_942 : i32 to index
          %get3A_944 = tpu.vector_load %arg6[%get3A_943] {strides = array<i32>} : memref<26624xf32, #tpu.memory_space<vmem>>, vector<16xf32>,
          %get3A_945 = vector.shape_cast %get3A_944 : vector<16xf32> to vector<16xf32>
          %mul3A_946 = arith.mulf %get3A_945, %get3A_723 : vector<16xf32>
          %add3A_947 = arith.addf %add3A_934, %mul3A_946 : vector<16xf32>
          %mul3A_948 = arith.constant 64 : i32
          %mul3A_949 = arith.muli %while3A_793, %mul3A_948 : i32
          %add3A_950 = arith.constant 48 : i32
          %add3A_951 = arith.addi %mul3A_949, %add3A_950 : i32
          %add3A_952 = arith.constant 12 : i32
          %add3A_953 = arith.addi %add3A_951, %add3A_952 : i32
          %mul3A_954 = arith.constant 16 : i32
          %mul3A_955 = arith.muli %add3A_953, %mul3A_954 : i32
          %get3A_956 = arith.index_cast %mul3A_955 : i32 to index
          %get3A_957 = tpu.vector_load %arg6[%get3A_956] {strides = array<i32>} : memref<26624xf32, #tpu.memory_space<vmem>>, vector<16xf32>,
          %get3A_958 = vector.shape_cast %get3A_957 : vector<16xf32> to vector<16xf32>
          %mul3A_959 = arith.mulf %get3A_958, %get3A_734 : vector<16xf32>
          %add3A_960 = arith.addf %add3A_947, %mul3A_959 : vector<16xf32>
          %mul3A_961 = arith.constant 64 : i32
          %mul3A_962 = arith.muli %while3A_793, %mul3A_961 : i32
          %add3A_963 = arith.constant 48 : i32
          %add3A_964 = arith.addi %mul3A_962, %add3A_963 : i32
          %add3A_965 = arith.constant 13 : i32
          %add3A_966 = arith.addi %add3A_964, %add3A_965 : i32
          %mul3A_967 = arith.constant 16 : i32
          %mul3A_968 = arith.muli %add3A_966, %mul3A_967 : i32
          %get3A_969 = arith.index_cast %mul3A_968 : i32 to index
          %get3A_970 = tpu.vector_load %arg6[%get3A_969] {strides = array<i32>} : memref<26624xf32, #tpu.memory_space<vmem>>, vector<16xf32>,
          %get3A_971 = vector.shape_cast %get3A_970 : vector<16xf32> to vector<16xf32>
          %mul3A_972 = arith.mulf %get3A_971, %get3A_745 : vector<16xf32>
          %add3A_973 = arith.addf %add3A_960, %mul3A_972 : vector<16xf32>
          %mul3A_974 = arith.constant 64 : i32
          %mul3A_975 = arith.muli %while3A_793, %mul3A_974 : i32
          %add3A_976 = arith.constant 48 : i32
          %add3A_977 = arith.addi %mul3A_975, %add3A_976 : i32
          %add3A_978 = arith.constant 14 : i32
          %add3A_979 = arith.addi %add3A_977, %add3A_978 : i32
          %mul3A_980 = arith.constant 16 : i32
          %mul3A_981 = arith.muli %add3A_979, %mul3A_980 : i32
          %get3A_982 = arith.index_cast %mul3A_981 : i32 to index
          %get3A_983 = tpu.vector_load %arg6[%get3A_982] {strides = array<i32>} : memref<26624xf32, #tpu.memory_space<vmem>>, vector<16xf32>,
          %get3A_984 = vector.shape_cast %get3A_983 : vector<16xf32> to vector<16xf32>
          %mul3A_985 = arith.mulf %get3A_984, %get3A_756 : vector<16xf32>
          %add3A_986 = arith.addf %add3A_973, %mul3A_985 : vector<16xf32>
          %mul3A_987 = arith.constant 64 : i32
          %mul3A_988 = arith.muli %while3A_793, %mul3A_987 : i32
          %add3A_989 = arith.constant 48 : i32
          %add3A_990 = arith.addi %mul3A_988, %add3A_989 : i32
          %add3A_991 = arith.constant 15 : i32
          %add3A_992 = arith.addi %add3A_990, %add3A_991 : i32
          %mul3A_993 = arith.constant 16 : i32
          %mul3A_994 = arith.muli %add3A_992, %mul3A_993 : i32
          %get3A_995 = arith.index_cast %mul3A_994 : i32 to index
          %get3A_996 = tpu.vector_load %arg6[%get3A_995] {strides = array<i32>} : memref<26624xf32, #tpu.memory_space<vmem>>, vector<16xf32>,
          %get3A_997 = vector.shape_cast %get3A_996 : vector<16xf32> to vector<16xf32>
          %mul3A_998 = arith.mulf %get3A_997, %get3A_767 : vector<16xf32>
          %add3A_999 = arith.addf %add3A_986, %mul3A_998 : vector<16xf32>
          %mul3A_1000 = arith.constant 16 : i32
          %mul3A_1001 = arith.muli %while3A_793, %mul3A_1000 : i32
          %get3A_1002 = arith.index_cast %mul3A_1001 : i32 to index
          %get3A_1003 = tpu.vector_load %arg10[%get3A_1002] {strides = array<i32>} : memref<512xf32, #tpu.memory_space<vmem>>, vector<16xf32>,
          %get3A_1004 = vector.shape_cast %get3A_1003 : vector<16xf32> to vector<16xf32>
          %add3A_1005 = arith.addf %get3A_1004, %add3A_999 : vector<16xf32>
          %mul3A_1006 = arith.constant 16 : i32
          %mul3A_1007 = arith.muli %while3A_793, %mul3A_1006 : i32
          %swap3A = arith.index_cast %mul3A_1007 : i32 to index
          %swap3A_1008 = tpu.vector_load %arg10[%swap3A] {strides = array<i32>} : memref<512xf32, #tpu.memory_space<vmem>>, vector<16xf32>,
          %swap3A_1009 = vector.shape_cast %swap3A_1008 : vector<16xf32> to vector<16xf32>
          %swap3A_1010 = vector.shape_cast %add3A_1005 : vector<16xf32> to vector<16xf32>
          tpu.vector_store %arg10[%swap3A], %swap3A_1010 {strides = array<i32>} : memref<512xf32, #tpu.memory_space<vmem>>, vector<16xf32>,
          %while3A_1011 = arith.constant 0 : i32
          scf.yield %while3A_1011 : i32
        }
        %while3A_778 = arith.constant 1 : i32
        %while3A_779 = scf.for %while3A_793 = %while3A_775 to %while3A_771 step %while3A_778 iter_args(%while3A_794 = %while3A_777) -> (i32)  : i32 {
          %mul3A_795 = arith.constant 64 : i32
          %mul3A_796 = arith.muli %while3A_793, %mul3A_795 : i32
          %add3A_797 = arith.constant 48 : i32
          %add3A_798 = arith.addi %mul3A_796, %add3A_797 : i32
          %mul3A_799 = arith.constant 16 : i32
          %mul3A_800 = arith.muli %add3A_798, %mul3A_799 : i32
          %get3A_801 = arith.index_cast %mul3A_800 : i32 to index
          %get3A_802 = tpu.vector_load %arg6[%get3A_801] {strides = array<i32>} : memref<26624xf32, #tpu.memory_space<vmem>>, vector<16xf32>,
          %get3A_803 = vector.shape_cast %get3A_802 : vector<16xf32> to vector<16xf32>
          %mul3A_804 = arith.mulf %get3A_803, %get3A_602 : vector<16xf32>
          %mul3A_805 = arith.constant 64 : i32
          %mul3A_806 = arith.muli %while3A_793, %mul3A_805 : i32
          %add3A_807 = arith.constant 48 : i32
          %add3A_808 = arith.addi %mul3A_806, %add3A_807 : i32
          %add3A_809 = arith.constant 1 : i32
          %add3A_810 = arith.addi %add3A_808, %add3A_809 : i32
          %mul3A_811 = arith.constant 16 : i32
          %mul3A_812 = arith.muli %add3A_810, %mul3A_811 : i32
          %get3A_813 = arith.index_cast %mul3A_812 : i32 to index
          %get3A_814 = tpu.vector_load %arg6[%get3A_813] {strides = array<i32>} : memref<26624xf32, #tpu.memory_space<vmem>>, vector<16xf32>,
          %get3A_815 = vector.shape_cast %get3A_814 : vector<16xf32> to vector<16xf32>
          %mul3A_816 = arith.mulf %get3A_815, %get3A_613 : vector<16xf32>
          %add3A_817 = arith.addf %mul3A_804, %mul3A_816 : vector<16xf32>
          %mul3A_818 = arith.constant 64 : i32
          %mul3A_819 = arith.muli %while3A_793, %mul3A_818 : i32
          %add3A_820 = arith.constant 48 : i32
          %add3A_821 = arith.addi %mul3A_819, %add3A_820 : i32
          %add3A_822 = arith.constant 2 : i32
          %add3A_823 = arith.addi %add3A_821, %add3A_822 : i32
          %mul3A_824 = arith.constant 16 : i32
          %mul3A_825 = arith.muli %add3A_823, %mul3A_824 : i32
          %get3A_826 = arith.index_cast %mul3A_825 : i32 to index
          %get3A_827 = tpu.vector_load %arg6[%get3A_826] {strides = array<i32>} : memref<26624xf32, #tpu.memory_space<vmem>>, vector<16xf32>,
          %get3A_828 = vector.shape_cast %get3A_827 : vector<16xf32> to vector<16xf32>
          %mul3A_829 = arith.mulf %get3A_828, %get3A_624 : vector<16xf32>
          %add3A_830 = arith.addf %add3A_817, %mul3A_829 : vector<16xf32>
          %mul3A_831 = arith.constant 64 : i32
          %mul3A_832 = arith.muli %while3A_793, %mul3A_831 : i32
          %add3A_833 = arith.constant 48 : i32
          %add3A_834 = arith.addi %mul3A_832, %add3A_833 : i32
          %add3A_835 = arith.constant 3 : i32
          %add3A_836 = arith.addi %add3A_834, %add3A_835 : i32
          %mul3A_837 = arith.constant 16 : i32
          %mul3A_838 = arith.muli %add3A_836, %mul3A_837 : i32
          %get3A_839 = arith.index_cast %mul3A_838 : i32 to index
          %get3A_840 = tpu.vector_load %arg6[%get3A_839] {strides = array<i32>} : memref<26624xf32, #tpu.memory_space<vmem>>, vector<16xf32>,
          %get3A_841 = vector.shape_cast %get3A_840 : vector<16xf32> to vector<16xf32>
          %mul3A_842 = arith.mulf %get3A_841, %get3A_635 : vector<16xf32>
          %add3A_843 = arith.addf %add3A_830, %mul3A_842 : vector<16xf32>
          %mul3A_844 = arith.constant 64 : i32
          %mul3A_845 = arith.muli %while3A_793, %mul3A_844 : i32
          %add3A_846 = arith.constant 48 : i32
          %add3A_847 = arith.addi %mul3A_845, %add3A_846 : i32
          %add3A_848 = arith.constant 4 : i32
          %add3A_849 = arith.addi %add3A_847, %add3A_848 : i32
          %mul3A_850 = arith.constant 16 : i32
          %mul3A_851 = arith.muli %add3A_849, %mul3A_850 : i32
          %get3A_852 = arith.index_cast %mul3A_851 : i32 to index
          %get3A_853 = tpu.vector_load %arg6[%get3A_852] {strides = array<i32>} : memref<26624xf32, #tpu.memory_space<vmem>>, vector<16xf32>,
          %get3A_854 = vector.shape_cast %get3A_853 : vector<16xf32> to vector<16xf32>
          %mul3A_855 = arith.mulf %get3A_854, %get3A_646 : vector<16xf32>
          %add3A_856 = arith.addf %add3A_843, %mul3A_855 : vector<16xf32>
          %mul3A_857 = arith.constant 64 : i32
          %mul3A_858 = arith.muli %while3A_793, %mul3A_857 : i32
          %add3A_859 = arith.constant 48 : i32
          %add3A_860 = arith.addi %mul3A_858, %add3A_859 : i32
          %add3A_861 = arith.constant 5 : i32
          %add3A_862 = arith.addi %add3A_860, %add3A_861 : i32
          %mul3A_863 = arith.constant 16 : i32
          %mul3A_864 = arith.muli %add3A_862, %mul3A_863 : i32
          %get3A_865 = arith.index_cast %mul3A_864 : i32 to index
          %get3A_866 = tpu.vector_load %arg6[%get3A_865] {strides = array<i32>} : memref<26624xf32, #tpu.memory_space<vmem>>, vector<16xf32>,
          %get3A_867 = vector.shape_cast %get3A_866 : vector<16xf32> to vector<16xf32>
          %mul3A_868 = arith.mulf %get3A_867, %get3A_657 : vector<16xf32>
          %add3A_869 = arith.addf %add3A_856, %mul3A_868 : vector<16xf32>
          %mul3A_870 = arith.constant 64 : i32
          %mul3A_871 = arith.muli %while3A_793, %mul3A_870 : i32
          %add3A_872 = arith.constant 48 : i32
          %add3A_873 = arith.addi %mul3A_871, %add3A_872 : i32
          %add3A_874 = arith.constant 6 : i32
          %add3A_875 = arith.addi %add3A_873, %add3A_874 : i32
          %mul3A_876 = arith.constant 16 : i32
          %mul3A_877 = arith.muli %add3A_875, %mul3A_876 : i32
          %get3A_878 = arith.index_cast %mul3A_877 : i32 to index
          %get3A_879 = tpu.vector_load %arg6[%get3A_878] {strides = array<i32>} : memref<26624xf32, #tpu.memory_space<vmem>>, vector<16xf32>,
          %get3A_880 = vector.shape_cast %get3A_879 : vector<16xf32> to vector<16xf32>
          %mul3A_881 = arith.mulf %get3A_880, %get3A_668 : vector<16xf32>
          %add3A_882 = arith.addf %add3A_869, %mul3A_881 : vector<16xf32>
          %mul3A_883 = arith.constant 64 : i32
          %mul3A_884 = arith.muli %while3A_793, %mul3A_883 : i32
          %add3A_885 = arith.constant 48 : i32
          %add3A_886 = arith.addi %mul3A_884, %add3A_885 : i32
          %add3A_887 = arith.constant 7 : i32
          %add3A_888 = arith.addi %add3A_886, %add3A_887 : i32
          %mul3A_889 = arith.constant 16 : i32
          %mul3A_890 = arith.muli %add3A_888, %mul3A_889 : i32
          %get3A_891 = arith.index_cast %mul3A_890 : i32 to index
          %get3A_892 = tpu.vector_load %arg6[%get3A_891] {strides = array<i32>} : memref<26624xf32, #tpu.memory_space<vmem>>, vector<16xf32>,
          %get3A_893 = vector.shape_cast %get3A_892 : vector<16xf32> to vector<16xf32>
          %mul3A_894 = arith.mulf %get3A_893, %get3A_679 : vector<16xf32>
          %add3A_895 = arith.addf %add3A_882, %mul3A_894 : vector<16xf32>
          %mul3A_896 = arith.constant 64 : i32
          %mul3A_897 = arith.muli %while3A_793, %mul3A_896 : i32
          %add3A_898 = arith.constant 48 : i32
          %add3A_899 = arith.addi %mul3A_897, %add3A_898 : i32
          %add3A_900 = arith.constant 8 : i32
          %add3A_901 = arith.addi %add3A_899, %add3A_900 : i32
          %mul3A_902 = arith.constant 16 : i32
          %mul3A_903 = arith.muli %add3A_901, %mul3A_902 : i32
          %get3A_904 = arith.index_cast %mul3A_903 : i32 to index
          %get3A_905 = tpu.vector_load %arg6[%get3A_904] {strides = array<i32>} : memref<26624xf32, #tpu.memory_space<vmem>>, vector<16xf32>,
          %get3A_906 = vector.shape_cast %get3A_905 : vector<16xf32> to vector<16xf32>
          %mul3A_907 = arith.mulf %get3A_906, %get3A_690 : vector<16xf32>
          %add3A_908 = arith.addf %add3A_895, %mul3A_907 : vector<16xf32>
          %mul3A_909 = arith.constant 64 : i32
          %mul3A_910 = arith.muli %while3A_793, %mul3A_909 : i32
          %add3A_911 = arith.constant 48 : i32
          %add3A_912 = arith.addi %mul3A_910, %add3A_911 : i32
          %add3A_913 = arith.constant 9 : i32
          %add3A_914 = arith.addi %add3A_912, %add3A_913 : i32
          %mul3A_915 = arith.constant 16 : i32
          %mul3A_916 = arith.muli %add3A_914, %mul3A_915 : i32
          %get3A_917 = arith.index_cast %mul3A_916 : i32 to index
          %get3A_918 = tpu.vector_load %arg6[%get3A_917] {strides = array<i32>} : memref<26624xf32, #tpu.memory_space<vmem>>, vector<16xf32>,
          %get3A_919 = vector.shape_cast %get3A_918 : vector<16xf32> to vector<16xf32>
          %mul3A_920 = arith.mulf %get3A_919, %get3A_701 : vector<16xf32>
          %add3A_921 = arith.addf %add3A_908, %mul3A_920 : vector<16xf32>
          %mul3A_922 = arith.constant 64 : i32
          %mul3A_923 = arith.muli %while3A_793, %mul3A_922 : i32
          %add3A_924 = arith.constant 48 : i32
          %add3A_925 = arith.addi %mul3A_923, %add3A_924 : i32
          %add3A_926 = arith.constant 10 : i32
          %add3A_927 = arith.addi %add3A_925, %add3A_926 : i32
          %mul3A_928 = arith.constant 16 : i32
          %mul3A_929 = arith.muli %add3A_927, %mul3A_928 : i32
          %get3A_930 = arith.index_cast %mul3A_929 : i32 to index
          %get3A_931 = tpu.vector_load %arg6[%get3A_930] {strides = array<i32>} : memref<26624xf32, #tpu.memory_space<vmem>>, vector<16xf32>,
          %get3A_932 = vector.shape_cast %get3A_931 : vector<16xf32> to vector<16xf32>
          %mul3A_933 = arith.mulf %get3A_932, %get3A_712 : vector<16xf32>
          %add3A_934 = arith.addf %add3A_921, %mul3A_933 : vector<16xf32>
          %mul3A_935 = arith.constant 64 : i32
          %mul3A_936 = arith.muli %while3A_793, %mul3A_935 : i32
          %add3A_937 = arith.constant 48 : i32
          %add3A_938 = arith.addi %mul3A_936, %add3A_937 : i32
          %add3A_939 = arith.constant 11 : i32
          %add3A_940 = arith.addi %add3A_938, %add3A_939 : i32
          %mul3A_941 = arith.constant 16 : i32
          %mul3A_942 = arith.muli %add3A_940, %mul3A_941 : i32
          %get3A_943 = arith.index_cast %mul3A_942 : i32 to index
          %get3A_944 = tpu.vector_load %arg6[%get3A_943] {strides = array<i32>} : memref<26624xf32, #tpu.memory_space<vmem>>, vector<16xf32>,
          %get3A_945 = vector.shape_cast %get3A_944 : vector<16xf32> to vector<16xf32>
          %mul3A_946 = arith.mulf %get3A_945, %get3A_723 : vector<16xf32>
          %add3A_947 = arith.addf %add3A_934, %mul3A_946 : vector<16xf32>
          %mul3A_948 = arith.constant 64 : i32
          %mul3A_949 = arith.muli %while3A_793, %mul3A_948 : i32
          %add3A_950 = arith.constant 48 : i32
          %add3A_951 = arith.addi %mul3A_949, %add3A_950 : i32
          %add3A_952 = arith.constant 12 : i32
          %add3A_953 = arith.addi %add3A_951, %add3A_952 : i32
          %mul3A_954 = arith.constant 16 : i32
          %mul3A_955 = arith.muli %add3A_953, %mul3A_954 : i32
          %get3A_956 = arith.index_cast %mul3A_955 : i32 to index
          %get3A_957 = tpu.vector_load %arg6[%get3A_956] {strides = array<i32>} : memref<26624xf32, #tpu.memory_space<vmem>>, vector<16xf32>,
          %get3A_958 = vector.shape_cast %get3A_957 : vector<16xf32> to vector<16xf32>
          %mul3A_959 = arith.mulf %get3A_958, %get3A_734 : vector<16xf32>
          %add3A_960 = arith.addf %add3A_947, %mul3A_959 : vector<16xf32>
          %mul3A_961 = arith.constant 64 : i32
          %mul3A_962 = arith.muli %while3A_793, %mul3A_961 : i32
          %add3A_963 = arith.constant 48 : i32
          %add3A_964 = arith.addi %mul3A_962, %add3A_963 : i32
          %add3A_965 = arith.constant 13 : i32
          %add3A_966 = arith.addi %add3A_964, %add3A_965 : i32
          %mul3A_967 = arith.constant 16 : i32
          %mul3A_968 = arith.muli %add3A_966, %mul3A_967 : i32
          %get3A_969 = arith.index_cast %mul3A_968 : i32 to index
          %get3A_970 = tpu.vector_load %arg6[%get3A_969] {strides = array<i32>} : memref<26624xf32, #tpu.memory_space<vmem>>, vector<16xf32>,
          %get3A_971 = vector.shape_cast %get3A_970 : vector<16xf32> to vector<16xf32>
          %mul3A_972 = arith.mulf %get3A_971, %get3A_745 : vector<16xf32>
          %add3A_973 = arith.addf %add3A_960, %mul3A_972 : vector<16xf32>
          %mul3A_974 = arith.constant 64 : i32
          %mul3A_975 = arith.muli %while3A_793, %mul3A_974 : i32
          %add3A_976 = arith.constant 48 : i32
          %add3A_977 = arith.addi %mul3A_975, %add3A_976 : i32
          %add3A_978 = arith.constant 14 : i32
          %add3A_979 = arith.addi %add3A_977, %add3A_978 : i32
          %mul3A_980 = arith.constant 16 : i32
          %mul3A_981 = arith.muli %add3A_979, %mul3A_980 : i32
          %get3A_982 = arith.index_cast %mul3A_981 : i32 to index
          %get3A_983 = tpu.vector_load %arg6[%get3A_982] {strides = array<i32>} : memref<26624xf32, #tpu.memory_space<vmem>>, vector<16xf32>,
          %get3A_984 = vector.shape_cast %get3A_983 : vector<16xf32> to vector<16xf32>
          %mul3A_985 = arith.mulf %get3A_984, %get3A_756 : vector<16xf32>
          %add3A_986 = arith.addf %add3A_973, %mul3A_985 : vector<16xf32>
          %mul3A_987 = arith.constant 64 : i32
          %mul3A_988 = arith.muli %while3A_793, %mul3A_987 : i32
          %add3A_989 = arith.constant 48 : i32
          %add3A_990 = arith.addi %mul3A_988, %add3A_989 : i32
          %add3A_991 = arith.constant 15 : i32
          %add3A_992 = arith.addi %add3A_990, %add3A_991 : i32
          %mul3A_993 = arith.constant 16 : i32
          %mul3A_994 = arith.muli %add3A_992, %mul3A_993 : i32
          %get3A_995 = arith.index_cast %mul3A_994 : i32 to index
          %get3A_996 = tpu.vector_load %arg6[%get3A_995] {strides = array<i32>} : memref<26624xf32, #tpu.memory_space<vmem>>, vector<16xf32>,
          %get3A_997 = vector.shape_cast %get3A_996 : vector<16xf32> to vector<16xf32>
          %mul3A_998 = arith.mulf %get3A_997, %get3A_767 : vector<16xf32>
          %add3A_999 = arith.addf %add3A_986, %mul3A_998 : vector<16xf32>
          %mul3A_1000 = arith.constant 16 : i32
          %mul3A_1001 = arith.muli %while3A_793, %mul3A_1000 : i32
          %get3A_1002 = arith.index_cast %mul3A_1001 : i32 to index
          %get3A_1003 = tpu.vector_load %arg10[%get3A_1002] {strides = array<i32>} : memref<512xf32, #tpu.memory_space<vmem>>, vector<16xf32>,
          %get3A_1004 = vector.shape_cast %get3A_1003 : vector<16xf32> to vector<16xf32>
          %add3A_1005 = arith.addf %get3A_1004, %add3A_999 : vector<16xf32>
          %mul3A_1006 = arith.constant 16 : i32
          %mul3A_1007 = arith.muli %while3A_793, %mul3A_1006 : i32
          %swap3A = arith.index_cast %mul3A_1007 : i32 to index
          %swap3A_1008 = tpu.vector_load %arg10[%swap3A] {strides = array<i32>} : memref<512xf32, #tpu.memory_space<vmem>>, vector<16xf32>,
          %swap3A_1009 = vector.shape_cast %swap3A_1008 : vector<16xf32> to vector<16xf32>
          %swap3A_1010 = vector.shape_cast %add3A_1005 : vector<16xf32> to vector<16xf32>
          tpu.vector_store %arg10[%swap3A], %swap3A_1010 {strides = array<i32>} : memref<512xf32, #tpu.memory_space<vmem>>, vector<16xf32>,
          %while3A_1011 = arith.constant 0 : i32
          scf.yield %while3A_1011 : i32
        }
        %while3A_780 = arith.constant 0 : i32
        %while3A_781 = arith.constant 0 : i32
        %while3A_782 = arith.subi %scan3A_28, %while3A_780 : i32
        %while3A_783 = arith.addi %while3A_780, %while3A_782 : i32
        %while3A_784 = arith.constant 1 : i32
        %while3A_785 = arith.divsi %while3A_782, %while3A_784 : i32
        %while3A_786 = arith.muli %while3A_785, %while3A_784 : i32
        %while3A_787 = arith.addi %while3A_780, %while3A_786 : i32
        %while3A_788 = arith.constant 1 : i32
        %while3A_789 = scf.for %while3A_793 = %while3A_780 to %while3A_787 step %while3A_788 iter_args(%while3A_794 = %while3A_781) -> (i32)  : i32 {
          %mul3A_795 = arith.constant 16 : i32
          %mul3A_796 = arith.muli %while3A_793, %mul3A_795 : i32
          %get3A_797 = arith.index_cast %mul3A_796 : i32 to index
          %get3A_798 = tpu.vector_load %arg10[%get3A_797] {strides = array<i32>} : memref<512xf32, #tpu.memory_space<vmem>>, vector<16xf32>,
          %get3A_799 = vector.shape_cast %get3A_798 : vector<16xf32> to vector<16xf32>
          %mul3A_800 = arith.constant 32 : i32
          %mul3A_801 = arith.muli %scan3A_28, %mul3A_800 : i32
          %add3A_802 = arith.addi %mul3A_801, %while3A_793 : i32
          %mul3A_803 = arith.constant 16 : i32
          %mul3A_804 = arith.muli %add3A_802, %mul3A_803 : i32
          %swap3A = arith.index_cast %mul3A_804 : i32 to index
          %swap3A_805 = tpu.vector_load %arg7[%swap3A] {strides = array<i32>} : memref<13312xf32, #tpu.memory_space<vmem>>, vector<16xf32>,
          %swap3A_806 = vector.shape_cast %swap3A_805 : vector<16xf32> to vector<16xf32>
          %swap3A_807 = vector.shape_cast %get3A_799 : vector<16xf32> to vector<16xf32>
          tpu.vector_store %arg7[%swap3A], %swap3A_807 {strides = array<i32>} : memref<13312xf32, #tpu.memory_space<vmem>>, vector<16xf32>,
          %mul3A_808 = arith.constant 16 : i32
          %mul3A_809 = arith.muli %add3A_802, %mul3A_808 : i32
          %get3A_810 = arith.index_cast %mul3A_809 : i32 to index
          %get3A_811 = tpu.vector_load %arg8[%get3A_810] {strides = array<i32>} : memref<13312xf32, #tpu.memory_space<vmem>>, vector<16xf32>,
          %get3A_812 = vector.shape_cast %get3A_811 : vector<16xf32> to vector<16xf32>
          %add3A_813 = arith.addf %get3A_812, %get3A_799 : vector<16xf32>
          %mul3A_814 = arith.constant 16 : i32
          %mul3A_815 = arith.muli %add3A_802, %mul3A_814 : i32
          %swap3A_816 = arith.index_cast %mul3A_815 : i32 to index
          %swap3A_817 = tpu.vector_load %arg8[%swap3A_816] {strides = array<i32>} : memref<13312xf32, #tpu.memory_space<vmem>>, vector<16xf32>,
          %swap3A_818 = vector.shape_cast %swap3A_817 : vector<16xf32> to vector<16xf32>
          %swap3A_819 = vector.shape_cast %add3A_813 : vector<16xf32> to vector<16xf32>
          tpu.vector_store %arg8[%swap3A_816], %swap3A_819 {strides = array<i32>} : memref<13312xf32, #tpu.memory_space<vmem>>, vector<16xf32>,
          %mul3A_820 = arith.constant 16 : i32
          %mul3A_821 = arith.muli %add3A_802, %mul3A_820 : i32
          %get3A_822 = arith.index_cast %mul3A_821 : i32 to index
          %get3A_823 = tpu.vector_load %arg9[%get3A_822] {strides = array<i32>} : memref<13312xf32, #tpu.memory_space<vmem>>, vector<16xf32>,
          %get3A_824 = vector.shape_cast %get3A_823 : vector<16xf32> to vector<16xf32>
          %mul3A_825 = arith.mulf %get3A_799, %get3A_799 : vector<16xf32>
          %add3A_826 = arith.addf %get3A_824, %mul3A_825 : vector<16xf32>
          %mul3A_827 = arith.constant 16 : i32
          %mul3A_828 = arith.muli %add3A_802, %mul3A_827 : i32
          %swap3A_829 = arith.index_cast %mul3A_828 : i32 to index
          %swap3A_830 = tpu.vector_load %arg9[%swap3A_829] {strides = array<i32>} : memref<13312xf32, #tpu.memory_space<vmem>>, vector<16xf32>,
          %swap3A_831 = vector.shape_cast %swap3A_830 : vector<16xf32> to vector<16xf32>
          %swap3A_832 = vector.shape_cast %add3A_826 : vector<16xf32> to vector<16xf32>
          tpu.vector_store %arg9[%swap3A_829], %swap3A_832 {strides = array<i32>} : memref<13312xf32, #tpu.memory_space<vmem>>, vector<16xf32>,
          %while3A_833 = arith.constant 0 : i32
          scf.yield %while3A_833 : i32
        }
        %while3A_790 = arith.constant 1 : i32
        %while3A_791 = scf.for %while3A_793 = %while3A_787 to %while3A_783 step %while3A_790 iter_args(%while3A_794 = %while3A_789) -> (i32)  : i32 {
          %mul3A_795 = arith.constant 16 : i32
          %mul3A_796 = arith.muli %while3A_793, %mul3A_795 : i32
          %get3A_797 = arith.index_cast %mul3A_796 : i32 to index
          %get3A_798 = tpu.vector_load %arg10[%get3A_797] {strides = array<i32>} : memref<512xf32, #tpu.memory_space<vmem>>, vector<16xf32>,
          %get3A_799 = vector.shape_cast %get3A_798 : vector<16xf32> to vector<16xf32>
          %mul3A_800 = arith.constant 32 : i32
          %mul3A_801 = arith.muli %scan3A_28, %mul3A_800 : i32
          %add3A_802 = arith.addi %mul3A_801, %while3A_793 : i32
          %mul3A_803 = arith.constant 16 : i32
          %mul3A_804 = arith.muli %add3A_802, %mul3A_803 : i32
          %swap3A = arith.index_cast %mul3A_804 : i32 to index
          %swap3A_805 = tpu.vector_load %arg7[%swap3A] {strides = array<i32>} : memref<13312xf32, #tpu.memory_space<vmem>>, vector<16xf32>,
          %swap3A_806 = vector.shape_cast %swap3A_805 : vector<16xf32> to vector<16xf32>
          %swap3A_807 = vector.shape_cast %get3A_799 : vector<16xf32> to vector<16xf32>
          tpu.vector_store %arg7[%swap3A], %swap3A_807 {strides = array<i32>} : memref<13312xf32, #tpu.memory_space<vmem>>, vector<16xf32>,
          %mul3A_808 = arith.constant 16 : i32
          %mul3A_809 = arith.muli %add3A_802, %mul3A_808 : i32
          %get3A_810 = arith.index_cast %mul3A_809 : i32 to index
          %get3A_811 = tpu.vector_load %arg8[%get3A_810] {strides = array<i32>} : memref<13312xf32, #tpu.memory_space<vmem>>, vector<16xf32>,
          %get3A_812 = vector.shape_cast %get3A_811 : vector<16xf32> to vector<16xf32>
          %add3A_813 = arith.addf %get3A_812, %get3A_799 : vector<16xf32>
          %mul3A_814 = arith.constant 16 : i32
          %mul3A_815 = arith.muli %add3A_802, %mul3A_814 : i32
          %swap3A_816 = arith.index_cast %mul3A_815 : i32 to index
          %swap3A_817 = tpu.vector_load %arg8[%swap3A_816] {strides = array<i32>} : memref<13312xf32, #tpu.memory_space<vmem>>, vector<16xf32>,
          %swap3A_818 = vector.shape_cast %swap3A_817 : vector<16xf32> to vector<16xf32>
          %swap3A_819 = vector.shape_cast %add3A_813 : vector<16xf32> to vector<16xf32>
          tpu.vector_store %arg8[%swap3A_816], %swap3A_819 {strides = array<i32>} : memref<13312xf32, #tpu.memory_space<vmem>>, vector<16xf32>,
          %mul3A_820 = arith.constant 16 : i32
          %mul3A_821 = arith.muli %add3A_802, %mul3A_820 : i32
          %get3A_822 = arith.index_cast %mul3A_821 : i32 to index
          %get3A_823 = tpu.vector_load %arg9[%get3A_822] {strides = array<i32>} : memref<13312xf32, #tpu.memory_space<vmem>>, vector<16xf32>,
          %get3A_824 = vector.shape_cast %get3A_823 : vector<16xf32> to vector<16xf32>
          %mul3A_825 = arith.mulf %get3A_799, %get3A_799 : vector<16xf32>
          %add3A_826 = arith.addf %get3A_824, %mul3A_825 : vector<16xf32>
          %mul3A_827 = arith.constant 16 : i32
          %mul3A_828 = arith.muli %add3A_802, %mul3A_827 : i32
          %swap3A_829 = arith.index_cast %mul3A_828 : i32 to index
          %swap3A_830 = tpu.vector_load %arg9[%swap3A_829] {strides = array<i32>} : memref<13312xf32, #tpu.memory_space<vmem>>, vector<16xf32>,
          %swap3A_831 = vector.shape_cast %swap3A_830 : vector<16xf32> to vector<16xf32>
          %swap3A_832 = vector.shape_cast %add3A_826 : vector<16xf32> to vector<16xf32>
          tpu.vector_store %arg9[%swap3A_829], %swap3A_832 {strides = array<i32>} : memref<13312xf32, #tpu.memory_space<vmem>>, vector<16xf32>,
          %while3A_833 = arith.constant 0 : i32
          scf.yield %while3A_833 : i32
        }
        %scan3A_792 = arith.constant 0 : i32
        scf.yield %scan3A_792 : i32
      }
      %scan3A_26 = arith.constant 25 : i32
      "tpu.region"() ({
        %run_scoped3A = tpu.sem_alloc : memref<!tpu.dma_semaphore, #tpu.memory_space<semaphore_mem>>
        %dma_start3A = arith.constant 0 : i32
        %dma_start3A_28 = tpu.memref_slice %arg3[%add3A_19, %dma_start3A] : memref<256x13312xf32, #tpu.memory_space<hbm>> -> memref<1x13312xf32, #tpu.memory_space<hbm>>
        %dma_start3A_29 = tpu.memref_squeeze %dma_start3A_28 : memref<1x13312xf32, #tpu.memory_space<hbm>> -> memref<13312xf32, #tpu.memory_space<hbm>>
        %dma_start3A_30 = arith.constant 0 : i32
        %dma_start3A_31 = tpu.memref_slice %arg3[%add3A_19, %dma_start3A_30] : memref<256x13312xf32, #tpu.memory_space<hbm>> -> memref<1x13312xf32, #tpu.memory_space<hbm>>
        %dma_start3A_32 = tpu.memref_squeeze %dma_start3A_31 : memref<1x13312xf32, #tpu.memory_space<hbm>> -> memref<13312xf32, #tpu.memory_space<hbm>>
        tpu.enqueue_dma source(%arg7 : memref<13312xf32, #tpu.memory_space<vmem>>) target(%dma_start3A_32 : memref<13312xf32, #tpu.memory_space<hbm>>) target_semaphore(%run_scoped3A : memref<!tpu.dma_semaphore, #tpu.memory_space<semaphore_mem>>)
        %dma_wait3A = arith.constant 0 : i32
        %dma_wait3A_33 = tpu.memref_slice %arg3[%add3A_19, %dma_wait3A] : memref<256x13312xf32, #tpu.memory_space<hbm>> -> memref<1x13312xf32, #tpu.memory_space<hbm>>
        %dma_wait3A_34 = tpu.memref_squeeze %dma_wait3A_33 : memref<1x13312xf32, #tpu.memory_space<hbm>> -> memref<13312xf32, #tpu.memory_space<hbm>>
        %dma_wait3A_35 = arith.constant 0 : i32
        %dma_wait3A_36 = tpu.memref_slice %arg3[%add3A_19, %dma_wait3A_35] : memref<256x13312xf32, #tpu.memory_space<hbm>> -> memref<1x13312xf32, #tpu.memory_space<hbm>>
        %dma_wait3A_37 = tpu.memref_squeeze %dma_wait3A_36 : memref<1x13312xf32, #tpu.memory_space<hbm>> -> memref<13312xf32, #tpu.memory_space<hbm>>
        tpu.wait_dma2 semaphore(%run_scoped3A : memref<!tpu.dma_semaphore, #tpu.memory_space<semaphore_mem>>) src(%arg7 : memref<13312xf32, #tpu.memory_space<vmem>>) dst(%dma_wait3A_37 : memref<13312xf32, #tpu.memory_space<hbm>>)
        tpu.yield
      }) : () -> ()
      %scan3A_27 = arith.constant 0 : i32
      scf.yield %scan3A_27 : i32
    }
    %scan3A_14 = arith.constant 8 : i32
    "tpu.region"() ({
      %run_scoped3A = tpu.sem_alloc : memref<!tpu.dma_semaphore, #tpu.memory_space<semaphore_mem>>
      %dma_start3A = arith.constant 0 : i32
      %dma_start3A_15 = tpu.memref_slice %arg4[%add3A, %dma_start3A] : memref<32x13312xf32, #tpu.memory_space<hbm>> -> memref<1x13312xf32, #tpu.memory_space<hbm>>
      %dma_start3A_16 = tpu.memref_squeeze %dma_start3A_15 : memref<1x13312xf32, #tpu.memory_space<hbm>> -> memref<13312xf32, #tpu.memory_space<hbm>>
      %dma_start3A_17 = arith.constant 0 : i32
      %dma_start3A_18 = tpu.memref_slice %arg4[%add3A, %dma_start3A_17] : memref<32x13312xf32, #tpu.memory_space<hbm>> -> memref<1x13312xf32, #tpu.memory_space<hbm>>
      %dma_start3A_19 = tpu.memref_squeeze %dma_start3A_18 : memref<1x13312xf32, #tpu.memory_space<hbm>> -> memref<13312xf32, #tpu.memory_space<hbm>>
      tpu.enqueue_dma source(%arg8 : memref<13312xf32, #tpu.memory_space<vmem>>) target(%dma_start3A_19 : memref<13312xf32, #tpu.memory_space<hbm>>) target_semaphore(%run_scoped3A : memref<!tpu.dma_semaphore, #tpu.memory_space<semaphore_mem>>)
      %dma_wait3A = arith.constant 0 : i32
      %dma_wait3A_20 = tpu.memref_slice %arg4[%add3A, %dma_wait3A] : memref<32x13312xf32, #tpu.memory_space<hbm>> -> memref<1x13312xf32, #tpu.memory_space<hbm>>
      %dma_wait3A_21 = tpu.memref_squeeze %dma_wait3A_20 : memref<1x13312xf32, #tpu.memory_space<hbm>> -> memref<13312xf32, #tpu.memory_space<hbm>>
      %dma_wait3A_22 = arith.constant 0 : i32
      %dma_wait3A_23 = tpu.memref_slice %arg4[%add3A, %dma_wait3A_22] : memref<32x13312xf32, #tpu.memory_space<hbm>> -> memref<1x13312xf32, #tpu.memory_space<hbm>>
      %dma_wait3A_24 = tpu.memref_squeeze %dma_wait3A_23 : memref<1x13312xf32, #tpu.memory_space<hbm>> -> memref<13312xf32, #tpu.memory_space<hbm>>
      tpu.wait_dma2 semaphore(%run_scoped3A : memref<!tpu.dma_semaphore, #tpu.memory_space<semaphore_mem>>) src(%arg8 : memref<13312xf32, #tpu.memory_space<vmem>>) dst(%dma_wait3A_24 : memref<13312xf32, #tpu.memory_space<hbm>>)
      tpu.yield
    }) : () -> ()
    "tpu.region"() ({
      %run_scoped3A = tpu.sem_alloc : memref<!tpu.dma_semaphore, #tpu.memory_space<semaphore_mem>>
      %dma_start3A = arith.constant 0 : i32
      %dma_start3A_15 = tpu.memref_slice %arg5[%add3A, %dma_start3A] : memref<32x13312xf32, #tpu.memory_space<hbm>> -> memref<1x13312xf32, #tpu.memory_space<hbm>>
      %dma_start3A_16 = tpu.memref_squeeze %dma_start3A_15 : memref<1x13312xf32, #tpu.memory_space<hbm>> -> memref<13312xf32, #tpu.memory_space<hbm>>
      %dma_start3A_17 = arith.constant 0 : i32
      %dma_start3A_18 = tpu.memref_slice %arg5[%add3A, %dma_start3A_17] : memref<32x13312xf32, #tpu.memory_space<hbm>> -> memref<1x13312xf32, #tpu.memory_space<hbm>>
      %dma_start3A_19 = tpu.memref_squeeze %dma_start3A_18 : memref<1x13312xf32, #tpu.memory_space<hbm>> -> memref<13312xf32, #tpu.memory_space<hbm>>
      tpu.enqueue_dma source(%arg9 : memref<13312xf32, #tpu.memory_space<vmem>>) target(%dma_start3A_19 : memref<13312xf32, #tpu.memory_space<hbm>>) target_semaphore(%run_scoped3A : memref<!tpu.dma_semaphore, #tpu.memory_space<semaphore_mem>>)
      %dma_wait3A = arith.constant 0 : i32
      %dma_wait3A_20 = tpu.memref_slice %arg5[%add3A, %dma_wait3A] : memref<32x13312xf32, #tpu.memory_space<hbm>> -> memref<1x13312xf32, #tpu.memory_space<hbm>>
      %dma_wait3A_21 = tpu.memref_squeeze %dma_wait3A_20 : memref<1x13312xf32, #tpu.memory_space<hbm>> -> memref<13312xf32, #tpu.memory_space<hbm>>
      %dma_wait3A_22 = arith.constant 0 : i32
      %dma_wait3A_23 = tpu.memref_slice %arg5[%add3A, %dma_wait3A_22] : memref<32x13312xf32, #tpu.memory_space<hbm>> -> memref<1x13312xf32, #tpu.memory_space<hbm>>
      %dma_wait3A_24 = tpu.memref_squeeze %dma_wait3A_23 : memref<1x13312xf32, #tpu.memory_space<hbm>> -> memref<13312xf32, #tpu.memory_space<hbm>>
      tpu.wait_dma2 semaphore(%run_scoped3A : memref<!tpu.dma_semaphore, #tpu.memory_space<semaphore_mem>>) src(%arg9 : memref<13312xf32, #tpu.memory_space<vmem>>) dst(%dma_wait3A_24 : memref<13312xf32, #tpu.memory_space<hbm>>)
      tpu.yield
    }) : () -> ()
    return
  }
}

module attributes {stable_mosaic.version = 14 : i64} {
  func.func @_finalize_kernel(%arg0: memref<32x13312xf32, #tpu.memory_space<vmem>>, %arg1: memref<32x13312xf32, #tpu.memory_space<vmem>>, %arg2: memref<1x13312xf32, #tpu.memory_space<vmem>>, %arg3: memref<1x13312xf32, #tpu.memory_space<vmem>>, %arg4: memref<1x13312xf32, #tpu.memory_space<vmem>>, %arg5: memref<1x13312xf32, #tpu.memory_space<vmem>>, %arg6: memref<1x16xf32, #tpu.memory_space<vmem>>) attributes {dimension_semantics = [], scalar_prefetch = 0 : i64, scratch_operands = 0 : i64, tpu.core_type = #tpu.core_type<tc>} {
    %get3A = arith.constant 0 : index
    %get3A_0 = arith.constant 0 : index
    %get3A_1 = vector.load %arg0[%get3A, %get3A_0] : memref<32x13312xf32, #tpu.memory_space<vmem>>, vector<32x13312xf32>
    %reduce_sum3A = arith.constant dense<0.000000e+00> : vector<13312xf32>
    %reduce_sum3A_2 = vector.multi_reduction <add>, %get3A_1, %reduce_sum3A [0] : vector<32x13312xf32> to vector<13312xf32>
    %broadcast_in_dim3A = vector.shape_cast %reduce_sum3A_2 : vector<13312xf32> to vector<1x13312xf32>
    %slice3A = vector.extract_strided_slice %broadcast_in_dim3A {offsets = [0, 8], sizes = [1, 13304], strides = [1, 1]} : vector<1x13312xf32> to vector<1x13304xf32>
    %slice3A_3 = vector.extract_strided_slice %broadcast_in_dim3A {offsets = [0, 0], sizes = [1, 8], strides = [1, 1]} : vector<1x13312xf32> to vector<1x8xf32>
    %concatenate3A = tpu.concatenate %slice3A, %slice3A_3 in 1 : vector<1x13304xf32>, vector<1x8xf32> -> vector<1x13312xf32>
    %add3A = arith.addf %broadcast_in_dim3A, %concatenate3A : vector<1x13312xf32>
    %slice3A_4 = vector.extract_strided_slice %add3A {offsets = [0, 4], sizes = [1, 13308], strides = [1, 1]} : vector<1x13312xf32> to vector<1x13308xf32>
    %slice3A_5 = vector.extract_strided_slice %add3A {offsets = [0, 0], sizes = [1, 4], strides = [1, 1]} : vector<1x13312xf32> to vector<1x4xf32>
    %concatenate3A_6 = tpu.concatenate %slice3A_4, %slice3A_5 in 1 : vector<1x13308xf32>, vector<1x4xf32> -> vector<1x13312xf32>
    %add3A_7 = arith.addf %add3A, %concatenate3A_6 : vector<1x13312xf32>
    %slice3A_8 = vector.extract_strided_slice %add3A_7 {offsets = [0, 2], sizes = [1, 13310], strides = [1, 1]} : vector<1x13312xf32> to vector<1x13310xf32>
    %slice3A_9 = vector.extract_strided_slice %add3A_7 {offsets = [0, 0], sizes = [1, 2], strides = [1, 1]} : vector<1x13312xf32> to vector<1x2xf32>
    %concatenate3A_10 = tpu.concatenate %slice3A_8, %slice3A_9 in 1 : vector<1x13310xf32>, vector<1x2xf32> -> vector<1x13312xf32>
    %add3A_11 = arith.addf %add3A_7, %concatenate3A_10 : vector<1x13312xf32>
    %slice3A_12 = vector.extract_strided_slice %add3A_11 {offsets = [0, 1], sizes = [1, 13311], strides = [1, 1]} : vector<1x13312xf32> to vector<1x13311xf32>
    %slice3A_13 = vector.extract_strided_slice %add3A_11 {offsets = [0, 0], sizes = [1, 1], strides = [1, 1]} : vector<1x13312xf32> to vector<1x1xf32>
    %concatenate3A_14 = tpu.concatenate %slice3A_12, %slice3A_13 in 1 : vector<1x13311xf32>, vector<1x1xf32> -> vector<1x13312xf32>
    %add3A_15 = arith.addf %add3A_11, %concatenate3A_14 : vector<1x13312xf32>
    %iota3A = tpu.iota {dimensions = array<i32: 1>} : vector<1x13312xi32>
    %jit3A = arith.constant 2 : i32
    %eq3A = arith.constant 0 : i32
    %eq3A_16 = arith.cmpi eq, %jit3A, %eq3A : i32
    %jit3A_17 = arith.constant 1 : i32
    %select_n3A = arith.select %eq3A_16, %jit3A_17, %jit3A : i32
    %rem3A = vector.broadcast %select_n3A : i32 to vector<1x13312xi32>
    %rem3A_18 = arith.remsi %iota3A, %rem3A : vector<1x13312xi32>
    %ne3A = arith.constant 0 : i32
    %ne3A_19 = vector.broadcast %ne3A : i32 to vector<1x13312xi32>
    %ne3A_20 = arith.cmpi ne, %rem3A_18, %ne3A_19 : vector<1x13312xi32>
    %lt3A = arith.constant 0 : i32
    %lt3A_21 = vector.broadcast %lt3A : i32 to vector<1x13312xi32>
    %lt3A_22 = arith.cmpi slt, %rem3A_18, %lt3A_21 : vector<1x13312xi32>
    %lt3A_23 = arith.constant 0 : i32
    %lt3A_24 = arith.cmpi slt, %select_n3A, %lt3A_23 : i32
    %ne3A_25 = vector.broadcast %lt3A_24 : i1 to vector<1x13312xi1>
    %ne3A_26 = vector.broadcast %ne3A_25 : vector<1x13312xi1> to vector<1x13312xi1>
    %ne3A_27 = arith.xori %lt3A_22, %ne3A_26 : vector<1x13312xi1>
    %and3A = arith.andi %ne3A_27, %ne3A_20 : vector<1x13312xi1>
    %add3A_28 = vector.broadcast %select_n3A : i32 to vector<1x13312xi32>
    %add3A_29 = arith.addi %rem3A_18, %add3A_28 : vector<1x13312xi32>
    %select_n3A_30 = arith.select %and3A, %add3A_29, %rem3A_18 : vector<1x13312xi1>, vector<1x13312xi32>
    %lt3A_31 = arith.constant 1 : i32
    %lt3A_32 = vector.broadcast %lt3A_31 : i32 to vector<1x13312xi32>
    %lt3A_33 = arith.cmpi slt, %select_n3A_30, %lt3A_32 : vector<1x13312xi32>
    %slice3A_34 = vector.extract_strided_slice %add3A_15 {offsets = [0, 13311], sizes = [1, 1], strides = [1, 1]} : vector<1x13312xf32> to vector<1x1xf32>
    %slice3A_35 = vector.extract_strided_slice %add3A_15 {offsets = [0, 0], sizes = [1, 13311], strides = [1, 1]} : vector<1x13312xf32> to vector<1x13311xf32>
    %concatenate3A_36 = tpu.concatenate %slice3A_34, %slice3A_35 in 1 : vector<1x1xf32>, vector<1x13311xf32> -> vector<1x13312xf32>
    %select_n3A_37 = arith.select %lt3A_33, %add3A_15, %concatenate3A_36 : vector<1x13312xi1>, vector<1x13312xf32>
    %jit3A_38 = arith.constant 4 : i32
    %eq3A_39 = arith.constant 0 : i32
    %eq3A_40 = arith.cmpi eq, %jit3A_38, %eq3A_39 : i32
    %jit3A_41 = arith.constant 1 : i32
    %select_n3A_42 = arith.select %eq3A_40, %jit3A_41, %jit3A_38 : i32
    %rem3A_43 = vector.broadcast %select_n3A_42 : i32 to vector<1x13312xi32>
    %rem3A_44 = arith.remsi %iota3A, %rem3A_43 : vector<1x13312xi32>
    %ne3A_45 = arith.constant 0 : i32
    %ne3A_46 = vector.broadcast %ne3A_45 : i32 to vector<1x13312xi32>
    %ne3A_47 = arith.cmpi ne, %rem3A_44, %ne3A_46 : vector<1x13312xi32>
    %lt3A_48 = arith.constant 0 : i32
    %lt3A_49 = vector.broadcast %lt3A_48 : i32 to vector<1x13312xi32>
    %lt3A_50 = arith.cmpi slt, %rem3A_44, %lt3A_49 : vector<1x13312xi32>
    %lt3A_51 = arith.constant 0 : i32
    %lt3A_52 = arith.cmpi slt, %select_n3A_42, %lt3A_51 : i32
    %ne3A_53 = vector.broadcast %lt3A_52 : i1 to vector<1x13312xi1>
    %ne3A_54 = vector.broadcast %ne3A_53 : vector<1x13312xi1> to vector<1x13312xi1>
    %ne3A_55 = arith.xori %lt3A_50, %ne3A_54 : vector<1x13312xi1>
    %and3A_56 = arith.andi %ne3A_55, %ne3A_47 : vector<1x13312xi1>
    %add3A_57 = vector.broadcast %select_n3A_42 : i32 to vector<1x13312xi32>
    %add3A_58 = arith.addi %rem3A_44, %add3A_57 : vector<1x13312xi32>
    %select_n3A_59 = arith.select %and3A_56, %add3A_58, %rem3A_44 : vector<1x13312xi1>, vector<1x13312xi32>
    %lt3A_60 = arith.constant 2 : i32
    %lt3A_61 = vector.broadcast %lt3A_60 : i32 to vector<1x13312xi32>
    %lt3A_62 = arith.cmpi slt, %select_n3A_59, %lt3A_61 : vector<1x13312xi32>
    %slice3A_63 = vector.extract_strided_slice %select_n3A_37 {offsets = [0, 13310], sizes = [1, 2], strides = [1, 1]} : vector<1x13312xf32> to vector<1x2xf32>
    %slice3A_64 = vector.extract_strided_slice %select_n3A_37 {offsets = [0, 0], sizes = [1, 13310], strides = [1, 1]} : vector<1x13312xf32> to vector<1x13310xf32>
    %concatenate3A_65 = tpu.concatenate %slice3A_63, %slice3A_64 in 1 : vector<1x2xf32>, vector<1x13310xf32> -> vector<1x13312xf32>
    %select_n3A_66 = arith.select %lt3A_62, %select_n3A_37, %concatenate3A_65 : vector<1x13312xi1>, vector<1x13312xf32>
    %jit3A_67 = arith.constant 8 : i32
    %eq3A_68 = arith.constant 0 : i32
    %eq3A_69 = arith.cmpi eq, %jit3A_67, %eq3A_68 : i32
    %jit3A_70 = arith.constant 1 : i32
    %select_n3A_71 = arith.select %eq3A_69, %jit3A_70, %jit3A_67 : i32
    %rem3A_72 = vector.broadcast %select_n3A_71 : i32 to vector<1x13312xi32>
    %rem3A_73 = arith.remsi %iota3A, %rem3A_72 : vector<1x13312xi32>
    %ne3A_74 = arith.constant 0 : i32
    %ne3A_75 = vector.broadcast %ne3A_74 : i32 to vector<1x13312xi32>
    %ne3A_76 = arith.cmpi ne, %rem3A_73, %ne3A_75 : vector<1x13312xi32>
    %lt3A_77 = arith.constant 0 : i32
    %lt3A_78 = vector.broadcast %lt3A_77 : i32 to vector<1x13312xi32>
    %lt3A_79 = arith.cmpi slt, %rem3A_73, %lt3A_78 : vector<1x13312xi32>
    %lt3A_80 = arith.constant 0 : i32
    %lt3A_81 = arith.cmpi slt, %select_n3A_71, %lt3A_80 : i32
    %ne3A_82 = vector.broadcast %lt3A_81 : i1 to vector<1x13312xi1>
    %ne3A_83 = vector.broadcast %ne3A_82 : vector<1x13312xi1> to vector<1x13312xi1>
    %ne3A_84 = arith.xori %lt3A_79, %ne3A_83 : vector<1x13312xi1>
    %and3A_85 = arith.andi %ne3A_84, %ne3A_76 : vector<1x13312xi1>
    %add3A_86 = vector.broadcast %select_n3A_71 : i32 to vector<1x13312xi32>
    %add3A_87 = arith.addi %rem3A_73, %add3A_86 : vector<1x13312xi32>
    %select_n3A_88 = arith.select %and3A_85, %add3A_87, %rem3A_73 : vector<1x13312xi1>, vector<1x13312xi32>
    %lt3A_89 = arith.constant 4 : i32
    %lt3A_90 = vector.broadcast %lt3A_89 : i32 to vector<1x13312xi32>
    %lt3A_91 = arith.cmpi slt, %select_n3A_88, %lt3A_90 : vector<1x13312xi32>
    %slice3A_92 = vector.extract_strided_slice %select_n3A_66 {offsets = [0, 13308], sizes = [1, 4], strides = [1, 1]} : vector<1x13312xf32> to vector<1x4xf32>
    %slice3A_93 = vector.extract_strided_slice %select_n3A_66 {offsets = [0, 0], sizes = [1, 13308], strides = [1, 1]} : vector<1x13312xf32> to vector<1x13308xf32>
    %concatenate3A_94 = tpu.concatenate %slice3A_92, %slice3A_93 in 1 : vector<1x4xf32>, vector<1x13308xf32> -> vector<1x13312xf32>
    %select_n3A_95 = arith.select %lt3A_91, %select_n3A_66, %concatenate3A_94 : vector<1x13312xi1>, vector<1x13312xf32>
    %jit3A_96 = arith.constant 16 : i32
    %eq3A_97 = arith.constant 0 : i32
    %eq3A_98 = arith.cmpi eq, %jit3A_96, %eq3A_97 : i32
    %jit3A_99 = arith.constant 1 : i32
    %select_n3A_100 = arith.select %eq3A_98, %jit3A_99, %jit3A_96 : i32
    %rem3A_101 = vector.broadcast %select_n3A_100 : i32 to vector<1x13312xi32>
    %rem3A_102 = arith.remsi %iota3A, %rem3A_101 : vector<1x13312xi32>
    %ne3A_103 = arith.constant 0 : i32
    %ne3A_104 = vector.broadcast %ne3A_103 : i32 to vector<1x13312xi32>
    %ne3A_105 = arith.cmpi ne, %rem3A_102, %ne3A_104 : vector<1x13312xi32>
    %lt3A_106 = arith.constant 0 : i32
    %lt3A_107 = vector.broadcast %lt3A_106 : i32 to vector<1x13312xi32>
    %lt3A_108 = arith.cmpi slt, %rem3A_102, %lt3A_107 : vector<1x13312xi32>
    %lt3A_109 = arith.constant 0 : i32
    %lt3A_110 = arith.cmpi slt, %select_n3A_100, %lt3A_109 : i32
    %ne3A_111 = vector.broadcast %lt3A_110 : i1 to vector<1x13312xi1>
    %ne3A_112 = vector.broadcast %ne3A_111 : vector<1x13312xi1> to vector<1x13312xi1>
    %ne3A_113 = arith.xori %lt3A_108, %ne3A_112 : vector<1x13312xi1>
    %and3A_114 = arith.andi %ne3A_113, %ne3A_105 : vector<1x13312xi1>
    %add3A_115 = vector.broadcast %select_n3A_100 : i32 to vector<1x13312xi32>
    %add3A_116 = arith.addi %rem3A_102, %add3A_115 : vector<1x13312xi32>
    %select_n3A_117 = arith.select %and3A_114, %add3A_116, %rem3A_102 : vector<1x13312xi1>, vector<1x13312xi32>
    %lt3A_118 = arith.constant 8 : i32
    %lt3A_119 = vector.broadcast %lt3A_118 : i32 to vector<1x13312xi32>
    %lt3A_120 = arith.cmpi slt, %select_n3A_117, %lt3A_119 : vector<1x13312xi32>
    %slice3A_121 = vector.extract_strided_slice %select_n3A_95 {offsets = [0, 13304], sizes = [1, 8], strides = [1, 1]} : vector<1x13312xf32> to vector<1x8xf32>
    %slice3A_122 = vector.extract_strided_slice %select_n3A_95 {offsets = [0, 0], sizes = [1, 13304], strides = [1, 1]} : vector<1x13312xf32> to vector<1x13304xf32>
    %concatenate3A_123 = tpu.concatenate %slice3A_121, %slice3A_122 in 1 : vector<1x8xf32>, vector<1x13304xf32> -> vector<1x13312xf32>
    %select_n3A_124 = arith.select %lt3A_120, %select_n3A_95, %concatenate3A_123 : vector<1x13312xi1>, vector<1x13312xf32>
    %get3A_125 = arith.constant 0 : index
    %get3A_126 = arith.constant 0 : index
    %get3A_127 = vector.load %arg1[%get3A_125, %get3A_126] : memref<32x13312xf32, #tpu.memory_space<vmem>>, vector<32x13312xf32>
    %reduce_sum3A_128 = arith.constant dense<0.000000e+00> : vector<13312xf32>
    %reduce_sum3A_129 = vector.multi_reduction <add>, %get3A_127, %reduce_sum3A_128 [0] : vector<32x13312xf32> to vector<13312xf32>
    %broadcast_in_dim3A_130 = vector.shape_cast %reduce_sum3A_129 : vector<13312xf32> to vector<1x13312xf32>
    %slice3A_131 = vector.extract_strided_slice %broadcast_in_dim3A_130 {offsets = [0, 8], sizes = [1, 13304], strides = [1, 1]} : vector<1x13312xf32> to vector<1x13304xf32>
    %slice3A_132 = vector.extract_strided_slice %broadcast_in_dim3A_130 {offsets = [0, 0], sizes = [1, 8], strides = [1, 1]} : vector<1x13312xf32> to vector<1x8xf32>
    %concatenate3A_133 = tpu.concatenate %slice3A_131, %slice3A_132 in 1 : vector<1x13304xf32>, vector<1x8xf32> -> vector<1x13312xf32>
    %add3A_134 = arith.addf %broadcast_in_dim3A_130, %concatenate3A_133 : vector<1x13312xf32>
    %slice3A_135 = vector.extract_strided_slice %add3A_134 {offsets = [0, 4], sizes = [1, 13308], strides = [1, 1]} : vector<1x13312xf32> to vector<1x13308xf32>
    %slice3A_136 = vector.extract_strided_slice %add3A_134 {offsets = [0, 0], sizes = [1, 4], strides = [1, 1]} : vector<1x13312xf32> to vector<1x4xf32>
    %concatenate3A_137 = tpu.concatenate %slice3A_135, %slice3A_136 in 1 : vector<1x13308xf32>, vector<1x4xf32> -> vector<1x13312xf32>
    %add3A_138 = arith.addf %add3A_134, %concatenate3A_137 : vector<1x13312xf32>
    %slice3A_139 = vector.extract_strided_slice %add3A_138 {offsets = [0, 2], sizes = [1, 13310], strides = [1, 1]} : vector<1x13312xf32> to vector<1x13310xf32>
    %slice3A_140 = vector.extract_strided_slice %add3A_138 {offsets = [0, 0], sizes = [1, 2], strides = [1, 1]} : vector<1x13312xf32> to vector<1x2xf32>
    %concatenate3A_141 = tpu.concatenate %slice3A_139, %slice3A_140 in 1 : vector<1x13310xf32>, vector<1x2xf32> -> vector<1x13312xf32>
    %add3A_142 = arith.addf %add3A_138, %concatenate3A_141 : vector<1x13312xf32>
    %slice3A_143 = vector.extract_strided_slice %add3A_142 {offsets = [0, 1], sizes = [1, 13311], strides = [1, 1]} : vector<1x13312xf32> to vector<1x13311xf32>
    %slice3A_144 = vector.extract_strided_slice %add3A_142 {offsets = [0, 0], sizes = [1, 1], strides = [1, 1]} : vector<1x13312xf32> to vector<1x1xf32>
    %concatenate3A_145 = tpu.concatenate %slice3A_143, %slice3A_144 in 1 : vector<1x13311xf32>, vector<1x1xf32> -> vector<1x13312xf32>
    %add3A_146 = arith.addf %add3A_142, %concatenate3A_145 : vector<1x13312xf32>
    %iota3A_147 = tpu.iota {dimensions = array<i32: 1>} : vector<1x13312xi32>
    %jit3A_148 = arith.constant 2 : i32
    %eq3A_149 = arith.constant 0 : i32
    %eq3A_150 = arith.cmpi eq, %jit3A_148, %eq3A_149 : i32
    %jit3A_151 = arith.constant 1 : i32
    %select_n3A_152 = arith.select %eq3A_150, %jit3A_151, %jit3A_148 : i32
    %rem3A_153 = vector.broadcast %select_n3A_152 : i32 to vector<1x13312xi32>
    %rem3A_154 = arith.remsi %iota3A_147, %rem3A_153 : vector<1x13312xi32>
    %ne3A_155 = arith.constant 0 : i32
    %ne3A_156 = vector.broadcast %ne3A_155 : i32 to vector<1x13312xi32>
    %ne3A_157 = arith.cmpi ne, %rem3A_154, %ne3A_156 : vector<1x13312xi32>
    %lt3A_158 = arith.constant 0 : i32
    %lt3A_159 = vector.broadcast %lt3A_158 : i32 to vector<1x13312xi32>
    %lt3A_160 = arith.cmpi slt, %rem3A_154, %lt3A_159 : vector<1x13312xi32>
    %lt3A_161 = arith.constant 0 : i32
    %lt3A_162 = arith.cmpi slt, %select_n3A_152, %lt3A_161 : i32
    %ne3A_163 = vector.broadcast %lt3A_162 : i1 to vector<1x13312xi1>
    %ne3A_164 = vector.broadcast %ne3A_163 : vector<1x13312xi1> to vector<1x13312xi1>
    %ne3A_165 = arith.xori %lt3A_160, %ne3A_164 : vector<1x13312xi1>
    %and3A_166 = arith.andi %ne3A_165, %ne3A_157 : vector<1x13312xi1>
    %add3A_167 = vector.broadcast %select_n3A_152 : i32 to vector<1x13312xi32>
    %add3A_168 = arith.addi %rem3A_154, %add3A_167 : vector<1x13312xi32>
    %select_n3A_169 = arith.select %and3A_166, %add3A_168, %rem3A_154 : vector<1x13312xi1>, vector<1x13312xi32>
    %lt3A_170 = arith.constant 1 : i32
    %lt3A_171 = vector.broadcast %lt3A_170 : i32 to vector<1x13312xi32>
    %lt3A_172 = arith.cmpi slt, %select_n3A_169, %lt3A_171 : vector<1x13312xi32>
    %slice3A_173 = vector.extract_strided_slice %add3A_146 {offsets = [0, 13311], sizes = [1, 1], strides = [1, 1]} : vector<1x13312xf32> to vector<1x1xf32>
    %slice3A_174 = vector.extract_strided_slice %add3A_146 {offsets = [0, 0], sizes = [1, 13311], strides = [1, 1]} : vector<1x13312xf32> to vector<1x13311xf32>
    %concatenate3A_175 = tpu.concatenate %slice3A_173, %slice3A_174 in 1 : vector<1x1xf32>, vector<1x13311xf32> -> vector<1x13312xf32>
    %select_n3A_176 = arith.select %lt3A_172, %add3A_146, %concatenate3A_175 : vector<1x13312xi1>, vector<1x13312xf32>
    %jit3A_177 = arith.constant 4 : i32
    %eq3A_178 = arith.constant 0 : i32
    %eq3A_179 = arith.cmpi eq, %jit3A_177, %eq3A_178 : i32
    %jit3A_180 = arith.constant 1 : i32
    %select_n3A_181 = arith.select %eq3A_179, %jit3A_180, %jit3A_177 : i32
    %rem3A_182 = vector.broadcast %select_n3A_181 : i32 to vector<1x13312xi32>
    %rem3A_183 = arith.remsi %iota3A_147, %rem3A_182 : vector<1x13312xi32>
    %ne3A_184 = arith.constant 0 : i32
    %ne3A_185 = vector.broadcast %ne3A_184 : i32 to vector<1x13312xi32>
    %ne3A_186 = arith.cmpi ne, %rem3A_183, %ne3A_185 : vector<1x13312xi32>
    %lt3A_187 = arith.constant 0 : i32
    %lt3A_188 = vector.broadcast %lt3A_187 : i32 to vector<1x13312xi32>
    %lt3A_189 = arith.cmpi slt, %rem3A_183, %lt3A_188 : vector<1x13312xi32>
    %lt3A_190 = arith.constant 0 : i32
    %lt3A_191 = arith.cmpi slt, %select_n3A_181, %lt3A_190 : i32
    %ne3A_192 = vector.broadcast %lt3A_191 : i1 to vector<1x13312xi1>
    %ne3A_193 = vector.broadcast %ne3A_192 : vector<1x13312xi1> to vector<1x13312xi1>
    %ne3A_194 = arith.xori %lt3A_189, %ne3A_193 : vector<1x13312xi1>
    %and3A_195 = arith.andi %ne3A_194, %ne3A_186 : vector<1x13312xi1>
    %add3A_196 = vector.broadcast %select_n3A_181 : i32 to vector<1x13312xi32>
    %add3A_197 = arith.addi %rem3A_183, %add3A_196 : vector<1x13312xi32>
    %select_n3A_198 = arith.select %and3A_195, %add3A_197, %rem3A_183 : vector<1x13312xi1>, vector<1x13312xi32>
    %lt3A_199 = arith.constant 2 : i32
    %lt3A_200 = vector.broadcast %lt3A_199 : i32 to vector<1x13312xi32>
    %lt3A_201 = arith.cmpi slt, %select_n3A_198, %lt3A_200 : vector<1x13312xi32>
    %slice3A_202 = vector.extract_strided_slice %select_n3A_176 {offsets = [0, 13310], sizes = [1, 2], strides = [1, 1]} : vector<1x13312xf32> to vector<1x2xf32>
    %slice3A_203 = vector.extract_strided_slice %select_n3A_176 {offsets = [0, 0], sizes = [1, 13310], strides = [1, 1]} : vector<1x13312xf32> to vector<1x13310xf32>
    %concatenate3A_204 = tpu.concatenate %slice3A_202, %slice3A_203 in 1 : vector<1x2xf32>, vector<1x13310xf32> -> vector<1x13312xf32>
    %select_n3A_205 = arith.select %lt3A_201, %select_n3A_176, %concatenate3A_204 : vector<1x13312xi1>, vector<1x13312xf32>
    %jit3A_206 = arith.constant 8 : i32
    %eq3A_207 = arith.constant 0 : i32
    %eq3A_208 = arith.cmpi eq, %jit3A_206, %eq3A_207 : i32
    %jit3A_209 = arith.constant 1 : i32
    %select_n3A_210 = arith.select %eq3A_208, %jit3A_209, %jit3A_206 : i32
    %rem3A_211 = vector.broadcast %select_n3A_210 : i32 to vector<1x13312xi32>
    %rem3A_212 = arith.remsi %iota3A_147, %rem3A_211 : vector<1x13312xi32>
    %ne3A_213 = arith.constant 0 : i32
    %ne3A_214 = vector.broadcast %ne3A_213 : i32 to vector<1x13312xi32>
    %ne3A_215 = arith.cmpi ne, %rem3A_212, %ne3A_214 : vector<1x13312xi32>
    %lt3A_216 = arith.constant 0 : i32
    %lt3A_217 = vector.broadcast %lt3A_216 : i32 to vector<1x13312xi32>
    %lt3A_218 = arith.cmpi slt, %rem3A_212, %lt3A_217 : vector<1x13312xi32>
    %lt3A_219 = arith.constant 0 : i32
    %lt3A_220 = arith.cmpi slt, %select_n3A_210, %lt3A_219 : i32
    %ne3A_221 = vector.broadcast %lt3A_220 : i1 to vector<1x13312xi1>
    %ne3A_222 = vector.broadcast %ne3A_221 : vector<1x13312xi1> to vector<1x13312xi1>
    %ne3A_223 = arith.xori %lt3A_218, %ne3A_222 : vector<1x13312xi1>
    %and3A_224 = arith.andi %ne3A_223, %ne3A_215 : vector<1x13312xi1>
    %add3A_225 = vector.broadcast %select_n3A_210 : i32 to vector<1x13312xi32>
    %add3A_226 = arith.addi %rem3A_212, %add3A_225 : vector<1x13312xi32>
    %select_n3A_227 = arith.select %and3A_224, %add3A_226, %rem3A_212 : vector<1x13312xi1>, vector<1x13312xi32>
    %lt3A_228 = arith.constant 4 : i32
    %lt3A_229 = vector.broadcast %lt3A_228 : i32 to vector<1x13312xi32>
    %lt3A_230 = arith.cmpi slt, %select_n3A_227, %lt3A_229 : vector<1x13312xi32>
    %slice3A_231 = vector.extract_strided_slice %select_n3A_205 {offsets = [0, 13308], sizes = [1, 4], strides = [1, 1]} : vector<1x13312xf32> to vector<1x4xf32>
    %slice3A_232 = vector.extract_strided_slice %select_n3A_205 {offsets = [0, 0], sizes = [1, 13308], strides = [1, 1]} : vector<1x13312xf32> to vector<1x13308xf32>
    %concatenate3A_233 = tpu.concatenate %slice3A_231, %slice3A_232 in 1 : vector<1x4xf32>, vector<1x13308xf32> -> vector<1x13312xf32>
    %select_n3A_234 = arith.select %lt3A_230, %select_n3A_205, %concatenate3A_233 : vector<1x13312xi1>, vector<1x13312xf32>
    %jit3A_235 = arith.constant 16 : i32
    %eq3A_236 = arith.constant 0 : i32
    %eq3A_237 = arith.cmpi eq, %jit3A_235, %eq3A_236 : i32
    %jit3A_238 = arith.constant 1 : i32
    %select_n3A_239 = arith.select %eq3A_237, %jit3A_238, %jit3A_235 : i32
    %rem3A_240 = vector.broadcast %select_n3A_239 : i32 to vector<1x13312xi32>
    %rem3A_241 = arith.remsi %iota3A_147, %rem3A_240 : vector<1x13312xi32>
    %ne3A_242 = arith.constant 0 : i32
    %ne3A_243 = vector.broadcast %ne3A_242 : i32 to vector<1x13312xi32>
    %ne3A_244 = arith.cmpi ne, %rem3A_241, %ne3A_243 : vector<1x13312xi32>
    %lt3A_245 = arith.constant 0 : i32
    %lt3A_246 = vector.broadcast %lt3A_245 : i32 to vector<1x13312xi32>
    %lt3A_247 = arith.cmpi slt, %rem3A_241, %lt3A_246 : vector<1x13312xi32>
    %lt3A_248 = arith.constant 0 : i32
    %lt3A_249 = arith.cmpi slt, %select_n3A_239, %lt3A_248 : i32
    %ne3A_250 = vector.broadcast %lt3A_249 : i1 to vector<1x13312xi1>
    %ne3A_251 = vector.broadcast %ne3A_250 : vector<1x13312xi1> to vector<1x13312xi1>
    %ne3A_252 = arith.xori %lt3A_247, %ne3A_251 : vector<1x13312xi1>
    %and3A_253 = arith.andi %ne3A_252, %ne3A_244 : vector<1x13312xi1>
    %add3A_254 = vector.broadcast %select_n3A_239 : i32 to vector<1x13312xi32>
    %add3A_255 = arith.addi %rem3A_241, %add3A_254 : vector<1x13312xi32>
    %select_n3A_256 = arith.select %and3A_253, %add3A_255, %rem3A_241 : vector<1x13312xi1>, vector<1x13312xi32>
    %lt3A_257 = arith.constant 8 : i32
    %lt3A_258 = vector.broadcast %lt3A_257 : i32 to vector<1x13312xi32>
    %lt3A_259 = arith.cmpi slt, %select_n3A_256, %lt3A_258 : vector<1x13312xi32>
    %slice3A_260 = vector.extract_strided_slice %select_n3A_234 {offsets = [0, 13304], sizes = [1, 8], strides = [1, 1]} : vector<1x13312xf32> to vector<1x8xf32>
    %slice3A_261 = vector.extract_strided_slice %select_n3A_234 {offsets = [0, 0], sizes = [1, 13304], strides = [1, 1]} : vector<1x13312xf32> to vector<1x13304xf32>
    %concatenate3A_262 = tpu.concatenate %slice3A_260, %slice3A_261 in 1 : vector<1x8xf32>, vector<1x13304xf32> -> vector<1x13312xf32>
    %select_n3A_263 = arith.select %lt3A_259, %select_n3A_234, %concatenate3A_262 : vector<1x13312xi1>, vector<1x13312xf32>
    %mul3A = arith.constant 2.44140625E-4 : f32
    %mul3A_264 = vector.broadcast %mul3A : f32 to vector<1x13312xf32>
    %mul3A_265 = arith.mulf %select_n3A_124, %mul3A_264 : vector<1x13312xf32>
    %mul3A_266 = arith.constant 2.44140625E-4 : f32
    %mul3A_267 = vector.broadcast %mul3A_266 : f32 to vector<1x13312xf32>
    %mul3A_268 = arith.mulf %select_n3A_263, %mul3A_267 : vector<1x13312xf32>
    %mul3A_269 = arith.mulf %mul3A_265, %mul3A_265 : vector<1x13312xf32>
    %sub3A = arith.subf %mul3A_268, %mul3A_269 : vector<1x13312xf32>
    %add3A_270 = arith.constant 9.99999974E-6 : f32
    %add3A_271 = vector.broadcast %add3A_270 : f32 to vector<1x13312xf32>
    %add3A_272 = arith.addf %sub3A, %add3A_271 : vector<1x13312xf32>
    %rsqrt3A = math.rsqrt %add3A_272 : vector<1x13312xf32>
    %get3A_273 = arith.constant 0 : index
    %get3A_274 = arith.constant 0 : index
    %get3A_275 = vector.load %arg2[%get3A_273, %get3A_274] : memref<1x13312xf32, #tpu.memory_space<vmem>>, vector<1x13312xf32>
    %get3A_276 = arith.constant 0 : index
    %get3A_277 = arith.constant 0 : index
    %get3A_278 = vector.load %arg3[%get3A_276, %get3A_277] : memref<1x13312xf32, #tpu.memory_space<vmem>>, vector<1x13312xf32>
    %get3A_279 = arith.constant 0 : index
    %get3A_280 = arith.constant 0 : index
    %get3A_281 = vector.load %arg4[%get3A_279, %get3A_280] : memref<1x13312xf32, #tpu.memory_space<vmem>>, vector<1x13312xf32>
    %mul3A_282 = arith.mulf %get3A_275, %get3A_278 : vector<1x13312xf32>
    %mul3A_283 = arith.mulf %mul3A_282, %rsqrt3A : vector<1x13312xf32>
    %mul3A_284 = arith.mulf %get3A_278, %mul3A_265 : vector<1x13312xf32>
    %mul3A_285 = arith.mulf %mul3A_284, %rsqrt3A : vector<1x13312xf32>
    %sub3A_286 = arith.subf %get3A_281, %mul3A_285 : vector<1x13312xf32>
    %mul3A_287 = arith.mulf %get3A_275, %sub3A_286 : vector<1x13312xf32>
    %reduce_sum3A_288 = vector.shape_cast %mul3A_287 : vector<1x13312xf32> to vector<1x1x13312xf32>
    %reduce_sum3A_289 = arith.constant dense<0.000000e+00> : vector<1xf32>
    %reduce_sum3A_290 = vector.multi_reduction <add>, %reduce_sum3A_288, %reduce_sum3A_289 [1, 2] : vector<1x1x13312xf32> to vector<1xf32>
    %reduce_sum3A_291 = vector.shape_cast %reduce_sum3A_290 : vector<1xf32> to vector<1x1x1xf32>
    %reduce_sum3A_292 = vector.extract %reduce_sum3A_291[0, 0, 0] : f32 from vector<1x1x1xf32>
    %mul3A_293 = arith.constant 6.250000e-02 : f32
    %mul3A_294 = arith.mulf %reduce_sum3A_292, %mul3A_293 : f32
    %swap3A = arith.constant 0 : index
    %swap3A_295 = arith.constant 0 : index
    %swap3A_296 = vector.load %arg5[%swap3A, %swap3A_295] : memref<1x13312xf32, #tpu.memory_space<vmem>>, vector<1x13312xf32>
    tpu.vector_store %arg5[%swap3A, %swap3A_295], %mul3A_283 {strides = array<i32>} : memref<1x13312xf32, #tpu.memory_space<vmem>>, vector<1x13312xf32>,
    %reshape3A = vector.broadcast %mul3A_294 : f32 to vector<1x1xf32>
    %broadcast_in_dim3A_297 = vector.shape_cast %reshape3A : vector<1x1xf32> to vector<1x1xf32>
    %broadcast_in_dim3A_298 = vector.broadcast %broadcast_in_dim3A_297 : vector<1x1xf32> to vector<1x16xf32>
    %swap3A_299 = arith.constant 0 : index
    %swap3A_300 = arith.constant 0 : index
    %swap3A_301 = vector.load %arg6[%swap3A_299, %swap3A_300] : memref<1x16xf32, #tpu.memory_space<vmem>>, vector<1x16xf32>
    tpu.vector_store %arg6[%swap3A_299, %swap3A_300], %broadcast_in_dim3A_298 {strides = array<i32>} : memref<1x16xf32, #tpu.memory_space<vmem>>, vector<1x16xf32>,
    return
  }
}

</mosaic_0001>

<sc_bundles>
// kernel: kernel.5.cloned.1.call-start
scs
__scs_entry_jumppad:
0x0: {  	(pc) =	sbr.rel $0x88, $3  }
0x1: {  	(tag) =	ssettag $0x0;
	lr =	simm.s32 $0x1  }
0x2: {  	[smem:$0x3F9D] =	sst lr;
	_ =	strace $0xD0000000  }
0x3: {  	_ = 	snop  }
0x4: {  	_ = 	snop  }
0x5: {  	_ = 	snop  }
0x6: {  	_ = 	snop  }
0x7: {  	_ = 	snop  }
__scs_overlays_trampoline_lowered:
0x8: {  	[smem:$0x3FAC] =	sst s0  }
0x9: {  	[smem:$0x3FAD] =	sst s1  }
0xa: {  	[smem:$0x3FAE] =	sst s2  }
0xb: {  	[smem:$0x3FAF] =	sst s3  }
0xc: {  	[smem:$0x3FB0] =	sst s4  }
0xd: {  	[smem:$0x3FB1] =	sst s5  }
0xe: {  	[smem:$0x3FB2] =	sst s6  }
0xf: {  	[smem:$0x3FB3] =	sst s7  }
0x10: {  	[smem:$0x3FB4] =	sst s8  }
0x11: {  	[smem:$0x3FB5] =	sst s9;
	s0 =	simm.s32 @!p0 $0x0  }
0x12: {  	s1 =	sld [smem:$0x3F9B];
	s0 =	simm.s32 @p0 $0x1  }
0x13: {  	[smem:$0x3FB6] =	sst s0;
	s0 =	simm.s32 @!p1 $0x0  }
0x14: {  	s2 =	sld [smem:$0x3F9A];
	s0 =	simm.s32 @p1 $0x1  }
0x15: {  	[smem:$0x3FB7] =	sst s0;
	s0 =	simm.s32 @!p2 $0x0  }
0x16: {  	s3 =	sld [smem:$0x3FDB];
	s0 =	simm.s32 @p2 $0x1  }
0x17: {  	s4 =	simm.s32 $0x1BF5;
	[smem:$0x3FB9] =	sst s0  }
0x18: {  	s0 =	sld [smem:$0x3F9C];
	_ =	swait.ge [sflag:s4], $0x0  }
0x19: {  	s7 =	sld [smem:$0x3F9D]  }
0x1a: {  	s8 =	sadd.s32 $0xFFFFE003, lr  }
0x1b: {  	s9 =	sadd.s32 $0xFFFFFEF7, lr;
	s5 =	simm.s32 $0xFFFFFFFF;
	p2 =	slt.u32 s8, $0xFFFFF086  }
0x1c: {  	p1 =	slt.u32 s9, $0xF7A;
	s5 =	simm.s32 @!p2 $0x0  }
0x1d: {  	s5 =	simm.s32 @p1 $0x1;
	p0 =	seq.s32 s7, s2  }
0x1e: {  	s7 =	smul.u32 @!p0 $0xF7A, s2;
	p2 =	seq.s32 @!p0 s5, $0x0  }
0x1f: {  	s9 =	smul.u32 $0xF7A, s1;
	s8 =	simm.s32 @!p0 $0x1BF5;
	p2 =	por !p2, p0  }
0x20: {  	[sflag:s8] =	ssyncset.s32 @!p0 $0xFFFFF086;
	s6 =	sadd.s32 @!p0 s3, s7;
	s7 =	simm.s32 @!p0 $0x108  }
0x21: {  	s3 =	sadd.s32 s3, s9;
	s6 =	sadd.s32 @!p0 $0x88, s6;
	s7 =	simm.s32 @p2 $0x1082  }
0x22: {  	[simem:s7], [sflag:s8] =	dma.local @!p0 [hbm:s6], $0xF7A  }
0x23: {  	s9 =	sor.u32 $0xD0000000, s2;
	s6 =	simm.s32 $0x108;
	_ =	swait.ge @!p0 [sflag:s8], $0x0  }
0x24: {  	s3 =	sadd.s32 $0x88, s3;
	s6 =	simm.s32 @!p1 $0x1082;
	[sflag:s4] =	ssyncset.s32 $0xFFFFF086  }
0x25: {  	[simem:s6], [sflag:s4] =	dma.local [hbm:s3], $0xF7A  }
0x26: {  	[smem:$0x3F9D] =	sst s1;
	(tag) =	ssettag s2;
	_ =	strace s9  }
0x27: {  	s1 =	sld [smem:$0x3FAD]  }
0x28: {  	s2 =	sld [smem:$0x3FAE]  }
0x29: {  	s4 =	sld [smem:$0x3FB0]  }
0x2a: {  	p0 =	seq.s32 s5, $0x0;
	s5 =	sld [smem:$0x3FB1]  }
0x2b: {  	s6 =	sld [smem:$0x3FB2]  }
0x2c: {  	s7 =	sld [smem:$0x3FB3]  }
0x2d: {  	s3 =	simm.s32 $0x108;
	s8 =	sld [smem:$0x3FB4]  }
0x2e: {  	s3 =	simm.s32 @!p0 $0x1082;
	s9 =	sld [smem:$0x3FB5]  }
0x2f: {  	lr =	sadd.s32 s0, s3;
	s0 =	sld [smem:$0x3FAC]  }
0x30: {  	s3 =	sld [smem:$0x3FAF]  }
0x31: {  	[smem:$0x3FB8] =	sst s10  }
0x32: {  	s10 =	sld [smem:$0x3FB6];
	_ =	sdelay $0x3  }
0x33: {  	p0 =	seq.s32 s10, $0x1;
	s10 =	sld [smem:$0x3FB8];
	_ =	sdelay $0x3  }
0x34: {  	[smem:$0x3FB8] =	sst s10  }
0x35: {  	s10 =	sld [smem:$0x3FB7];
	_ =	sdelay $0x3  }
0x36: {  	p1 =	seq.s32 s10, $0x1;
	s10 =	sld [smem:$0x3FB8];
	_ =	sdelay $0x3  }
0x37: {  	[smem:$0x3FB8] =	sst s10  }
0x38: {  	s10 =	sld [smem:$0x3FB9]  }
0x39: {  	_ = 	snop;
	(pc) =	sbr.ind lr, $3  }
0x3a: {  	_ = 	snop  }
0x3b: {  	_ = 	snop  }
0x3c: {  	p2 =	seq.s32 s10, $0x1;
	s10 =	sld [smem:$0x3FB8]  }
0x3d: {  	_ =	shalt  }
0x3e: {  	_ =	shalt  }
0x3f: {  	_ =	shalt  }
0x40: {  	_ =	shalt  }
0x41: {  	_ =	shalt  }
0x42: {  	_ =	shalt  }
0x43: {  	_ =	shalt  }
0x44: {  	_ =	shalt  }
0x45: {  	_ =	shalt  }
0x46: {  	_ =	shalt  }
0x47: {  	_ =	shalt  }
0x48: {  	_ =	shalt  }
0x49: {  	_ =	shalt  }
0x4a: {  	_ =	shalt  }
0x4b: {  	_ =	shalt  }
0x4c: {  	_ =	shalt  }
0x4d: {  	_ =	shalt  }
0x4e: {  	_ =	shalt  }
0x4f: {  	_ =	shalt  }
0x50: {  	_ =	shalt  }
0x51: {  	_ =	shalt  }
0x52: {  	_ =	shalt  }
0x53: {  	_ =	shalt  }
0x54: {  	_ =	shalt  }
0x55: {  	_ =	shalt  }
0x56: {  	_ =	shalt  }
0x57: {  	_ =	shalt  }
0x58: {  	_ =	shalt  }
0x59: {  	_ =	shalt  }
0x5a: {  	_ =	shalt  }
0x5b: {  	_ =	shalt  }
0x5c: {  	_ =	shalt  }
0x5d: {  	_ =	shalt  }
0x5e: {  	_ =	shalt  }
0x5f: {  	_ =	shalt  }
0x60: {  	_ =	shalt  }
0x61: {  	_ =	shalt  }
0x62: {  	_ =	shalt  }
0x63: {  	_ =	shalt  }
0x64: {  	_ =	shalt  }
0x65: {  	_ =	shalt  }
0x66: {  	_ =	shalt  }
0x67: {  	_ =	shalt  }
0x68: {  	_ =	shalt  }
0x69: {  	_ =	shalt  }
0x6a: {  	_ =	shalt  }
0x6b: {  	_ =	shalt  }
0x6c: {  	_ =	shalt  }
0x6d: {  	_ =	shalt  }
0x6e: {  	_ =	shalt  }
0x6f: {  	_ =	shalt  }
0x70: {  	_ =	shalt  }
0x71: {  	_ =	shalt  }
0x72: {  	_ =	shalt  }
0x73: {  	_ =	shalt  }
0x74: {  	_ =	shalt  }
0x75: {  	_ =	shalt  }
0x76: {  	_ =	shalt  }
0x77: {  	_ =	shalt  }
0x78: {  	_ =	shalt  }
0x79: {  	_ =	shalt  }
0x7a: {  	_ =	shalt  }
0x7b: {  	_ =	shalt  }
0x7c: {  	_ =	shalt  }
0x7d: {  	_ =	shalt  }
0x7e: {  	_ =	shalt  }
0x7f: {  	_ =	shalt  }
0x80: {  	_ =	shalt  }
0x81: {  	_ =	shalt  }
0x82: {  	_ =	shalt  }
0x83: {  	_ =	shalt  }
0x84: {  	_ =	shalt  }
0x85: {  	_ =	shalt  }
0x86: {  	_ =	shalt  }
0x87: {  	_ =	shalt  }
.Lfunc_end0:
.L_simem_size_0:
called_computation_lowered:
.L_overlay_start_0:
0x88: {  	s2 =	sld [smem:$0x3FD9]  }
0x89: {  	s3 =	sld [smem:$0x3FFE];
	_ =	sdelay $0x1  }
0x8a: {  	s1 =	srdreg.scid  }
0x8b: {  	s0 =	sand.u32 $0x1, s1  }
0x8c: {  	s16 =	sshll.u32 s0, $0xA;
	s2 =	sadd.s32 s3, s2  }
0x8d: {  	s2 =	sadd.s32 s2, s16  }
0x8e: {  	[smem:$0x3FC4] =	sst s2  }
0x8f: {  	_ = 	snop  }
0x90: {  	(tm) =	ssettm $0x1  }
0x91: {  	s17 =	sld [smem:$0x3FFB];
	_ =	sdelay $0x3  }
0x92: {  	_ =	strace s17  }
0x93: {  	s2 =	sld [smem:$0x3FFC];
	_ =	sdelay $0x3  }
0x94: {  	_ =	strace s2  }
0x95: {  	s2 =	sld [smem:$0x3FFD];
	_ =	sdelay $0x3  }
0x96: {  	_ =	strace s2  }
0x97: {  	_ =	strace $0x8FFFFFFF  }
0x98: {  	s18 =	sld [smem:$0x3FDB];
	_ =	sdelay $0x1  }
0x99: {  	s19 =	simm.s32 $_scs_section_size  }
0x9a: {  	s4 =	simm.s32 $_size__tile_overlayer_lowered;
	s5 =	simm.s32 $_tile_overlayer_lowered  }
0x9b: {  	s22 =	simm.s32 $0x1BFF;
	s21 =	sshll.u32 s5, $0x1;
	s2 =	sadd.s32 s19, s18  }
0x9c: {  	s6 =	simm.s32 $0x0;
	s20 =	sshll.u32 s4, $0x1;
	s4 =	sadd.s32 s21, s2  }
0x9d: {  	[timem:s6], [sflag:s22] =	dma.local [hbm:s4], s20  }
0x9e: {  	_ =	swait.ge [sflag:s22], s20  }
0x9f: {  	s3 =	ssub.s32 $0x0, s20;
	[sflag:s22] =	ssyncset.done $0x0  }
0xa0: {  	[sflag:s22] =	ssyncadd.s32 s3;
	_ =	sdelay $0x1  }
0xa1: {  	s23 =	simm.s32 $0x1B8B  }
0xa2: {  	_ =	swait.ge [sflag:s23], $0x1  }
0xa3: {  	[sflag:s23] =	ssyncset.done $0x0  }
0xa4: {  	s25 =	simm.s32 $0x1B8E;
	s24 =	sld [smem:$0x3FFE];
	[sflag:s23] =	ssyncadd.s32 $0xFFFFFFFF  }
0xa5: {  	s26 =	simm.s32 $execute0_lowered;
	[smem:$0x3FD2] =	sst s25  }
0xa6: {  	s4 =	sshll.u32 s26, $0x1;
	_ =	strace $0x80000046;
	[dreg:$0x1] =	wrdreg $0xFFFFFFFF  }
0xa7: {  	s28 =	simm.s32 $_size_execute0_lowered;
	s2 =	sadd.s32 s2, s4;
	[dreg:$0x0] =	wrdreg $0x0  }
0xa8: {  	s4 =	sshll.u32 s28, $0x1;
	[dreg:$0x2] =	wrdreg s2  }
0xa9: {  	[dreg:$0x3] =	wrdreg s4  }
0xaa: {  	[dreg:$0x4] =	wrdreg $0xC0  }
0xab: {  	_ =	task [dreg:s6], $0x5FFFF  }
0xac: {  	[dreg:$0x1] =	wrdreg $0xFFFFFFFF  }
0xad: {  	[dreg:$0x0] =	wrdreg $0x60  }
0xae: {  	[dreg:$0x2] =	wrdreg s24  }
0xaf: {  	[dreg:$0x3] =	wrdreg $0x9  }
0xb0: {  	_ =	task.clear_ibuf [dreg:s6], $0x4FFFF;
	_ =	strace $0x90000046  }
0xb1: {  	s29 =	simm.s32 $0x9;
	_ =	strace $0x80000048  }
0xb2: {  	_ =	swait.ge [sflag:s29], $0x1  }
0xb3: {  	[sflag:s29] =	ssyncadd.s32 $0xFFFFFFFF  }
0xb4: {  	_ =	strace $0x90000048  }
0xb5: {  	_ =	sfence  }
0xb6: {  	s30 =	sld [smem:$0x0];
	_ =	sdelay $0x2  }
0xb7: {  	s31 =	sshll.u32 s1, $0xD;
	s1 =	sshrl.u32 s1, $0x2  }
0xb8: {  	s3 =	sand.u32 $0x4000, s31;
	s1 =	sadd.s32 s1, s30  }
0xb9: {  	s0 =	sor.u32 s3, s0;
	s1 =	sshll.u32 s1, $0x11  }
0xba: {  	s0 =	sor.u32 s1, s0  }
0xbb: {  	s0 =	sadd.s32 $0x8F2B, s0  }
0xbc: {  	[sflag:s0] =	ssyncadd.remote.s32 $0x1  }
0xbd: {  	_ =	sfence.sel $0xFFFF  }
0xbe: {  	[dreg:$0x0] =	wrdreg $0xFFFFFFFF;
	(pc) =	sbr.abs _section_cstart, $3  }
0xbf: {  	[dreg:$0x1] =	wrdreg $0xFFFFFFFF  }
0xc0: {  	_ =	task.clear_ibuf [dreg:s6], $0x2FFFF;
	_ =	strace $0x9FFFFFFF  }
0xc1: {  	(tm) =	ssettm $0x7FFFFFFF  }
tec
execute0_lowered:
.L_overlay_start_1:
0x0: {  	(tag) =	ssettag $0x1  }
0x1: {  	s1 =	srdreg.scid;
	s0 =	stileid.u32  }
0x2: {  	s5 =	rddreg [dreg:$0x0];
	s10 =	simm.s32 $0x80;
	s11 =	simm.s32 $0x400  }
0x3: {  	s12 =	simm.s32 $0x6800;
	s13 =	simm.s32 $0x1;
	s14 =	simm.s32 $0x9C00  }
0x4: {  	s15 =	simm.s32 $0xD000;
	s16 =	simm.s32 $0x0;
	s6 =	sand.u32 $0x1, s1  }
0x5: {  	s2 =	sshll.u32 s0, $0x1;
	s1 =	rddreg [dreg:$0x1];
	s3 =	sshrl.u32 s0, $0x2  }
0x6: {  	s7 =	sor.u32 s6, s2;
	s2 =	simm.s32 $0x0;
	s4 =	smul.u32 $0x1A000, s3  }
0x7: {  	s3 =	sadd.s32 $0xC00, s5;
	s6 =	ssub.s32 $0x2, s6;
	s31 =	sshll.u32 s7, $0x7  }
.Ltmp0:
0x8: {  	[smem:$0x7FF] =	sst s2;
	s8 =	sand.u32 $0x380, s31;
	(pc) =	sbr.rel .LBB2_1-.Ltmp0, $4  }
0x9: {  	s9 =	sshrl.u32 s6, $0x1;
	_ =	strace $0x80000047;
	s8 =	sor.u32 s4, s8  }
0xa: {  	s9 =	ssub.s32 s6, s9;
	s6 =	smul.u32 $0x1A000, s7;
	s8 =	sshrl.u32 s8, $0x3  }
0xb: {  	s4 =	sadd.s32 $0xEAC00, s5;
	s9 =	smax.u32 s9, $0x1;
	s8 =	sadd.s32 s8, s5  }
0xc: {  	v0 =	vimm.f32 $0.0e+00;
	s5 =	smul.u32 $0x34000, s7;
	s7 =	sadd.s32 $0xD0C00, s8;
	s8 =	sadd.s32 $0xDDC00, s8  }
.LBB2_29:
0xd: {  	[hbm4b:s7+s10] =	stream.strided.scatter [tilespmem:s14], [sflag:$0x1], $0x3400, s11, s10, $0x38;
	[tilespmem:$0x10600] =	vst v63  }
0xe: {  	s16 =	sadd.s32 $0x1, s16;
	_ =	swait.ge [sflag:s13], $0x3400  }
0xf: {  	p0 =	sne.s32 s16, s9;
	[sflag:s13] =	ssyncset.done $0x0  }
.Ltmp1:
0x10: {  	[sflag:s13] =	ssyncadd.s32 $0xFFFFCC00;
	(pc) =	sbr.rel @!p0 .LBB2_30-.Ltmp1, $4  }
0x11: {  	[hbm4b:s8+s10] =	stream.strided.scatter [tilespmem:s15], [sflag:$0x1], $0x3400, s11, s10, $0x38;
	[tilespmem:$0x10600] =	vst v63  }
0x12: {  	_ =	swait.ge [sflag:s13], $0x3400  }
0x13: {  	[sflag:s13] =	ssyncset.done $0x0  }
0x14: {  	[sflag:s13] =	ssyncadd.s32 $0xFFFFCC00  }
.LBB2_1:
0x15: {  	s17 =	simm.s32 $0x0  }
.LBB2_2:
0x16: {  	p0 =	sne.s32 s17, $0xCFC0  }
.Ltmp2:
0x17: {  	_ = 	snop;
	(pc) =	sbr.rel @p0 .LBB2_2-.Ltmp2, $4  }
0x18: {  	_ = 	snop  }
0x19: {  	s18 =	sshra.s32 s17, $0x2  }
0x1a: {  	[tilespmem:s18+$0x9C00] =	vst v0  }
0x1b: {  	s17 =	sadd.s32 $0x40, s17;
	[tilespmem:s18+$0xD000] =	vst v0  }
.Ltmp3:
0x1c: {  	(pc) =	sbr.rel .LBB2_4-.Ltmp3, $2  }
0x1d: {  	_ =	sdelay $0x2  }
0x1e: {  	s17 =	simm.s32 $0x0  }
.LBB2_28:
0x1f: {  	s18 =	sadd.s32 s6, s18;
	s17 =	sadd.s32 $0x1, s17  }
0x20: {  	s18 =	sshrl.u32 s18, $0x3;
	p0 =	sne.s32 s17, $0x8  }
.Ltmp4:
0x21: {  	s18 =	sadd.s32 s4, s18;
	(pc) =	sbr.rel @!p0 .LBB2_29-.Ltmp4, $4  }
0x22: {  	[hbm4b:s18+s10] =	stream.strided.scatter [tilespmem:s12], [sflag:$0x1], $0x3400, s11, s10, $0x38;
	[tilespmem:$0x10600] =	vst v63  }
0x23: {  	_ =	swait.ge [sflag:s13], $0x3400  }
0x24: {  	[sflag:s13] =	ssyncset.done $0x0  }
0x25: {  	[sflag:s13] =	ssyncadd.s32 $0xFFFFCC00  }
.LBB2_4:
0x26: {  	s18 =	sshll.u32 s17, $0x7  }
0x27: {  	s19 =	sadd.s32 s5, s18  }
0x28: {  	s19 =	sshrl.u32 s19, $0x3  }
0x29: {  	s19 =	sadd.s32 s3, s19  }
0x2a: {  	[tilespmem:s2], [sflag:$0x1] =	stream.strided.gather [hbm4b:s19+s10], $0x6800, s11, s10, $0x38;
	[tilespmem:$0x10600] =	vst v63  }
0x2b: {  	s19 =	simm.s32 $0x1  }
0x2c: {  	_ =	swait.ge [sflag:s19], $0x6800  }
0x2d: {  	[sflag:s19] =	ssyncset.done $0x0  }
0x2e: {  	s20 =	simm.s32 $0x10;
	s21 =	simm.s32 $0x200;
	[sflag:s19] =	ssyncadd.s32 $0xFFFF9800  }
.LBB2_5:
0x2f: {  	s25 =	simm.s32 $0x80  }
0x30: {  	s22 =	sshll.u32 s19, $0xA;
	v17 =	vld [tilespmem:s25+$0xFFFFFF80]  }
0x31: {  	s23 =	sand.u32 $0x3FFFFC00, s22;
	v18 =	vld [tilespmem:s25+$0xFFFFFF90]  }
0x32: {  	v15 =	vld [tilespmem:s23+$0x0]  }
0x33: {  	v16 =	vld [tilespmem:s23+$0x10]  }
0x34: {  	v14 =	vld [tilespmem:s23+$0x20]  }
0x35: {  	v13 =	vld [tilespmem:s23+$0x30]  }
0x36: {  	v12 =	vld [tilespmem:s23+$0x40]  }
0x37: {  	v11 =	vld [tilespmem:s23+$0x50]  }
0x38: {  	v10 =	vld [tilespmem:s23+$0x60]  }
0x39: {  	v9 =	vld [tilespmem:s23+$0x70]  }
0x3a: {  	v8 =	vld [tilespmem:s23+$0x80]  }
0x3b: {  	v7 =	vld [tilespmem:s23+$0x90]  }
0x3c: {  	p0 =	sne.s32 s19, $0x1;
	v6 =	vld [tilespmem:s23+$0xA0]  }
.Ltmp5:
0x3d: {  	v5 =	vld [tilespmem:s23+$0xB0];
	(pc) =	sbr.rel @!p0 .LBB2_6-.Ltmp5, $4  }
0x3e: {  	v4 =	vld [tilespmem:s23+$0xC0]  }
0x3f: {  	v3 =	vld [tilespmem:s23+$0xD0]  }
0x40: {  	v2 =	vld [tilespmem:s23+$0xE0]  }
0x41: {  	s24 =	simm.s32 $0x10400;
	p1 =	por $0x0, $0x0;
	s22 =	sadd.s32 $0xFFFFFFFF, s19;
	v1 =	vld [tilespmem:s23+$0xF0]  }
0x42: {  	v19 =	vld [tilespmem:s25+$0xFFFFFFA0];
	_ =	sdelay $0x1  }
0x43: {  	v20 =	vld [tilespmem:s25+$0xFFFFFFB0]  }
0x44: {  	v17 =	vmul.f32 v17, v15;
	v18 =	vmul.f32 v18, v16  }
0x45: {  	v21 =	vld [tilespmem:s25+$0xFFFFFFC0]  }
0x46: {  	v17 =	vadd.f32 v18, v17;
	v18 =	vmul.f32 v19, v14  }
0x47: {  	v19 =	vld [tilespmem:s25+$0xFFFFFFD0]  }
0x48: {  	v17 =	vadd.f32 v18, v17;
	v18 =	vmul.f32 v20, v13  }
0x49: {  	v20 =	vld [tilespmem:s25+$0xFFFFFFE0]  }
0x4a: {  	v17 =	vadd.f32 v18, v17;
	v18 =	vmul.f32 v21, v12  }
0x4b: {  	v61 =	vld [tilespmem:s25+$0xFFFFFFF0]  }
0x4c: {  	v17 =	vadd.f32 v18, v17;
	v18 =	vmul.f32 v19, v11  }
0x4d: {  	v19 =	vld [tilespmem:s25+$0x0]  }
0x4e: {  	v17 =	vadd.f32 v18, v17;
	v18 =	vmul.f32 v20, v10  }
0x4f: {  	v20 =	vld [tilespmem:s25+$0x10]  }
0x50: {  	v17 =	vadd.f32 v18, v17;
	v18 =	vmul.f32 v61, v9  }
0x51: {  	v62 =	vld [tilespmem:s25+$0x20]  }
0x52: {  	v17 =	vadd.f32 v18, v17;
	v18 =	vmul.f32 v19, v8  }
0x53: {  	v19 =	vld [tilespmem:s25+$0x30]  }
0x54: {  	v17 =	vadd.f32 v18, v17;
	v18 =	vmul.f32 v20, v7  }
0x55: {  	v20 =	vld [tilespmem:s25+$0x40]  }
0x56: {  	v17 =	vadd.f32 v18, v17;
	v18 =	vmul.f32 v62, v6  }
0x57: {  	v63 =	vld [tilespmem:s25+$0x50]  }
0x58: {  	v17 =	vadd.f32 v18, v17;
	v18 =	vmul.f32 v19, v5  }
0x59: {  	v19 =	vld [tilespmem:s25+$0x60]  }
0x5a: {  	v17 =	vadd.f32 v18, v17;
	v18 =	vmul.f32 v20, v4  }
0x5b: {  	v20 =	vld [tilespmem:s25+$0x70]  }
0x5c: {  	v17 =	vadd.f32 v18, v17;
	v18 =	vmul.f32 v63, v3;
	_ =	sdelay $0x1  }
0x5d: {  	v17 =	vadd.f32 v18, v17;
	v18 =	vmul.f32 v19, v2;
	_ =	sdelay $0x1  }
0x5e: {  	v17 =	vadd.f32 v18, v17;
	v18 =	vmul.f32 v20, v1  }
0x5f: {  	p3 =	sne.s32 s22, $0x1  }
.Ltmp6:
0x60: {  	v17 =	vadd.f32 v18, v17;
	(pc) =	sbr.rel @!p3 .LBB2_8-.Ltmp6, $4  }
0x61: {  	_ = 	snop  }
0x62: {  	s25 =	simm.s32 $0x480;
	[tilespmem:s24+$0x0] =	vst v17  }
0x63: {  	v17 =	vld [tilespmem:s25+$0xFFFFFF80]  }
0x64: {  	s28 =	sadd.s32 $0xFFFFFFFF, s22;
	p2 =	por $0x1, $0x1;
	s26 =	simm.s32 $0x10400;
	v18 =	vld [tilespmem:s25+$0xFFFFFF90]  }
.LBB2_9:
0x65: {  	p3 =	sne.s32 s28, $0x1  }
0x66: {  	v19 =	vld [tilespmem:s25+$0xFFFFFFA0];
	_ =	sdelay $0x1  }
0x67: {  	v20 =	vld [tilespmem:s25+$0xFFFFFFB0]  }
0x68: {  	v17 =	vmul.f32 v17, v15;
	v18 =	vmul.f32 v18, v16  }
0x69: {  	v21 =	vld [tilespmem:s25+$0xFFFFFFC0]  }
0x6a: {  	v17 =	vadd.f32 v18, v17;
	v18 =	vmul.f32 v19, v14  }
0x6b: {  	v19 =	vld [tilespmem:s25+$0xFFFFFFD0]  }
0x6c: {  	v17 =	vadd.f32 v18, v17;
	v18 =	vmul.f32 v20, v13  }
0x6d: {  	v20 =	vld [tilespmem:s25+$0xFFFFFFE0]  }
0x6e: {  	v17 =	vadd.f32 v18, v17;
	v18 =	vmul.f32 v21, v12  }
0x6f: {  	v21 =	vld [tilespmem:s25+$0xFFFFFFF0]  }
0x70: {  	v17 =	vadd.f32 v18, v17;
	v18 =	vmul.f32 v19, v11  }
0x71: {  	v19 =	vld [tilespmem:s25+$0x0]  }
0x72: {  	v17 =	vadd.f32 v18, v17;
	v18 =	vmul.f32 v20, v10  }
0x73: {  	v20 =	vld [tilespmem:s25+$0x10]  }
0x74: {  	v17 =	vadd.f32 v18, v17;
	v18 =	vmul.f32 v21, v9  }
0x75: {  	v21 =	vld [tilespmem:s25+$0x20]  }
0x76: {  	v17 =	vadd.f32 v18, v17;
	v18 =	vmul.f32 v19, v8  }
0x77: {  	v19 =	vld [tilespmem:s25+$0x30]  }
0x78: {  	v17 =	vadd.f32 v18, v17;
	v18 =	vmul.f32 v20, v7  }
0x79: {  	v20 =	vld [tilespmem:s25+$0x40]  }
0x7a: {  	v17 =	vadd.f32 v18, v17;
	v18 =	vmul.f32 v21, v6  }
0x7b: {  	v21 =	vld [tilespmem:s25+$0x50]  }
0x7c: {  	v17 =	vadd.f32 v18, v17;
	v18 =	vmul.f32 v19, v5  }
0x7d: {  	v19 =	vld [tilespmem:s25+$0x60]  }
0x7e: {  	v17 =	vadd.f32 v18, v17;
	v18 =	vmul.f32 v20, v4  }
0x7f: {  	v20 =	vld [tilespmem:s25+$0x70]  }
0x80: {  	v17 =	vadd.f32 v18, v17;
	v18 =	vmul.f32 v21, v3;
	_ =	sdelay $0x1  }
0x81: {  	v17 =	vadd.f32 v18, v17;
	v18 =	vmul.f32 v19, v2;
	_ =	sdelay $0x1  }
0x82: {  	v17 =	vadd.f32 v18, v17;
	v18 =	vmul.f32 v20, v1;
	_ =	sdelay $0x1  }
.Ltmp7:
0x83: {  	v17 =	vadd.f32 v18, v17;
	(pc) =	sbr.rel @p3 .LBB2_9-.Ltmp7, $4  }
0x84: {  	s26 =	sadd.s32 $0x10, s26  }
0x85: {  	s25 =	sadd.s32 $0x400, s25;
	[tilespmem:s26+$0x0] =	vst v17  }
0x86: {  	v17 =	vld [tilespmem:s25+$0xFFFFFF80]  }
0x87: {  	s28 =	sadd.s32 $0xFFFFFFFF, s28;
	v18 =	vld [tilespmem:s25+$0xFFFFFF90]  }
.LBB2_10:
0x88: {  	_ = 	snop  }
0x89: {  	v19 =	vld [tilespmem:s25+$0xFFFFFFA0];
	_ =	sdelay $0x1  }
0x8a: {  	v20 =	vld [tilespmem:s25+$0xFFFFFFB0]  }
0x8b: {  	v15 =	vmul.f32 v17, v15;
	v16 =	vmul.f32 v18, v16  }
0x8c: {  	v17 =	vld [tilespmem:s25+$0xFFFFFFC0]  }
0x8d: {  	v14 =	vmul.f32 v19, v14;
	v15 =	vadd.f32 v16, v15  }
0x8e: {  	v16 =	vld [tilespmem:s25+$0xFFFFFFD0]  }
0x8f: {  	v13 =	vmul.f32 v20, v13;
	v14 =	vadd.f32 v14, v15  }
0x90: {  	v15 =	vld [tilespmem:s25+$0xFFFFFFE0]  }
0x91: {  	v12 =	vmul.f32 v17, v12;
	v13 =	vadd.f32 v13, v14  }
0x92: {  	v14 =	vld [tilespmem:s25+$0xFFFFFFF0]  }
0x93: {  	v11 =	vmul.f32 v16, v11;
	v12 =	vadd.f32 v12, v13  }
0x94: {  	v13 =	vld [tilespmem:s25+$0x0]  }
0x95: {  	v10 =	vmul.f32 v15, v10;
	v11 =	vadd.f32 v11, v12  }
0x96: {  	v12 =	vld [tilespmem:s25+$0x10]  }
0x97: {  	v9 =	vmul.f32 v14, v9;
	v10 =	vadd.f32 v10, v11  }
0x98: {  	v11 =	vld [tilespmem:s25+$0x20]  }
0x99: {  	v8 =	vmul.f32 v13, v8;
	v9 =	vadd.f32 v9, v10  }
0x9a: {  	v10 =	vld [tilespmem:s25+$0x30]  }
0x9b: {  	v7 =	vmul.f32 v12, v7;
	v8 =	vadd.f32 v8, v9  }
0x9c: {  	v9 =	vld [tilespmem:s25+$0x40]  }
0x9d: {  	v6 =	vmul.f32 v11, v6;
	v7 =	vadd.f32 v7, v8  }
0x9e: {  	v8 =	vld [tilespmem:s25+$0x50]  }
0x9f: {  	v5 =	vmul.f32 v10, v5;
	v6 =	vadd.f32 v6, v7  }
0xa0: {  	v7 =	vld [tilespmem:s25+$0x60]  }
0xa1: {  	v4 =	vmul.f32 v9, v4;
	v5 =	vadd.f32 v5, v6  }
0xa2: {  	v6 =	vld [tilespmem:s25+$0x70]  }
0xa3: {  	v3 =	vmul.f32 v8, v3;
	v4 =	vadd.f32 v4, v5;
	_ =	sdelay $0x1  }
0xa4: {  	v2 =	vmul.f32 v7, v2;
	v3 =	vadd.f32 v3, v4;
	_ =	sdelay $0x1  }
0xa5: {  	v1 =	vmul.f32 v6, v1;
	v2 =	vadd.f32 v2, v3;
	_ =	sdelay $0x1  }
0xa6: {  	s25 =	sadd.s32 @p2 $0x10, s26;
	s26 =	simm.s32 $0x10400;
	v1 =	vadd.f32 v1, v2  }
0xa7: {  	s26 =	smov.u32 @p2 s25  }
0xa8: {  	[tilespmem:s26+$0x0] =	vst v1  }
0xa9: {  	v15 =	vld [tilespmem:s23+$0x100]  }
0xaa: {  	v16 =	vld [tilespmem:s23+$0x110]  }
0xab: {  	v14 =	vld [tilespmem:s23+$0x120]  }
0xac: {  	v13 =	vld [tilespmem:s23+$0x130]  }
0xad: {  	v12 =	vld [tilespmem:s23+$0x140]  }
0xae: {  	v11 =	vld [tilespmem:s23+$0x150]  }
0xaf: {  	v10 =	vld [tilespmem:s23+$0x160]  }
0xb0: {  	v9 =	vld [tilespmem:s23+$0x170]  }
0xb1: {  	v8 =	vld [tilespmem:s23+$0x180]  }
0xb2: {  	v7 =	vld [tilespmem:s23+$0x190]  }
0xb3: {  	v6 =	vld [tilespmem:s23+$0x1A0]  }
0xb4: {  	v5 =	vld [tilespmem:s23+$0x1B0]  }
0xb5: {  	v4 =	vld [tilespmem:s23+$0x1C0]  }
.Ltmp8:
0xb6: {  	v3 =	vld [tilespmem:s23+$0x1D0];
	(pc) =	sbr.rel @!p0 .LBB2_11-.Ltmp8, $4  }
0xb7: {  	v2 =	vld [tilespmem:s23+$0x1E0]  }
0xb8: {  	s25 =	simm.s32 $0x1F0;
	v1 =	vld [tilespmem:s23+$0x1F0]  }
0xb9: {  	v17 =	vld [tilespmem:s25+$0xFFFFFF10]  }
0xba: {  	v18 =	vld [tilespmem:s25+$0xFFFFFF20]  }
0xbb: {  	_ = 	snop  }
0xbc: {  	v19 =	vld [tilespmem:s25+$0xFFFFFF30];
	_ =	sdelay $0x1  }
0xbd: {  	v20 =	vld [tilespmem:s25+$0xFFFFFF40]  }
0xbe: {  	v17 =	vmul.f32 v17, v15;
	v18 =	vmul.f32 v18, v16  }
0xbf: {  	v21 =	vld [tilespmem:s25+$0xFFFFFF50]  }
0xc0: {  	v17 =	vadd.f32 v18, v17;
	v18 =	vmul.f32 v19, v14  }
0xc1: {  	v19 =	vld [tilespmem:s25+$0xFFFFFF60]  }
0xc2: {  	v17 =	vadd.f32 v18, v17;
	v18 =	vmul.f32 v20, v13  }
0xc3: {  	v20 =	vld [tilespmem:s25+$0xFFFFFF70]  }
0xc4: {  	v17 =	vadd.f32 v18, v17;
	v18 =	vmul.f32 v21, v12  }
0xc5: {  	v61 =	vld [tilespmem:s25+$0xFFFFFF80]  }
0xc6: {  	v17 =	vadd.f32 v18, v17;
	v18 =	vmul.f32 v19, v11  }
0xc7: {  	v19 =	vld [tilespmem:s25+$0xFFFFFF90]  }
0xc8: {  	v17 =	vadd.f32 v18, v17;
	v18 =	vmul.f32 v20, v10  }
0xc9: {  	v20 =	vld [tilespmem:s25+$0xFFFFFFA0]  }
0xca: {  	v17 =	vadd.f32 v18, v17;
	v18 =	vmul.f32 v61, v9  }
0xcb: {  	v62 =	vld [tilespmem:s25+$0xFFFFFFB0]  }
0xcc: {  	v17 =	vadd.f32 v18, v17;
	v18 =	vmul.f32 v19, v8  }
0xcd: {  	v19 =	vld [tilespmem:s25+$0xFFFFFFC0]  }
0xce: {  	v17 =	vadd.f32 v18, v17;
	v18 =	vmul.f32 v20, v7  }
0xcf: {  	v20 =	vld [tilespmem:s25+$0xFFFFFFD0]  }
0xd0: {  	v17 =	vadd.f32 v18, v17;
	v18 =	vmul.f32 v62, v6  }
0xd1: {  	v63 =	vld [tilespmem:s25+$0xFFFFFFE0]  }
0xd2: {  	v17 =	vadd.f32 v18, v17;
	v18 =	vmul.f32 v19, v5  }
0xd3: {  	v19 =	vld [tilespmem:s25+$0xFFFFFFF0]  }
0xd4: {  	v17 =	vadd.f32 v18, v17;
	v18 =	vmul.f32 v20, v4  }
0xd5: {  	v20 =	vld [tilespmem:s25+$0x0]  }
0xd6: {  	v17 =	vadd.f32 v18, v17;
	v18 =	vmul.f32 v63, v3;
	_ =	sdelay $0x1  }
0xd7: {  	v17 =	vadd.f32 v18, v17;
	v18 =	vmul.f32 v19, v2  }
0xd8: {  	v19 =	vld [tilespmem:s24+$0x0]  }
0xd9: {  	v17 =	vadd.f32 v18, v17;
	v18 =	vmul.f32 v20, v1;
	_ =	sdelay $0x1  }
0xda: {  	v17 =	vadd.f32 v18, v17  }
0xdb: {  	p2 =	sne.s32 s22, $0x1  }
.Ltmp9:
0xdc: {  	v17 =	vadd.f32 v17, v19;
	(pc) =	sbr.rel @!p2 .LBB2_13-.Ltmp9, $4  }
0xdd: {  	_ = 	snop  }
0xde: {  	s25 =	simm.s32 $0x5F0;
	[tilespmem:s24+$0x0] =	vst v17  }
0xdf: {  	v17 =	vld [tilespmem:s25+$0xFFFFFF10]  }
0xe0: {  	s28 =	sadd.s32 $0xFFFFFFFF, s22;
	p1 =	por $0x1, $0x1;
	s26 =	simm.s32 $0x10400;
	v18 =	vld [tilespmem:s25+$0xFFFFFF20]  }
.LBB2_14:
0xe1: {  	p2 =	sne.s32 s28, $0x1  }
0xe2: {  	v19 =	vld [tilespmem:s25+$0xFFFFFF30];
	_ =	sdelay $0x1  }
0xe3: {  	v20 =	vld [tilespmem:s25+$0xFFFFFF40]  }
0xe4: {  	v17 =	vmul.f32 v17, v15;
	v18 =	vmul.f32 v18, v16  }
0xe5: {  	v21 =	vld [tilespmem:s25+$0xFFFFFF50]  }
0xe6: {  	v17 =	vadd.f32 v18, v17;
	v18 =	vmul.f32 v19, v14  }
0xe7: {  	v19 =	vld [tilespmem:s25+$0xFFFFFF60]  }
0xe8: {  	v17 =	vadd.f32 v18, v17;
	v18 =	vmul.f32 v20, v13  }
0xe9: {  	v20 =	vld [tilespmem:s25+$0xFFFFFF70]  }
0xea: {  	v17 =	vadd.f32 v18, v17;
	v18 =	vmul.f32 v21, v12  }
0xeb: {  	v21 =	vld [tilespmem:s25+$0xFFFFFF80]  }
0xec: {  	v17 =	vadd.f32 v18, v17;
	v18 =	vmul.f32 v19, v11  }
0xed: {  	v19 =	vld [tilespmem:s25+$0xFFFFFF90]  }
0xee: {  	v17 =	vadd.f32 v18, v17;
	v18 =	vmul.f32 v20, v10  }
0xef: {  	v20 =	vld [tilespmem:s25+$0xFFFFFFA0]  }
0xf0: {  	v17 =	vadd.f32 v18, v17;
	v18 =	vmul.f32 v21, v9  }
0xf1: {  	v21 =	vld [tilespmem:s25+$0xFFFFFFB0]  }
0xf2: {  	v17 =	vadd.f32 v18, v17;
	v18 =	vmul.f32 v19, v8  }
0xf3: {  	v19 =	vld [tilespmem:s25+$0xFFFFFFC0]  }
0xf4: {  	v17 =	vadd.f32 v18, v17;
	v18 =	vmul.f32 v20, v7  }
0xf5: {  	v20 =	vld [tilespmem:s25+$0xFFFFFFD0]  }
0xf6: {  	v17 =	vadd.f32 v18, v17;
	v18 =	vmul.f32 v21, v6  }
0xf7: {  	v21 =	vld [tilespmem:s25+$0xFFFFFFE0]  }
0xf8: {  	v17 =	vadd.f32 v18, v17;
	v18 =	vmul.f32 v19, v5  }
0xf9: {  	v19 =	vld [tilespmem:s25+$0xFFFFFFF0]  }
0xfa: {  	v17 =	vadd.f32 v18, v17;
	v18 =	vmul.f32 v20, v4  }
0xfb: {  	v20 =	vld [tilespmem:s25+$0x0]  }
0xfc: {  	v17 =	vadd.f32 v18, v17;
	v18 =	vmul.f32 v21, v3;
	_ =	sdelay $0x1  }
0xfd: {  	s26 =	sadd.s32 $0x10, s26;
	v17 =	vadd.f32 v18, v17;
	v18 =	vmul.f32 v19, v2  }
0xfe: {  	v19 =	vld [tilespmem:s26+$0x0]  }
0xff: {  	v17 =	vadd.f32 v18, v17;
	v18 =	vmul.f32 v20, v1;
	_ =	sdelay $0x1  }
0x100: {  	v17 =	vadd.f32 v18, v17;
	_ =	sdelay $0x1  }
.Ltmp10:
0x101: {  	v17 =	vadd.f32 v17, v19;
	(pc) =	sbr.rel @p2 .LBB2_14-.Ltmp10, $4  }
0x102: {  	_ = 	snop  }
0x103: {  	s25 =	sadd.s32 $0x400, s25;
	[tilespmem:s26+$0x0] =	vst v17  }
0x104: {  	v17 =	vld [tilespmem:s25+$0xFFFFFF10]  }
0x105: {  	s28 =	sadd.s32 $0xFFFFFFFF, s28;
	v18 =	vld [tilespmem:s25+$0xFFFFFF20]  }
.LBB2_15:
0x106: {  	_ = 	snop  }
0x107: {  	v19 =	vld [tilespmem:s25+$0xFFFFFF30];
	_ =	sdelay $0x1  }
0x108: {  	v20 =	vld [tilespmem:s25+$0xFFFFFF40]  }
0x109: {  	v15 =	vmul.f32 v17, v15;
	v16 =	vmul.f32 v18, v16  }
0x10a: {  	v17 =	vld [tilespmem:s25+$0xFFFFFF50]  }
0x10b: {  	v14 =	vmul.f32 v19, v14;
	v15 =	vadd.f32 v16, v15  }
0x10c: {  	v16 =	vld [tilespmem:s25+$0xFFFFFF60]  }
0x10d: {  	v13 =	vmul.f32 v20, v13;
	v14 =	vadd.f32 v14, v15  }
0x10e: {  	v15 =	vld [tilespmem:s25+$0xFFFFFF70]  }
0x10f: {  	v12 =	vmul.f32 v17, v12;
	v13 =	vadd.f32 v13, v14  }
0x110: {  	v14 =	vld [tilespmem:s25+$0xFFFFFF80]  }
0x111: {  	v11 =	vmul.f32 v16, v11;
	v12 =	vadd.f32 v12, v13  }
0x112: {  	v13 =	vld [tilespmem:s25+$0xFFFFFF90]  }
0x113: {  	v10 =	vmul.f32 v15, v10;
	v11 =	vadd.f32 v11, v12  }
0x114: {  	v12 =	vld [tilespmem:s25+$0xFFFFFFA0]  }
0x115: {  	v9 =	vmul.f32 v14, v9;
	v10 =	vadd.f32 v10, v11  }
0x116: {  	v11 =	vld [tilespmem:s25+$0xFFFFFFB0]  }
0x117: {  	v8 =	vmul.f32 v13, v8;
	v9 =	vadd.f32 v9, v10  }
0x118: {  	v10 =	vld [tilespmem:s25+$0xFFFFFFC0]  }
0x119: {  	v7 =	vmul.f32 v12, v7;
	v8 =	vadd.f32 v8, v9  }
0x11a: {  	v9 =	vld [tilespmem:s25+$0xFFFFFFD0]  }
0x11b: {  	v6 =	vmul.f32 v11, v6;
	v7 =	vadd.f32 v7, v8  }
0x11c: {  	v8 =	vld [tilespmem:s25+$0xFFFFFFE0]  }
0x11d: {  	v5 =	vmul.f32 v10, v5;
	v6 =	vadd.f32 v6, v7  }
0x11e: {  	v7 =	vld [tilespmem:s25+$0xFFFFFFF0]  }
0x11f: {  	v4 =	vmul.f32 v9, v4;
	v5 =	vadd.f32 v5, v6  }
0x120: {  	v6 =	vld [tilespmem:s25+$0x0]  }
0x121: {  	v3 =	vmul.f32 v8, v3;
	v4 =	vadd.f32 v4, v5  }
0x122: {  	s25 =	sadd.s32 @p1 $0x10, s26  }
0x123: {  	s24 =	smov.u32 @p1 s25;
	v2 =	vmul.f32 v7, v2;
	v3 =	vadd.f32 v3, v4  }
0x124: {  	v4 =	vld [tilespmem:s24+$0x0]  }
0x125: {  	v1 =	vmul.f32 v6, v1;
	v2 =	vadd.f32 v2, v3;
	_ =	sdelay $0x1  }
0x126: {  	v1 =	vadd.f32 v1, v2;
	_ =	sdelay $0x1  }
0x127: {  	v1 =	vadd.f32 v1, v4;
	_ =	sdelay $0x1  }
0x128: {  	[tilespmem:s24+$0x0] =	vst v1  }
0x129: {  	v15 =	vld [tilespmem:s23+$0x200]  }
0x12a: {  	v16 =	vld [tilespmem:s23+$0x210]  }
0x12b: {  	v14 =	vld [tilespmem:s23+$0x220]  }
0x12c: {  	v13 =	vld [tilespmem:s23+$0x230]  }
0x12d: {  	v12 =	vld [tilespmem:s23+$0x240]  }
0x12e: {  	v11 =	vld [tilespmem:s23+$0x250]  }
0x12f: {  	v10 =	vld [tilespmem:s23+$0x260]  }
0x130: {  	v9 =	vld [tilespmem:s23+$0x270]  }
0x131: {  	v8 =	vld [tilespmem:s23+$0x280]  }
0x132: {  	v7 =	vld [tilespmem:s23+$0x290]  }
0x133: {  	v6 =	vld [tilespmem:s23+$0x2A0]  }
0x134: {  	v5 =	vld [tilespmem:s23+$0x2B0]  }
0x135: {  	v4 =	vld [tilespmem:s23+$0x2C0]  }
.Ltmp11:
0x136: {  	v3 =	vld [tilespmem:s23+$0x2D0];
	(pc) =	sbr.rel @!p0 .LBB2_16-.Ltmp11, $4  }
0x137: {  	v2 =	vld [tilespmem:s23+$0x2E0]  }
0x138: {  	s25 =	simm.s32 $0x2F0;
	v1 =	vld [tilespmem:s23+$0x2F0]  }
0x139: {  	v17 =	vld [tilespmem:s25+$0xFFFFFF10]  }
0x13a: {  	p1 =	por $0x0, $0x0;
	s24 =	simm.s32 $0x10400;
	v18 =	vld [tilespmem:s25+$0xFFFFFF20]  }
0x13b: {  	_ = 	snop  }
0x13c: {  	v19 =	vld [tilespmem:s25+$0xFFFFFF30];
	_ =	sdelay $0x1  }
0x13d: {  	v20 =	vld [tilespmem:s25+$0xFFFFFF40]  }
0x13e: {  	v17 =	vmul.f32 v17, v15;
	v18 =	vmul.f32 v18, v16  }
0x13f: {  	v21 =	vld [tilespmem:s25+$0xFFFFFF50]  }
0x140: {  	v17 =	vadd.f32 v18, v17;
	v18 =	vmul.f32 v19, v14  }
0x141: {  	v19 =	vld [tilespmem:s25+$0xFFFFFF60]  }
0x142: {  	v17 =	vadd.f32 v18, v17;
	v18 =	vmul.f32 v20, v13  }
0x143: {  	v20 =	vld [tilespmem:s25+$0xFFFFFF70]  }
0x144: {  	v17 =	vadd.f32 v18, v17;
	v18 =	vmul.f32 v21, v12  }
0x145: {  	v61 =	vld [tilespmem:s25+$0xFFFFFF80]  }
0x146: {  	v17 =	vadd.f32 v18, v17;
	v18 =	vmul.f32 v19, v11  }
0x147: {  	v19 =	vld [tilespmem:s25+$0xFFFFFF90]  }
0x148: {  	v17 =	vadd.f32 v18, v17;
	v18 =	vmul.f32 v20, v10  }
0x149: {  	v20 =	vld [tilespmem:s25+$0xFFFFFFA0]  }
0x14a: {  	v17 =	vadd.f32 v18, v17;
	v18 =	vmul.f32 v61, v9  }
0x14b: {  	v62 =	vld [tilespmem:s25+$0xFFFFFFB0]  }
0x14c: {  	v17 =	vadd.f32 v18, v17;
	v18 =	vmul.f32 v19, v8  }
0x14d: {  	v19 =	vld [tilespmem:s25+$0xFFFFFFC0]  }
0x14e: {  	v17 =	vadd.f32 v18, v17;
	v18 =	vmul.f32 v20, v7  }
0x14f: {  	v20 =	vld [tilespmem:s25+$0xFFFFFFD0]  }
0x150: {  	v17 =	vadd.f32 v18, v17;
	v18 =	vmul.f32 v62, v6  }
0x151: {  	v63 =	vld [tilespmem:s25+$0xFFFFFFE0]  }
0x152: {  	v17 =	vadd.f32 v18, v17;
	v18 =	vmul.f32 v19, v5  }
0x153: {  	v19 =	vld [tilespmem:s25+$0xFFFFFFF0]  }
0x154: {  	v17 =	vadd.f32 v18, v17;
	v18 =	vmul.f32 v20, v4  }
0x155: {  	v20 =	vld [tilespmem:s25+$0x0]  }
0x156: {  	v17 =	vadd.f32 v18, v17;
	v18 =	vmul.f32 v63, v3;
	_ =	sdelay $0x1  }
0x157: {  	v17 =	vadd.f32 v18, v17;
	v18 =	vmul.f32 v19, v2  }
0x158: {  	v19 =	vld [tilespmem:s24+$0x0]  }
0x159: {  	v17 =	vadd.f32 v18, v17;
	v18 =	vmul.f32 v20, v1;
	_ =	sdelay $0x1  }
0x15a: {  	v17 =	vadd.f32 v18, v17  }
0x15b: {  	p3 =	sne.s32 s22, $0x1  }
.Ltmp12:
0x15c: {  	v17 =	vadd.f32 v17, v19;
	(pc) =	sbr.rel @!p3 .LBB2_18-.Ltmp12, $4  }
0x15d: {  	_ = 	snop  }
0x15e: {  	s25 =	simm.s32 $0x6F0;
	[tilespmem:s24+$0x0] =	vst v17  }
0x15f: {  	v17 =	vld [tilespmem:s25+$0xFFFFFF10]  }
0x160: {  	s28 =	sadd.s32 $0xFFFFFFFF, s22;
	p2 =	por $0x1, $0x1;
	s26 =	simm.s32 $0x10400;
	v18 =	vld [tilespmem:s25+$0xFFFFFF20]  }
.LBB2_19:
0x161: {  	p3 =	sne.s32 s28, $0x1  }
0x162: {  	v19 =	vld [tilespmem:s25+$0xFFFFFF30];
	_ =	sdelay $0x1  }
0x163: {  	v20 =	vld [tilespmem:s25+$0xFFFFFF40]  }
0x164: {  	v17 =	vmul.f32 v17, v15;
	v18 =	vmul.f32 v18, v16  }
0x165: {  	v21 =	vld [tilespmem:s25+$0xFFFFFF50]  }
0x166: {  	v17 =	vadd.f32 v18, v17;
	v18 =	vmul.f32 v19, v14  }
0x167: {  	v19 =	vld [tilespmem:s25+$0xFFFFFF60]  }
0x168: {  	v17 =	vadd.f32 v18, v17;
	v18 =	vmul.f32 v20, v13  }
0x169: {  	v20 =	vld [tilespmem:s25+$0xFFFFFF70]  }
0x16a: {  	v17 =	vadd.f32 v18, v17;
	v18 =	vmul.f32 v21, v12  }
0x16b: {  	v21 =	vld [tilespmem:s25+$0xFFFFFF80]  }
0x16c: {  	v17 =	vadd.f32 v18, v17;
	v18 =	vmul.f32 v19, v11  }
0x16d: {  	v19 =	vld [tilespmem:s25+$0xFFFFFF90]  }
0x16e: {  	v17 =	vadd.f32 v18, v17;
	v18 =	vmul.f32 v20, v10  }
0x16f: {  	v20 =	vld [tilespmem:s25+$0xFFFFFFA0]  }
0x170: {  	v17 =	vadd.f32 v18, v17;
	v18 =	vmul.f32 v21, v9  }
0x171: {  	v21 =	vld [tilespmem:s25+$0xFFFFFFB0]  }
0x172: {  	v17 =	vadd.f32 v18, v17;
	v18 =	vmul.f32 v19, v8  }
0x173: {  	v19 =	vld [tilespmem:s25+$0xFFFFFFC0]  }
0x174: {  	v17 =	vadd.f32 v18, v17;
	v18 =	vmul.f32 v20, v7  }
0x175: {  	v20 =	vld [tilespmem:s25+$0xFFFFFFD0]  }
0x176: {  	v17 =	vadd.f32 v18, v17;
	v18 =	vmul.f32 v21, v6  }
0x177: {  	v21 =	vld [tilespmem:s25+$0xFFFFFFE0]  }
0x178: {  	v17 =	vadd.f32 v18, v17;
	v18 =	vmul.f32 v19, v5  }
0x179: {  	v19 =	vld [tilespmem:s25+$0xFFFFFFF0]  }
0x17a: {  	v17 =	vadd.f32 v18, v17;
	v18 =	vmul.f32 v20, v4  }
0x17b: {  	v20 =	vld [tilespmem:s25+$0x0]  }
0x17c: {  	v17 =	vadd.f32 v18, v17;
	v18 =	vmul.f32 v21, v3;
	_ =	sdelay $0x1  }
0x17d: {  	s26 =	sadd.s32 $0x10, s26;
	v17 =	vadd.f32 v18, v17;
	v18 =	vmul.f32 v19, v2  }
0x17e: {  	v19 =	vld [tilespmem:s26+$0x0]  }
0x17f: {  	v17 =	vadd.f32 v18, v17;
	v18 =	vmul.f32 v20, v1;
	_ =	sdelay $0x1  }
0x180: {  	v17 =	vadd.f32 v18, v17;
	_ =	sdelay $0x1  }
.Ltmp13:
0x181: {  	v17 =	vadd.f32 v17, v19;
	(pc) =	sbr.rel @p3 .LBB2_19-.Ltmp13, $4  }
0x182: {  	_ = 	snop  }
0x183: {  	s25 =	sadd.s32 $0x400, s25;
	[tilespmem:s26+$0x0] =	vst v17  }
0x184: {  	v17 =	vld [tilespmem:s25+$0xFFFFFF10]  }
0x185: {  	s28 =	sadd.s32 $0xFFFFFFFF, s28;
	v18 =	vld [tilespmem:s25+$0xFFFFFF20]  }
.LBB2_20:
0x186: {  	_ = 	snop  }
0x187: {  	v19 =	vld [tilespmem:s25+$0xFFFFFF30];
	_ =	sdelay $0x1  }
0x188: {  	v20 =	vld [tilespmem:s25+$0xFFFFFF40]  }
0x189: {  	v15 =	vmul.f32 v17, v15;
	v16 =	vmul.f32 v18, v16  }
0x18a: {  	v17 =	vld [tilespmem:s25+$0xFFFFFF50]  }
0x18b: {  	v14 =	vmul.f32 v19, v14;
	v15 =	vadd.f32 v16, v15  }
0x18c: {  	v16 =	vld [tilespmem:s25+$0xFFFFFF60]  }
0x18d: {  	v13 =	vmul.f32 v20, v13;
	v14 =	vadd.f32 v14, v15  }
0x18e: {  	v15 =	vld [tilespmem:s25+$0xFFFFFF70]  }
0x18f: {  	v12 =	vmul.f32 v17, v12;
	v13 =	vadd.f32 v13, v14  }
0x190: {  	v14 =	vld [tilespmem:s25+$0xFFFFFF80]  }
0x191: {  	v11 =	vmul.f32 v16, v11;
	v12 =	vadd.f32 v12, v13  }
0x192: {  	v13 =	vld [tilespmem:s25+$0xFFFFFF90]  }
0x193: {  	v10 =	vmul.f32 v15, v10;
	v11 =	vadd.f32 v11, v12  }
0x194: {  	v12 =	vld [tilespmem:s25+$0xFFFFFFA0]  }
0x195: {  	v9 =	vmul.f32 v14, v9;
	v10 =	vadd.f32 v10, v11  }
0x196: {  	v11 =	vld [tilespmem:s25+$0xFFFFFFB0]  }
0x197: {  	v8 =	vmul.f32 v13, v8;
	v9 =	vadd.f32 v9, v10  }
0x198: {  	v10 =	vld [tilespmem:s25+$0xFFFFFFC0]  }
0x199: {  	v7 =	vmul.f32 v12, v7;
	v8 =	vadd.f32 v8, v9  }
0x19a: {  	v9 =	vld [tilespmem:s25+$0xFFFFFFD0]  }
0x19b: {  	v6 =	vmul.f32 v11, v6;
	v7 =	vadd.f32 v7, v8  }
0x19c: {  	v8 =	vld [tilespmem:s25+$0xFFFFFFE0]  }
0x19d: {  	v5 =	vmul.f32 v10, v5;
	v6 =	vadd.f32 v6, v7  }
0x19e: {  	v7 =	vld [tilespmem:s25+$0xFFFFFFF0]  }
0x19f: {  	v4 =	vmul.f32 v9, v4;
	v5 =	vadd.f32 v5, v6  }
0x1a0: {  	v6 =	vld [tilespmem:s25+$0x0]  }
0x1a1: {  	v3 =	vmul.f32 v8, v3;
	v4 =	vadd.f32 v4, v5  }
0x1a2: {  	s25 =	sadd.s32 @p2 $0x10, s26;
	s26 =	simm.s32 $0x10400  }
0x1a3: {  	s26 =	smov.u32 @p2 s25;
	v2 =	vmul.f32 v7, v2;
	v3 =	vadd.f32 v3, v4  }
0x1a4: {  	v4 =	vld [tilespmem:s26+$0x0]  }
0x1a5: {  	v1 =	vmul.f32 v6, v1;
	v2 =	vadd.f32 v2, v3;
	_ =	sdelay $0x1  }
0x1a6: {  	v1 =	vadd.f32 v1, v2;
	_ =	sdelay $0x1  }
0x1a7: {  	v1 =	vadd.f32 v1, v4;
	_ =	sdelay $0x1  }
0x1a8: {  	[tilespmem:s26+$0x0] =	vst v1  }
0x1a9: {  	v15 =	vld [tilespmem:s23+$0x300]  }
0x1aa: {  	v16 =	vld [tilespmem:s23+$0x310]  }
0x1ab: {  	v14 =	vld [tilespmem:s23+$0x320]  }
0x1ac: {  	v13 =	vld [tilespmem:s23+$0x330]  }
0x1ad: {  	v12 =	vld [tilespmem:s23+$0x340]  }
0x1ae: {  	v11 =	vld [tilespmem:s23+$0x350]  }
0x1af: {  	v10 =	vld [tilespmem:s23+$0x360]  }
0x1b0: {  	v9 =	vld [tilespmem:s23+$0x370]  }
0x1b1: {  	v8 =	vld [tilespmem:s23+$0x380]  }
0x1b2: {  	v7 =	vld [tilespmem:s23+$0x390]  }
0x1b3: {  	v6 =	vld [tilespmem:s23+$0x3A0]  }
0x1b4: {  	v5 =	vld [tilespmem:s23+$0x3B0]  }
0x1b5: {  	v4 =	vld [tilespmem:s23+$0x3C0]  }
.Ltmp14:
0x1b6: {  	v3 =	vld [tilespmem:s23+$0x3D0];
	(pc) =	sbr.rel @!p0 .LBB2_21-.Ltmp14, $4  }
0x1b7: {  	v2 =	vld [tilespmem:s23+$0x3E0]  }
0x1b8: {  	v1 =	vld [tilespmem:s23+$0x3F0];
	s23 =	simm.s32 $0x3F0  }
0x1b9: {  	v17 =	vld [tilespmem:s23+$0xFFFFFF10]  }
0x1ba: {  	v18 =	vld [tilespmem:s23+$0xFFFFFF20]  }
0x1bb: {  	_ = 	snop  }
0x1bc: {  	v19 =	vld [tilespmem:s23+$0xFFFFFF30];
	_ =	sdelay $0x1  }
0x1bd: {  	v20 =	vld [tilespmem:s23+$0xFFFFFF40]  }
0x1be: {  	v17 =	vmul.f32 v17, v15;
	v18 =	vmul.f32 v18, v16  }
0x1bf: {  	v21 =	vld [tilespmem:s23+$0xFFFFFF50]  }
0x1c0: {  	v17 =	vadd.f32 v18, v17;
	v18 =	vmul.f32 v19, v14  }
0x1c1: {  	v19 =	vld [tilespmem:s23+$0xFFFFFF60]  }
0x1c2: {  	v17 =	vadd.f32 v18, v17;
	v18 =	vmul.f32 v20, v13  }
0x1c3: {  	v20 =	vld [tilespmem:s23+$0xFFFFFF70]  }
0x1c4: {  	v17 =	vadd.f32 v18, v17;
	v18 =	vmul.f32 v21, v12  }
0x1c5: {  	v61 =	vld [tilespmem:s23+$0xFFFFFF80]  }
0x1c6: {  	v17 =	vadd.f32 v18, v17;
	v18 =	vmul.f32 v19, v11  }
0x1c7: {  	v19 =	vld [tilespmem:s23+$0xFFFFFF90]  }
0x1c8: {  	v17 =	vadd.f32 v18, v17;
	v18 =	vmul.f32 v20, v10  }
0x1c9: {  	v20 =	vld [tilespmem:s23+$0xFFFFFFA0]  }
0x1ca: {  	v17 =	vadd.f32 v18, v17;
	v18 =	vmul.f32 v61, v9  }
0x1cb: {  	v62 =	vld [tilespmem:s23+$0xFFFFFFB0]  }
0x1cc: {  	v17 =	vadd.f32 v18, v17;
	v18 =	vmul.f32 v19, v8  }
0x1cd: {  	v19 =	vld [tilespmem:s23+$0xFFFFFFC0]  }
0x1ce: {  	v17 =	vadd.f32 v18, v17;
	v18 =	vmul.f32 v20, v7  }
0x1cf: {  	v20 =	vld [tilespmem:s23+$0xFFFFFFD0]  }
0x1d0: {  	v17 =	vadd.f32 v18, v17;
	v18 =	vmul.f32 v62, v6  }
0x1d1: {  	v63 =	vld [tilespmem:s23+$0xFFFFFFE0]  }
0x1d2: {  	v17 =	vadd.f32 v18, v17;
	v18 =	vmul.f32 v19, v5  }
0x1d3: {  	v19 =	vld [tilespmem:s23+$0xFFFFFFF0]  }
0x1d4: {  	v17 =	vadd.f32 v18, v17;
	v18 =	vmul.f32 v20, v4  }
0x1d5: {  	v20 =	vld [tilespmem:s23+$0x0]  }
0x1d6: {  	v17 =	vadd.f32 v18, v17;
	v18 =	vmul.f32 v63, v3;
	_ =	sdelay $0x1  }
0x1d7: {  	v17 =	vadd.f32 v18, v17;
	v18 =	vmul.f32 v19, v2  }
0x1d8: {  	v19 =	vld [tilespmem:s24+$0x0]  }
0x1d9: {  	v17 =	vadd.f32 v18, v17;
	v18 =	vmul.f32 v20, v1;
	_ =	sdelay $0x1  }
0x1da: {  	v17 =	vadd.f32 v18, v17  }
0x1db: {  	p0 =	sne.s32 s22, $0x1  }
.Ltmp15:
0x1dc: {  	v17 =	vadd.f32 v17, v19;
	(pc) =	sbr.rel @!p0 .LBB2_23-.Ltmp15, $4  }
0x1dd: {  	_ = 	snop  }
0x1de: {  	s23 =	simm.s32 $0x7F0;
	[tilespmem:s24+$0x0] =	vst v17  }
0x1df: {  	v17 =	vld [tilespmem:s23+$0xFFFFFF10]  }
0x1e0: {  	s25 =	sadd.s32 $0xFFFFFFFF, s22;
	p1 =	por $0x1, $0x1;
	s22 =	simm.s32 $0x10400;
	v18 =	vld [tilespmem:s23+$0xFFFFFF20]  }
.LBB2_24:
0x1e1: {  	p0 =	sne.s32 s25, $0x1  }
0x1e2: {  	v19 =	vld [tilespmem:s23+$0xFFFFFF30];
	_ =	sdelay $0x1  }
0x1e3: {  	v20 =	vld [tilespmem:s23+$0xFFFFFF40]  }
0x1e4: {  	v17 =	vmul.f32 v17, v15;
	v18 =	vmul.f32 v18, v16  }
0x1e5: {  	v21 =	vld [tilespmem:s23+$0xFFFFFF50]  }
0x1e6: {  	v17 =	vadd.f32 v18, v17;
	v18 =	vmul.f32 v19, v14  }
0x1e7: {  	v19 =	vld [tilespmem:s23+$0xFFFFFF60]  }
0x1e8: {  	v17 =	vadd.f32 v18, v17;
	v18 =	vmul.f32 v20, v13  }
0x1e9: {  	v20 =	vld [tilespmem:s23+$0xFFFFFF70]  }
0x1ea: {  	v17 =	vadd.f32 v18, v17;
	v18 =	vmul.f32 v21, v12  }
0x1eb: {  	v21 =	vld [tilespmem:s23+$0xFFFFFF80]  }
0x1ec: {  	v17 =	vadd.f32 v18, v17;
	v18 =	vmul.f32 v19, v11  }
0x1ed: {  	v19 =	vld [tilespmem:s23+$0xFFFFFF90]  }
0x1ee: {  	v17 =	vadd.f32 v18, v17;
	v18 =	vmul.f32 v20, v10  }
0x1ef: {  	v20 =	vld [tilespmem:s23+$0xFFFFFFA0]  }
0x1f0: {  	v17 =	vadd.f32 v18, v17;
	v18 =	vmul.f32 v21, v9  }
0x1f1: {  	v21 =	vld [tilespmem:s23+$0xFFFFFFB0]  }
0x1f2: {  	v17 =	vadd.f32 v18, v17;
	v18 =	vmul.f32 v19, v8  }
0x1f3: {  	v19 =	vld [tilespmem:s23+$0xFFFFFFC0]  }
0x1f4: {  	v17 =	vadd.f32 v18, v17;
	v18 =	vmul.f32 v20, v7  }
0x1f5: {  	v20 =	vld [tilespmem:s23+$0xFFFFFFD0]  }
0x1f6: {  	v17 =	vadd.f32 v18, v17;
	v18 =	vmul.f32 v21, v6  }
0x1f7: {  	v21 =	vld [tilespmem:s23+$0xFFFFFFE0]  }
0x1f8: {  	v17 =	vadd.f32 v18, v17;
	v18 =	vmul.f32 v19, v5  }
0x1f9: {  	v19 =	vld [tilespmem:s23+$0xFFFFFFF0]  }
0x1fa: {  	v17 =	vadd.f32 v18, v17;
	v18 =	vmul.f32 v20, v4  }
0x1fb: {  	v20 =	vld [tilespmem:s23+$0x0]  }
0x1fc: {  	v17 =	vadd.f32 v18, v17;
	v18 =	vmul.f32 v21, v3;
	_ =	sdelay $0x1  }
0x1fd: {  	s22 =	sadd.s32 $0x10, s22;
	v17 =	vadd.f32 v18, v17;
	v18 =	vmul.f32 v19, v2  }
0x1fe: {  	v19 =	vld [tilespmem:s22+$0x0]  }
0x1ff: {  	v17 =	vadd.f32 v18, v17;
	v18 =	vmul.f32 v20, v1;
	_ =	sdelay $0x1  }
0x200: {  	v17 =	vadd.f32 v18, v17;
	_ =	sdelay $0x1  }
.Ltmp16:
0x201: {  	v17 =	vadd.f32 v17, v19;
	(pc) =	sbr.rel @p0 .LBB2_24-.Ltmp16, $4  }
0x202: {  	_ = 	snop  }
0x203: {  	s23 =	sadd.s32 $0x400, s23;
	[tilespmem:s22+$0x0] =	vst v17  }
0x204: {  	v17 =	vld [tilespmem:s23+$0xFFFFFF10]  }
0x205: {  	s25 =	sadd.s32 $0xFFFFFFFF, s25;
	v18 =	vld [tilespmem:s23+$0xFFFFFF20]  }
.LBB2_25:
0x206: {  	_ = 	snop  }
0x207: {  	v19 =	vld [tilespmem:s23+$0xFFFFFF30];
	_ =	sdelay $0x1  }
0x208: {  	v20 =	vld [tilespmem:s23+$0xFFFFFF40]  }
0x209: {  	v15 =	vmul.f32 v17, v15;
	v16 =	vmul.f32 v18, v16  }
0x20a: {  	v52 =	vld [tilespmem:s23+$0xFFFFFF50]  }
0x20b: {  	v14 =	vmul.f32 v19, v14;
	v15 =	vadd.f32 v16, v15  }
0x20c: {  	v53 =	vld [tilespmem:s23+$0xFFFFFF60]  }
0x20d: {  	v13 =	vmul.f32 v20, v13;
	v14 =	vadd.f32 v14, v15  }
0x20e: {  	v54 =	vld [tilespmem:s23+$0xFFFFFF70]  }
0x20f: {  	v12 =	vmul.f32 v52, v12;
	v13 =	vadd.f32 v13, v14  }
0x210: {  	v55 =	vld [tilespmem:s23+$0xFFFFFF80]  }
0x211: {  	v11 =	vmul.f32 v53, v11;
	v12 =	vadd.f32 v12, v13  }
0x212: {  	v56 =	vld [tilespmem:s23+$0xFFFFFF90]  }
0x213: {  	v10 =	vmul.f32 v54, v10;
	v11 =	vadd.f32 v11, v12  }
0x214: {  	v57 =	vld [tilespmem:s23+$0xFFFFFFA0]  }
0x215: {  	v9 =	vmul.f32 v55, v9;
	v10 =	vadd.f32 v10, v11  }
0x216: {  	v58 =	vld [tilespmem:s23+$0xFFFFFFB0]  }
0x217: {  	v8 =	vmul.f32 v56, v8;
	v9 =	vadd.f32 v9, v10  }
0x218: {  	v59 =	vld [tilespmem:s23+$0xFFFFFFC0]  }
0x219: {  	v7 =	vmul.f32 v57, v7;
	v8 =	vadd.f32 v8, v9  }
0x21a: {  	v60 =	vld [tilespmem:s23+$0xFFFFFFD0]  }
0x21b: {  	v6 =	vmul.f32 v58, v6;
	v7 =	vadd.f32 v7, v8  }
0x21c: {  	v61 =	vld [tilespmem:s23+$0xFFFFFFE0]  }
0x21d: {  	v5 =	vmul.f32 v59, v5;
	v6 =	vadd.f32 v6, v7  }
0x21e: {  	v62 =	vld [tilespmem:s23+$0xFFFFFFF0]  }
0x21f: {  	v4 =	vmul.f32 v60, v4;
	v5 =	vadd.f32 v5, v6  }
0x220: {  	v63 =	vld [tilespmem:s23+$0x0]  }
0x221: {  	v3 =	vmul.f32 v61, v3;
	v4 =	vadd.f32 v4, v5  }
0x222: {  	s22 =	sadd.s32 @p1 $0x10, s22;
	s23 =	simm.s32 $0x10400  }
0x223: {  	s23 =	smov.u32 @p1 s22;
	v2 =	vmul.f32 v62, v2;
	v3 =	vadd.f32 v3, v4  }
0x224: {  	v4 =	vld [tilespmem:s23+$0x0]  }
0x225: {  	v1 =	vmul.f32 v63, v1;
	v2 =	vadd.f32 v2, v3;
	_ =	sdelay $0x1  }
0x226: {  	v1 =	vadd.f32 v1, v2;
	_ =	sdelay $0x1  }
0x227: {  	s31 =	simm.s32 $0x0;
	s25 =	sadd.s32 $0x0, s21;
	v1 =	vadd.f32 v1, v4  }
0x228: {  	s25 =	sand.u32 $0xFFFFFF80, s25;
	s22 =	sand.u32 $0x70, s31  }
0x229: {  	s22 =	sor.u32 s22, s25;
	[tilespmem:s23+$0x0] =	vst v1  }
0x22a: {  	v2 =	vld [tilespmem:s22+$0x9C00]  }
0x22b: {  	p0 =	sne.s32 s20, $0x10;
	v3 =	vld [tilespmem:s24+$0x0]  }
.Ltmp17:
0x22c: {  	_ = 	snop;
	(pc) =	sbr.rel @!p0 .LBB2_27-.Ltmp17, $2  }
0x22d: {  	v1 =	vld [tilespmem:s22+$0xD000];
	_ =	sdelay $0x2  }
0x22e: {  	s23 =	simm.s32 $0x10;
	[tilespmem:s22+$0x6800] =	vst v3;
	v2 =	vadd.f32 v2, v3;
	v3 =	vmul.f32 v3, v3  }
.LBB2_26:
0x22f: {  	s25 =	sadd.s32 s23, s21  }
0x230: {  	s26 =	sand.u32 $0x70, s23;
	s25 =	sand.u32 $0xFFFFFF80, s25;
	[tilespmem:s22+$0x9C00] =	vst v2;
	v1 =	vadd.f32 v1, v3  }
0x231: {  	s25 =	sor.u32 s26, s25  }
0x232: {  	s23 =	sadd.s32 $0x10, s23;
	s24 =	sadd.s32 $0x10, s24;
	v2 =	vld [tilespmem:s25+$0x9C00];
	[tilespmem:s22+$0xD000] =	vst v1;
	s22 =	smov.u32 s25  }
0x233: {  	p0 =	sne.s32 s20, s23;
	v3 =	vld [tilespmem:s24+$0x0]  }
.Ltmp18:
0x234: {  	(pc) =	sbr.rel @p0 .LBB2_26-.Ltmp18, $2  }
0x235: {  	v1 =	vld [tilespmem:s22+$0xD000];
	_ =	sdelay $0x2  }
0x236: {  	[tilespmem:s22+$0x6800] =	vst v3;
	v2 =	vadd.f32 v2, v3;
	v3 =	vmul.f32 v3, v3  }
.LBB2_27:
0x237: {  	s19 =	sadd.s32 $0x1, s19  }
0x238: {  	p0 =	sne.s32 s19, $0x1A  }
.Ltmp19:
0x239: {  	_ = 	snop;
	(pc) =	sbr.rel @p0 .LBB2_5-.Ltmp19, $4  }
.Ltmp20:
0x23a: {  	_ = 	snop;
	(pc) =	sbr.rel @!p0 .LBB2_28-.Ltmp20, $4  }
0x23b: {  	v1 =	vadd.f32 v1, v3  }
0x23c: {  	[tilespmem:s22+$0x9C00] =	vst v2  }
0x23d: {  	s20 =	sadd.s32 $0x10, s20;
	s21 =	sadd.s32 $0x200, s21;
	[tilespmem:s22+$0xD000] =	vst v1  }
0x23e: {  	_ = 	snop  }
.LBB2_6:
.Ltmp21:
0x23f: {  	(pc) =	sbr.rel .LBB2_10-.Ltmp21, $2  }
0x240: {  	_ =	sdelay $0x2  }
0x241: {  	s26 =	simm.s32 $0x10400;
	p2 =	por $0x0, $0x0  }
.LBB2_11:
.Ltmp22:
0x242: {  	(pc) =	sbr.rel .LBB2_15-.Ltmp22, $2  }
0x243: {  	_ =	sdelay $0x2  }
0x244: {  	s26 =	simm.s32 $0x10400  }
.LBB2_16:
.Ltmp23:
0x245: {  	(pc) =	sbr.rel .LBB2_20-.Ltmp23, $2  }
0x246: {  	_ =	sdelay $0x2  }
0x247: {  	s26 =	simm.s32 $0x10400;
	p2 =	por $0x0, $0x0  }
.LBB2_21:
.Ltmp24:
0x248: {  	(pc) =	sbr.rel .LBB2_25-.Ltmp24, $2  }
0x249: {  	_ =	sdelay $0x2  }
0x24a: {  	s22 =	simm.s32 $0x10400  }
.LBB2_8:
.Ltmp25:
0x24b: {  	(pc) =	sbr.rel .LBB2_10-.Ltmp25, $2  }
0x24c: {  	_ =	sdelay $0x2  }
0x24d: {  	s26 =	simm.s32 $0x10400  }
.LBB2_13:
.Ltmp26:
0x24e: {  	(pc) =	sbr.rel .LBB2_15-.Ltmp26, $2  }
0x24f: {  	_ =	sdelay $0x2  }
0x250: {  	s26 =	simm.s32 $0x10400  }
.LBB2_18:
.Ltmp27:
0x251: {  	(pc) =	sbr.rel .LBB2_20-.Ltmp27, $2  }
0x252: {  	_ =	sdelay $0x2  }
0x253: {  	s26 =	simm.s32 $0x10400  }
.LBB2_23:
.Ltmp28:
0x254: {  	(pc) =	sbr.rel .LBB2_25-.Ltmp28, $2  }
0x255: {  	_ =	sdelay $0x2  }
0x256: {  	s22 =	simm.s32 $0x10400  }
.LBB2_30:
0x257: {  	_ =	sfence.sel $0x180000  }
0x258: {  	[bflag:$0x0] =	sbarrier.arrive $0xFFFF  }
0x259: {  	p0 =	sne.s32 s0, $0x0;
	_ =	strace $0x90000047  }
0x25a: {  	s0 =	sadd.s32 @!p0 $0x100000, s1;
	[bflag:$0x2] =	sbarrier.arrive $0xFFFF  }
0x25b: {  	[sflag:s0] =	ssyncadd.tile.s32 @!p0 $0x1;
	_ =	shalt  }
.Lfunc_end2:
_tile_overlayer_lowered:
.L_overlay_start_2:
0x25c: {  	(tag) =	ssettag $0x2  }
0x25d: {  	s0 =	rddreg [dreg:$0x0];
	s2 =	stileid.u32  }
0x25e: {  	s1 =	rddreg [dreg:$0x1];
	p0 =	sne.s32 s2, $0x0  }
0x25f: {  	s3 =	rddreg [dreg:$0x2];
	[bflag:$0x3] =	sbarrier.arrive $0xFFFF;
	s2 =	simm.s32 @!p0 $0x1C01  }
0x260: {  	[timem:s3], [sflag:s2] =	dma.local @!p0 [hbm:s0], s1  }
0x261: {  	s0 =	simm.s32 @!p0 $0x1  }
0x262: {  	_ =	swait.ge @!p0 [sflag:s0], s1  }
0x263: {  	s1 =	ssub.s32 @!p0 $0x0, s1;
	[sflag:s0] =	ssyncset.done @!p0 $0x0  }
0x264: {  	[sflag:s0] =	ssyncadd.s32 @!p0 s1  }
0x265: {  	[bflag:$0x3] =	sbarrier.arrive $0xFFFF  }
0x266: {  	_ =	shalt  }

// kernel: kernel.8.cloned.1.call-start
scs
__scs_entry_jumppad:
0x0: {  	(pc) =	sbr.rel $0x88, $3  }
0x1: {  	(tag) =	ssettag $0x0;
	lr =	simm.s32 $0x1  }
0x2: {  	[smem:$0x3F9D] =	sst lr;
	_ =	strace $0xD0000000  }
0x3: {  	_ = 	snop  }
0x4: {  	_ = 	snop  }
0x5: {  	_ = 	snop  }
0x6: {  	_ = 	snop  }
0x7: {  	_ = 	snop  }
__scs_overlays_trampoline_lowered:
0x8: {  	[smem:$0x3FAC] =	sst s0  }
0x9: {  	[smem:$0x3FAD] =	sst s1  }
0xa: {  	[smem:$0x3FAE] =	sst s2  }
0xb: {  	[smem:$0x3FAF] =	sst s3  }
0xc: {  	[smem:$0x3FB0] =	sst s4  }
0xd: {  	[smem:$0x3FB1] =	sst s5  }
0xe: {  	[smem:$0x3FB2] =	sst s6  }
0xf: {  	[smem:$0x3FB3] =	sst s7  }
0x10: {  	[smem:$0x3FB4] =	sst s8  }
0x11: {  	[smem:$0x3FB5] =	sst s9;
	s0 =	simm.s32 @!p0 $0x0  }
0x12: {  	s1 =	sld [smem:$0x3F9B];
	s0 =	simm.s32 @p0 $0x1  }
0x13: {  	[smem:$0x3FB6] =	sst s0;
	s0 =	simm.s32 @!p1 $0x0  }
0x14: {  	s2 =	sld [smem:$0x3F9A];
	s0 =	simm.s32 @p1 $0x1  }
0x15: {  	[smem:$0x3FB7] =	sst s0;
	s0 =	simm.s32 @!p2 $0x0  }
0x16: {  	s3 =	sld [smem:$0x3FDB];
	s0 =	simm.s32 @p2 $0x1  }
0x17: {  	s4 =	simm.s32 $0x1BF5;
	[smem:$0x3FB9] =	sst s0  }
0x18: {  	s0 =	sld [smem:$0x3F9C];
	_ =	swait.ge [sflag:s4], $0x0  }
0x19: {  	s7 =	sld [smem:$0x3F9D]  }
0x1a: {  	s8 =	sadd.s32 $0xFFFFE003, lr  }
0x1b: {  	s9 =	sadd.s32 $0xFFFFFEF7, lr;
	s5 =	simm.s32 $0xFFFFFFFF;
	p2 =	slt.u32 s8, $0xFFFFF086  }
0x1c: {  	p1 =	slt.u32 s9, $0xF7A;
	s5 =	simm.s32 @!p2 $0x0  }
0x1d: {  	s5 =	simm.s32 @p1 $0x1;
	p0 =	seq.s32 s7, s2  }
0x1e: {  	s7 =	smul.u32 @!p0 $0xF7A, s2;
	p2 =	seq.s32 @!p0 s5, $0x0  }
0x1f: {  	s9 =	smul.u32 $0xF7A, s1;
	s8 =	simm.s32 @!p0 $0x1BF5;
	p2 =	por !p2, p0  }
0x20: {  	[sflag:s8] =	ssyncset.s32 @!p0 $0xFFFFF086;
	s6 =	sadd.s32 @!p0 s3, s7;
	s7 =	simm.s32 @!p0 $0x108  }
0x21: {  	s3 =	sadd.s32 s3, s9;
	s6 =	sadd.s32 @!p0 $0x88, s6;
	s7 =	simm.s32 @p2 $0x1082  }
0x22: {  	[simem:s7], [sflag:s8] =	dma.local @!p0 [hbm:s6], $0xF7A  }
0x23: {  	s9 =	sor.u32 $0xD0000000, s2;
	s6 =	simm.s32 $0x108;
	_ =	swait.ge @!p0 [sflag:s8], $0x0  }
0x24: {  	s3 =	sadd.s32 $0x88, s3;
	s6 =	simm.s32 @!p1 $0x1082;
	[sflag:s4] =	ssyncset.s32 $0xFFFFF086  }
0x25: {  	[simem:s6], [sflag:s4] =	dma.local [hbm:s3], $0xF7A  }
0x26: {  	[smem:$0x3F9D] =	sst s1;
	(tag) =	ssettag s2;
	_ =	strace s9  }
0x27: {  	s1 =	sld [smem:$0x3FAD]  }
0x28: {  	s2 =	sld [smem:$0x3FAE]  }
0x29: {  	s4 =	sld [smem:$0x3FB0]  }
0x2a: {  	p0 =	seq.s32 s5, $0x0;
	s5 =	sld [smem:$0x3FB1]  }
0x2b: {  	s6 =	sld [smem:$0x3FB2]  }
0x2c: {  	s7 =	sld [smem:$0x3FB3]  }
0x2d: {  	s3 =	simm.s32 $0x108;
	s8 =	sld [smem:$0x3FB4]  }
0x2e: {  	s3 =	simm.s32 @!p0 $0x1082;
	s9 =	sld [smem:$0x3FB5]  }
0x2f: {  	lr =	sadd.s32 s0, s3;
	s0 =	sld [smem:$0x3FAC]  }
0x30: {  	s3 =	sld [smem:$0x3FAF]  }
0x31: {  	[smem:$0x3FB8] =	sst s10  }
0x32: {  	s10 =	sld [smem:$0x3FB6];
	_ =	sdelay $0x3  }
0x33: {  	p0 =	seq.s32 s10, $0x1;
	s10 =	sld [smem:$0x3FB8];
	_ =	sdelay $0x3  }
0x34: {  	[smem:$0x3FB8] =	sst s10  }
0x35: {  	s10 =	sld [smem:$0x3FB7];
	_ =	sdelay $0x3  }
0x36: {  	p1 =	seq.s32 s10, $0x1;
	s10 =	sld [smem:$0x3FB8];
	_ =	sdelay $0x3  }
0x37: {  	[smem:$0x3FB8] =	sst s10  }
0x38: {  	s10 =	sld [smem:$0x3FB9]  }
0x39: {  	_ = 	snop;
	(pc) =	sbr.ind lr, $3  }
0x3a: {  	_ = 	snop  }
0x3b: {  	_ = 	snop  }
0x3c: {  	p2 =	seq.s32 s10, $0x1;
	s10 =	sld [smem:$0x3FB8]  }
0x3d: {  	_ =	shalt  }
0x3e: {  	_ =	shalt  }
0x3f: {  	_ =	shalt  }
0x40: {  	_ =	shalt  }
0x41: {  	_ =	shalt  }
0x42: {  	_ =	shalt  }
0x43: {  	_ =	shalt  }
0x44: {  	_ =	shalt  }
0x45: {  	_ =	shalt  }
0x46: {  	_ =	shalt  }
0x47: {  	_ =	shalt  }
0x48: {  	_ =	shalt  }
0x49: {  	_ =	shalt  }
0x4a: {  	_ =	shalt  }
0x4b: {  	_ =	shalt  }
0x4c: {  	_ =	shalt  }
0x4d: {  	_ =	shalt  }
0x4e: {  	_ =	shalt  }
0x4f: {  	_ =	shalt  }
0x50: {  	_ =	shalt  }
0x51: {  	_ =	shalt  }
0x52: {  	_ =	shalt  }
0x53: {  	_ =	shalt  }
0x54: {  	_ =	shalt  }
0x55: {  	_ =	shalt  }
0x56: {  	_ =	shalt  }
0x57: {  	_ =	shalt  }
0x58: {  	_ =	shalt  }
0x59: {  	_ =	shalt  }
0x5a: {  	_ =	shalt  }
0x5b: {  	_ =	shalt  }
0x5c: {  	_ =	shalt  }
0x5d: {  	_ =	shalt  }
0x5e: {  	_ =	shalt  }
0x5f: {  	_ =	shalt  }
0x60: {  	_ =	shalt  }
0x61: {  	_ =	shalt  }
0x62: {  	_ =	shalt  }
0x63: {  	_ =	shalt  }
0x64: {  	_ =	shalt  }
0x65: {  	_ =	shalt  }
0x66: {  	_ =	shalt  }
0x67: {  	_ =	shalt  }
0x68: {  	_ =	shalt  }
0x69: {  	_ =	shalt  }
0x6a: {  	_ =	shalt  }
0x6b: {  	_ =	shalt  }
0x6c: {  	_ =	shalt  }
0x6d: {  	_ =	shalt  }
0x6e: {  	_ =	shalt  }
0x6f: {  	_ =	shalt  }
0x70: {  	_ =	shalt  }
0x71: {  	_ =	shalt  }
0x72: {  	_ =	shalt  }
0x73: {  	_ =	shalt  }
0x74: {  	_ =	shalt  }
0x75: {  	_ =	shalt  }
0x76: {  	_ =	shalt  }
0x77: {  	_ =	shalt  }
0x78: {  	_ =	shalt  }
0x79: {  	_ =	shalt  }
0x7a: {  	_ =	shalt  }
0x7b: {  	_ =	shalt  }
0x7c: {  	_ =	shalt  }
0x7d: {  	_ =	shalt  }
0x7e: {  	_ =	shalt  }
0x7f: {  	_ =	shalt  }
0x80: {  	_ =	shalt  }
0x81: {  	_ =	shalt  }
0x82: {  	_ =	shalt  }
0x83: {  	_ =	shalt  }
0x84: {  	_ =	shalt  }
0x85: {  	_ =	shalt  }
0x86: {  	_ =	shalt  }
0x87: {  	_ =	shalt  }
.Lfunc_end0:
.L_simem_size_0:
called_computation.1_lowered:
.L_overlay_start_0:
0x88: {  	s2 =	sld [smem:$0x3FD9]  }
0x89: {  	s3 =	sld [smem:$0x3FFE];
	_ =	sdelay $0x1  }
0x8a: {  	s1 =	srdreg.scid  }
0x8b: {  	s0 =	sand.u32 $0x1, s1  }
0x8c: {  	s17 =	sshll.u32 s0, $0xA;
	s2 =	sadd.s32 s3, s2  }
0x8d: {  	s2 =	sadd.s32 s2, s17  }
0x8e: {  	[smem:$0x3FC4] =	sst s2  }
0x8f: {  	_ = 	snop  }
0x90: {  	s2 =	sld [smem:$0x3FD0];
	(tm) =	ssettm $0x1  }
0x91: {  	s18 =	sld [smem:$0x3FFB];
	_ =	sdelay $0x3  }
0x92: {  	_ =	strace s18  }
0x93: {  	s3 =	sld [smem:$0x3FFC];
	_ =	sdelay $0x3  }
0x94: {  	_ =	strace s3  }
0x95: {  	s3 =	sld [smem:$0x3FFD];
	_ =	sdelay $0x3  }
0x96: {  	_ =	strace s3  }
0x97: {  	_ =	strace $0x8FFFFFFF  }
0x98: {  	s19 =	sld [smem:$0x3FDB];
	_ =	sdelay $0x1  }
0x99: {  	s4 =	simm.s32 $_scs_section_size  }
0x9a: {  	s5 =	simm.s32 $_size__tile_overlayer_lowered;
	s6 =	simm.s32 $_tile_overlayer_lowered  }
0x9b: {  	s22 =	simm.s32 $0x1BFF;
	s21 =	sshll.u32 s6, $0x1;
	s3 =	sadd.s32 s4, s19  }
0x9c: {  	s7 =	simm.s32 $0x0;
	s20 =	sshll.u32 s5, $0x1;
	s5 =	sadd.s32 s21, s3  }
0x9d: {  	[timem:s7], [sflag:s22] =	dma.local [hbm:s5], s20  }
0x9e: {  	_ =	swait.ge [sflag:s22], s20  }
0x9f: {  	s4 =	ssub.s32 $0x0, s20;
	[sflag:s22] =	ssyncset.done $0x0  }
0xa0: {  	[sflag:s22] =	ssyncadd.s32 s4;
	_ =	sdelay $0x1  }
0xa1: {  	s23 =	simm.s32 $0x1B8B  }
0xa2: {  	_ =	swait.ge [sflag:s23], $0x1  }
0xa3: {  	[sflag:s23] =	ssyncset.done $0x0  }
0xa4: {  	s25 =	simm.s32 $0x1B8E;
	s24 =	sld [smem:$0x3FFE];
	[sflag:s23] =	ssyncadd.s32 $0xFFFFFFFF  }
0xa5: {  	s26 =	simm.s32 $execute0_lowered;
	[smem:$0x3FD2] =	sst s25  }
0xa6: {  	s5 =	sshll.u32 s26, $0x1;
	_ =	strace $0x80000049;
	[dreg:$0x1] =	wrdreg $0xFFFFFFFF  }
0xa7: {  	s28 =	simm.s32 $_size_execute0_lowered;
	s3 =	sadd.s32 s3, s5;
	[dreg:$0x0] =	wrdreg $0x0  }
0xa8: {  	s5 =	sshll.u32 s28, $0x1;
	[dreg:$0x2] =	wrdreg s3  }
0xa9: {  	[dreg:$0x3] =	wrdreg s5  }
0xaa: {  	[dreg:$0x4] =	wrdreg $0xC0  }
0xab: {  	_ =	task [dreg:s7], $0x5FFFF  }
0xac: {  	[dreg:$0x1] =	wrdreg $0xFFFFFFFF  }
0xad: {  	[dreg:$0x0] =	wrdreg $0x60  }
0xae: {  	[dreg:$0x2] =	wrdreg s24  }
0xaf: {  	[dreg:$0x3] =	wrdreg s2  }
0xb0: {  	[dreg:$0x4] =	wrdreg $0x9  }
0xb1: {  	_ =	task.clear_ibuf [dreg:s7], $0x5FFFF;
	_ =	strace $0x90000049  }
0xb2: {  	s29 =	simm.s32 $0x9;
	_ =	strace $0x8000004B  }
0xb3: {  	_ =	swait.ge [sflag:s29], $0x1  }
0xb4: {  	[sflag:s29] =	ssyncadd.s32 $0xFFFFFFFF  }
0xb5: {  	_ =	strace $0x9000004B  }
0xb6: {  	_ =	sfence  }
0xb7: {  	s30 =	sld [smem:$0x0];
	_ =	sdelay $0x2  }
0xb8: {  	s31 =	sshll.u32 s1, $0xD;
	s1 =	sshrl.u32 s1, $0x2  }
0xb9: {  	s3 =	sand.u32 $0x4000, s31;
	s1 =	sadd.s32 s1, s30  }
0xba: {  	s0 =	sor.u32 s3, s0;
	s1 =	sshll.u32 s1, $0x11  }
0xbb: {  	s0 =	sor.u32 s1, s0  }
0xbc: {  	s0 =	sadd.s32 $0x8F2B, s0  }
0xbd: {  	[sflag:s0] =	ssyncadd.remote.s32 $0x1  }
0xbe: {  	_ =	sfence.sel $0xFFFF  }
0xbf: {  	[dreg:$0x0] =	wrdreg $0xFFFFFFFF;
	(pc) =	sbr.abs _section_cstart, $3  }
0xc0: {  	[dreg:$0x1] =	wrdreg $0xFFFFFFFF  }
0xc1: {  	_ =	task.clear_ibuf [dreg:s7], $0x2FFFF;
	_ =	strace $0x9FFFFFFF  }
0xc2: {  	(tm) =	ssettm $0x7FFFFFFF  }
0xc3: {  	_ =	shalt  }
tec
execute0_lowered:
.L_overlay_start_1:
0x0: {  	(tag) =	ssettag $0x1  }
0x1: {  	s7 =	rddreg [dreg:$0x0]  }
0x2: {  	s1 =	rddreg [dreg:$0x1]  }
0x3: {  	s0 =	rddreg [dreg:$0x2];
	s2 =	simm.s32 $0x0  }
0x4: {  	s5 =	srdreg.scid;
	s3 =	stileid.u32;
	s11 =	simm.s32 $0x1  }
0x5: {  	s12 =	simm.s32 $0x6800;
	s13 =	simm.s32 $0x80;
	s14 =	simm.s32 $0x400  }
0x6: {  	s15 =	simm.s32 $0x6880;
	s16 =	simm.s32 $0x0;
	[smem:$0x7FF] =	sst s2  }
0x7: {  	s4 =	sadd.s32 $0xEAC00, s7;
	s5 =	sand.u32 $0x1, s5;
	s6 =	sshll.u32 s3, $0x4  }
0x8: {  	_ =	strace $0x8000004A;
	s8 =	ssub.s32 $0x2, s5;
	s9 =	sshll.u32 s5, $0x3  }
0x9: {  	s5 =	sadd.s32 $0xC00, s7;
	s10 =	sshrl.u32 s8, $0x1;
	s6 =	sor.u32 s9, s6  }
0xa: {  	s7 =	sadd.s32 $0x1400, s7;
	s30 =	ssub.s32 s8, s10;
	s31 =	sshrl.u32 s6, $0x3  }
0xb: {  	s10 =	simm.s32 $0x3400;
	s8 =	smul.u32 $0x1A000, s31;
	s9 =	smax.u32 s30, $0x1  }
.LBB2_1:
0xc: {  	[tilespmem:s10], [sflag:$0x1] =	stream.linear.gather [hbm4b:s5+s2], $0x3400, $0x38;
	[tilespmem:$0x6900] =	vst v63  }
0xd: {  	_ =	swait.ge [sflag:s11], $0x3400  }
0xe: {  	[sflag:s11] =	ssyncset.done $0x0  }
0xf: {  	[sflag:s11] =	ssyncadd.s32 $0xFFFFCC00  }
0x10: {  	[tilespmem:s12], [sflag:$0x1] =	stream.linear.gather [hbm4b:s7+s2], $0x80, $0x38;
	[tilespmem:$0x6900] =	vst v63  }
0x11: {  	_ =	swait.ge [sflag:s11], $0x80  }
0x12: {  	[sflag:s11] =	ssyncset.done $0x0  }
0x13: {  	s17 =	simm.s32 $0x0;
	[sflag:s11] =	ssyncadd.s32 $0xFFFFFF80  }
.LBB2_2:
0x14: {  	s18 =	sshll.u32 s17, $0x7  }
0x15: {  	s18 =	sadd.s32 s8, s18  }
0x16: {  	s18 =	sshrl.u32 s18, $0x3  }
0x17: {  	s18 =	sadd.s32 s4, s18  }
0x18: {  	[tilespmem:s2], [sflag:$0x1] =	stream.strided.gather [hbm4b:s18+s13], $0x3400, s14, s13, $0x38;
	[tilespmem:$0x6900] =	vst v63  }
0x19: {  	s18 =	simm.s32 $0x1  }
0x1a: {  	_ =	swait.ge [sflag:s18], $0x3400  }
0x1b: {  	[sflag:s18] =	ssyncset.done $0x0  }
0x1c: {  	[sflag:s18] =	ssyncadd.s32 $0xFFFFCC00  }
0x1d: {  	v0 =	vld [tilespmem:$0x6800];
	_ =	sdelay $0x4  }
0x1e: {  	s19 =	simm.s32 $0x10;
	s20 =	simm.s32 $0x200;
	[tilespmem:$0x6880] =	vst v0  }
.LBB2_3:
0x1f: {  	s21 =	simm.s32 $0x0;
	s22 =	sadd.s32 $0x0, s20  }
0x20: {  	s22 =	sand.u32 $0xFFFFFF80, s22;
	s21 =	sand.u32 $0x70, s21  }
0x21: {  	s21 =	sor.u32 s21, s22  }
0x22: {  	v1 =	vld [tilespmem:s21+$0x0]  }
0x23: {  	p0 =	sne.s32 s19, $0x10;
	v2 =	vld [tilespmem:s21+$0x3400]  }
.Ltmp0:
0x24: {  	_ = 	snop;
	(pc) =	sbr.rel @!p0 .LBB2_5-.Ltmp0, $2  }
0x25: {  	_ =	sdelay $0x2  }
0x26: {  	s21 =	simm.s32 $0x10;
	v1 =	vmul.f32 v1, v2  }
.LBB2_4:
0x27: {  	_ = 	snop  }
0x28: {  	s22 =	sadd.s32 s21, s20;
	v0 =	vadd.f32 v1, v0  }
0x29: {  	s23 =	sand.u32 $0x70, s21;
	s21 =	sadd.s32 $0x10, s21;
	s22 =	sand.u32 $0xFFFFFF80, s22  }
0x2a: {  	p0 =	sne.s32 s19, s21;
	s22 =	sor.u32 s23, s22;
	[tilespmem:$0x6880] =	vst v0  }
0x2b: {  	v1 =	vld [tilespmem:s22+$0x0]  }
0x2c: {  	v2 =	vld [tilespmem:s22+$0x3400]  }
.Ltmp1:
0x2d: {  	(pc) =	sbr.rel @p0 .LBB2_4-.Ltmp1, $2  }
0x2e: {  	_ =	sdelay $0x2  }
0x2f: {  	v1 =	vmul.f32 v1, v2  }
.LBB2_5:
0x30: {  	s18 =	sadd.s32 $0x1, s18  }
0x31: {  	p0 =	sne.s32 s18, $0x1A  }
.Ltmp2:
0x32: {  	_ = 	snop;
	(pc) =	sbr.rel @p0 .LBB2_3-.Ltmp2, $3  }
0x33: {  	_ = 	snop  }
0x34: {  	v0 =	vadd.f32 v1, v0;
	_ =	sdelay $0x1  }
0x35: {  	s19 =	sadd.s32 $0x10, s19;
	s20 =	sadd.s32 $0x200, s20;
	[tilespmem:$0x6880] =	vst v0  }
0x36: {  	s18 =	sadd.s32 s6, s17;
	s17 =	sadd.s32 $0x1, s17  }
0x37: {  	s18 =	sshll.u32 s18, $0x1;
	p0 =	sne.s32 s17, $0x8  }
.Ltmp3:
0x38: {  	s18 =	sadd.s32 s1, s18;
	(pc) =	sbr.rel @p0 .LBB2_2-.Ltmp3, $4  }
0x39: {  	[hbm4b:s18+s2] =	stream.linear.scatter [tilespmem:s15], [sflag:$0x1], $0x10, $0x38;
	[tilespmem:$0x6900] =	vst v63  }
0x3a: {  	_ =	swait.ge [sflag:s11], $0x10  }
0x3b: {  	[sflag:s11] =	ssyncset.done $0x0  }
0x3c: {  	[sflag:s11] =	ssyncadd.s32 $0xFFFFFFF0  }
0x3d: {  	s16 =	sadd.s32 $0x1, s16  }
0x3e: {  	p0 =	sne.s32 s16, s9  }
.Ltmp4:
0x3f: {  	_ = 	snop;
	(pc) =	sbr.rel @p0 .LBB2_1-.Ltmp4, $1  }
0x40: {  	_ =	sdelay $0x3  }
0x41: {  	_ =	sfence.sel $0x180000  }
0x42: {  	[bflag:$0x0] =	sbarrier.arrive $0xFFFF  }
0x43: {  	p0 =	sne.s32 s3, $0x0;
	_ =	strace $0x9000004A  }
0x44: {  	s0 =	sadd.s32 @!p0 $0x100000, s0;
	[bflag:$0x2] =	sbarrier.arrive $0xFFFF  }
0x45: {  	[sflag:s0] =	ssyncadd.tile.s32 @!p0 $0x1;
	_ =	shalt  }
.Lfunc_end2:
_tile_overlayer_lowered:
.L_overlay_start_2:
0x46: {  	(tag) =	ssettag $0x2  }
0x47: {  	s0 =	rddreg [dreg:$0x0];
	s2 =	stileid.u32  }
0x48: {  	s1 =	rddreg [dreg:$0x1];
	p0 =	sne.s32 s2, $0x0  }
0x49: {  	s3 =	rddreg [dreg:$0x2];
	[bflag:$0x3] =	sbarrier.arrive $0xFFFF;
	s2 =	simm.s32 @!p0 $0x1C01  }
0x4a: {  	[timem:s3], [sflag:s2] =	dma.local @!p0 [hbm:s0], s1  }
0x4b: {  	s0 =	simm.s32 @!p0 $0x1  }
0x4c: {  	_ =	swait.ge @!p0 [sflag:s0], s1  }
0x4d: {  	s1 =	ssub.s32 @!p0 $0x0, s1;
	[sflag:s0] =	ssyncset.done @!p0 $0x0  }
0x4e: {  	[sflag:s0] =	ssyncadd.s32 @!p0 s1  }
0x4f: {  	[bflag:$0x3] =	sbarrier.arrive $0xFFFF  }
0x50: {  	_ =	shalt  }

</sc_bundles>
